<compile_context>
chip_gen: v7x
topology: tpu7x:2x2x1
jax: 0.10.2.dev20260603
libtpu: 0.0.44.dev20260713+nightly
codegen_flags: <defaults>
</compile_context>

<pallas_src>
import functools

import jax
import jax.numpy as jnp
from jax import lax
from jax.experimental import pallas as pl
from jax.experimental.pallas import tpu as pltpu
from jax.experimental.pallas import tpu_sc as plsc

_N = 320000
_D = 128
_C = 1000
_CPAD = 1024
_NC = 2
_NS = 16
_NW = _NC * _NS
_RPW = _N // _NW
_CHUNK = 400
_SUB = 80
_NSUB = _CHUNK // _SUB
_NCHUNK = _RPW // _CHUNK


def _sc_segsum(x_hbm, t_hbm, z128_hbm,
               s_out, cnt_out, ss_out,
               x_buf, idx_buf, x_buf2, idx_buf2, ones_buf, ss_buf,
               cnt1d_buf, acc_s, acc_cnt, sem_a, sem_b, sem_s):
    cid = lax.axis_index("c")
    sid = lax.axis_index("s")
    wid = sid * _NC + cid
    base = wid * _RPW

    zero = jnp.zeros((16,), jnp.float32)
    one = jnp.ones((16,), jnp.float32)

    def start_fetch(k, xb, ib, sem):
        row0 = base + k * _CHUNK
        h = _CHUNK // 2
        pltpu.async_copy(x_hbm.at[pl.ds(row0, h)], xb.at[pl.ds(0, h)], sem)
        pltpu.async_copy(x_hbm.at[pl.ds(row0 + h, h)],
                         xb.at[pl.ds(h, h)], sem)
        for g in range(_NSUB):
            pltpu.async_copy(
                t_hbm.at[pl.ds(row0 + g * _SUB, _SUB)], ib.at[g], sem)

    def wait_fetch(k, xb, ib, sem):
        row0 = base + k * _CHUNK
        pltpu.make_async_copy(x_hbm.at[pl.ds(row0, _CHUNK)], xb, sem).wait()
        for g in range(_NSUB):
            pltpu.make_async_copy(
                t_hbm.at[pl.ds(row0 + g * _SUB, _SUB)], ib.at[g], sem).wait()

    start_fetch(0, x_buf, idx_buf, sem_a)

    for g in range(_SUB // 16):
        ones_buf[pl.ds(g * 16, 16)] = one
    for g in range(4):
        cnt1d_buf[pl.ds(g * 16, 16)] = zero

    pltpu.sync_copy(z128_hbm, acc_s.at[pl.ds(sid * 64, 64)])
    pltpu.sync_copy(cnt1d_buf, acc_cnt.at[pl.ds(sid * 64, 64)])
    plsc.subcore_barrier()

    def sumsq_rows(xb, acc):
        def row_body(r, a):
            vs = []
            for j in range(8):
                v = xb[r, pl.ds(j * 16, 16)]
                vs.append(a[j] + v * v)
            return tuple(vs)

        return lax.fori_loop(0, _CHUNK, row_body, acc)

    def start_scatter(xb, ib):
        ds = []
        for g in range(_NSUB):
            ds.append(pltpu.async_copy(
                xb.at[pl.ds(g * _SUB, _SUB)], acc_s.at[ib.at[g]],
                sem_s, add=True))
            ds.append(pltpu.async_copy(
                ones_buf, acc_cnt.at[ib.at[g]], sem_s, add=True))
        return ds

    def pipe_body(i, acc):
        c0 = 2 * i
        wait_fetch(c0, x_buf, idx_buf, sem_a)
        start_fetch(c0 + 1, x_buf2, idx_buf2, sem_b)
        ds = start_scatter(x_buf, idx_buf)
        acc = sumsq_rows(x_buf, acc)
        for d in ds:
            d.wait()
        wait_fetch(c0 + 1, x_buf2, idx_buf2, sem_b)
        start_fetch(c0 + 2, x_buf, idx_buf, sem_a)
        ds = start_scatter(x_buf2, idx_buf2)
        acc = sumsq_rows(x_buf2, acc)
        for d in ds:
            d.wait()
        return acc

    acc = lax.fori_loop(0, (_NCHUNK - 1) // 2, pipe_body, (zero,) * 8)

    wait_fetch(_NCHUNK - 1, x_buf, idx_buf, sem_a)
    ds = start_scatter(x_buf, idx_buf)
    acc = sumsq_rows(x_buf, acc)
    for d in ds:
        d.wait()
    tot = ((acc[0] + acc[1]) + (acc[2] + acc[3])) + \
          ((acc[4] + acc[5]) + (acc[6] + acc[7]))
    ss_buf[...] = tot
    pltpu.sync_copy(ss_buf, ss_out.at[pl.ds(wid * 16, 16)])

    plsc.subcore_barrier()
    pltpu.sync_copy(acc_s.at[pl.ds(sid * 64, 64)],
                    s_out.at[cid, pl.ds(sid * 64, 64)])
    pltpu.sync_copy(acc_cnt.at[pl.ds(sid * 64, 64)], cnt1d_buf)
    pltpu.sync_copy(cnt1d_buf,
                    cnt_out.at[pl.ds(cid * _CPAD + sid * 64, 64)])


def _gram_kernel(centers_ref, dists_ref, cn_ref):
    mu = centers_ref[...]
    c = mu.shape[0]
    g = lax.dot_general(
        mu, mu, (((1,), (1,)), ((), ())), preferred_element_type=jnp.float32
    )
    ii = lax.broadcasted_iota(jnp.int32, (c, c), 0)
    jj = lax.broadcasted_iota(jnp.int32, (c, c), 1)
    eye = ii == jj
    cn_row = jnp.sum(jnp.where(eye, g, 0.0), axis=0, keepdims=True)
    cn_col = jnp.sum(jnp.where(eye, g, 0.0), axis=1, keepdims=True)
    dists_ref[...] = jnp.clip(cn_col + cn_row - 2.0 * g, 0.0, None)
    cn_ref[...] = cn_row


def _combine_kernel(centers_ref, dists_ref, cn_ref, s_ref, cnt_ref, ss_ref,
                    out_ref):
    mu = centers_ref[...]
    c = mu.shape[0]
    s = (s_ref[0] + s_ref[1])[:c, :]
    cnt_row = (cnt_ref[0:1, :] + cnt_ref[1:2, :])[:, :c]
    cn_row = cn_ref[...]
    sumsq = jnp.sum(ss_ref[...])
    n_known = jnp.sum(cnt_row)

    cross = jnp.sum(cnt_row * cn_row)
    dot_term = jnp.sum(s * mu)
    intra = (sumsq + cross - 2.0 * dot_term) / n_known

    ii = lax.broadcasted_iota(jnp.int32, (c, c), 0)
    jj = lax.broadcasted_iota(jnp.int32, (c, c), 1)
    eye = ii == jj
    cnt_col = jnp.sum(
        jnp.where(eye, jnp.broadcast_to(cnt_row, (c, c)), 0.0),
        axis=1, keepdims=True)
    mask = (cnt_col > 0.0) & (cnt_row > 0.0) & ~eye
    dists = jnp.where(mask, dists_ref[...], 1e24)
    m = jnp.min(dists)
    out_ref[...] = jnp.broadcast_to(intra - m, (1, 1))


@functools.partial(
    pl.kernel,
    out_type=(
        jax.ShapeDtypeStruct((_NC, _CPAD, _D), jnp.float32),
        jax.ShapeDtypeStruct((_NC * _CPAD,), jnp.float32),
        jax.ShapeDtypeStruct((_NW * 16,), jnp.float32),
    ),
    mesh=plsc.VectorSubcoreMesh(core_axis_name="c", subcore_axis_name="s"),
    scratch_types=[
        pltpu.VMEM((_CHUNK, _D), jnp.float32),
        pltpu.VMEM((_NSUB, _SUB), jnp.int32),
        pltpu.VMEM((_CHUNK, _D), jnp.float32),
        pltpu.VMEM((_NSUB, _SUB), jnp.int32),
        pltpu.VMEM((_SUB,), jnp.float32),
        pltpu.VMEM((16,), jnp.float32),
        pltpu.VMEM((64,), jnp.float32),
        pltpu.VMEM_SHARED((_CPAD, _D), jnp.float32),
        pltpu.VMEM_SHARED((_CPAD,), jnp.float32),
        pltpu.SemaphoreType.DMA,
        pltpu.SemaphoreType.DMA,
        pltpu.SemaphoreType.DMA,
    ],
)
def _sc_call(x, t, z128, s_out, cnt_out, ss_out,
             x_buf, idx_buf, x_buf2, idx_buf2, ones_buf, ss_buf,
             cnt1d_buf, acc_s, acc_cnt, sem_a, sem_b, sem_s):
    _sc_segsum(x, t, z128, s_out, cnt_out, ss_out,
               x_buf, idx_buf, x_buf2, idx_buf2, ones_buf, ss_buf,
               cnt1d_buf, acc_s, acc_cnt, sem_a, sem_b, sem_s)


def kernel(x, target, centers):
    n, d = x.shape
    c, _ = centers.shape
    assert (n, d, c) == (_N, _D, _C)

    z128 = jnp.zeros((64, _D), jnp.float32)
    dists, cn = pl.pallas_call(
        _gram_kernel,
        out_shape=[
            jax.ShapeDtypeStruct((_C, _C), jnp.float32),
            jax.ShapeDtypeStruct((1, _C), jnp.float32),
        ],
    )(centers)
    s2, cnt1d, ss1d = _sc_call(x, target, z128)

    out = pl.pallas_call(
        _combine_kernel,
        out_shape=jax.ShapeDtypeStruct((1, 1), jnp.float32),
    )(centers, dists, cn, s2, cnt1d.reshape(_NC, _CPAD), ss1d)
    return out[0, 0]

# --- scband reference (transcript-rebuilt; emitter-appended) ---
"""Pipeline reference for scband-iiloss-49993419325465 (READ-ONLY COPY).

The authoritative reference and input builder live on the scoring server;
editing this copy changes nothing except your own understanding.
"""

import jax, jax.numpy as jnp
import numpy as np

N_CLASSES = 1000
N_EMBEDDING = 128
N = 320000
ALPHA = 1.0


def _pairwise_distances(x, y):
    # squared euclidean pairwise distances, clamped at 0 (matches pytorch-ood pairwise_distances)
    x_norm = jnp.sum(x ** 2, axis=1)[:, None]
    y_norm = jnp.sum(y ** 2, axis=1)[None, :]
    dist = x_norm + y_norm - 2.0 * (x @ y.T)
    return jnp.clip(dist, 0.0, None)


def setup_inputs(seed: int = 0) -> dict:
    key = jax.random.key(seed)
    k1, k2, k3 = jax.random.split(key, 3)
    x = jax.random.normal(k1, (N, N_EMBEDDING), dtype=jnp.float32)
    target = jax.random.randint(k2, (N,), 0, N_CLASSES, dtype=jnp.int32)
    # learned/running class centers (eval-mode running_centers.centers)
    centers = jax.random.normal(k3, (N_CLASSES, N_EMBEDDING), dtype=jnp.float32)
    return {"x": x, "target": target, "centers": centers}


def reference(x, target, centers):
    # known = is_known(target): labels >= 0 are known
    known = target >= 0
    t_safe = jnp.where(known, target, 0)
    mu = centers  # eval mode: running centers, no update

    # intra-class spread: sum over classes of squared frobenius norm of (class_x - mu[c])
    # == segment-sum of per-sample squared distance to its class center
    d2 = jnp.sum((x - mu[t_safe]) ** 2, axis=1)
    d2 = jnp.where(known, d2, 0.0)
    spreads = jax.ops.segment_sum(d2, t_safe, num_segments=N_CLASSES)
    n_known = jnp.sum(known)
    intra_spread = jnp.sum(spreads) / n_known

    # inter-class separation over classes present in the batch
    class_counts = jnp.zeros((N_CLASSES,), dtype=jnp.int32).at[t_safe].add(
        known.astype(jnp.int32)
    )
    present = class_counts > 0
    dists = _pairwise_distances(mu, mu)
    eye = jnp.eye(N_CLASSES, dtype=bool)
    pair_mask = present[:, None] & present[None, :] & ~eye
    dists = jnp.where(pair_mask, dists, 1e24)
    inter_separation = -jnp.min(dists)

    return intra_spread + ALPHA * inter_separation

if __name__ == "__main__":
    import jax
    _d = setup_inputs()
    print(jax.jit(kernel)(*tuple(_d.values())))

</pallas_src>

<mosaic_0001>
#map = affine_map<(d0, d1) -> (0, 0)>
#map1 = affine_map<(d0, d1) -> (0)>
#map2 = affine_map<(d0, d1) -> (0, 0, 0)>
module attributes {stable_mosaic.version = 14 : i64} {
  func.func @_sc_call(%arg0: i32, %arg1: i32, %arg2: memref<320000x128xf32, #tpu.memory_space<hbm>>, %arg3: memref<320000xi32, #tpu.memory_space<hbm>>, %arg4: memref<64x128xf32, #tpu.memory_space<hbm>>, %arg5: memref<2x1024x128xf32, #tpu.memory_space<hbm>>, %arg6: memref<2048xf32, #tpu.memory_space<hbm>>, %arg7: memref<512xf32, #tpu.memory_space<hbm>>, %arg8: memref<400x128xf32, #tpu.memory_space<vmem>>, %arg9: memref<5x80xi32, #tpu.memory_space<vmem>>, %arg10: memref<400x128xf32, #tpu.memory_space<vmem>>, %arg11: memref<5x80xi32, #tpu.memory_space<vmem>>, %arg12: memref<80xf32, #tpu.memory_space<vmem>>, %arg13: memref<16xf32, #tpu.memory_space<vmem>>, %arg14: memref<64xf32, #tpu.memory_space<vmem>>, %arg15: memref<1024x128xf32, #tpu.memory_space<vmem_shared>>, %arg16: memref<1024xf32, #tpu.memory_space<vmem_shared>>, %arg17: memref<!tpu.dma_semaphore, #tpu.memory_space<semaphore_mem>>, %arg18: memref<!tpu.dma_semaphore, #tpu.memory_space<semaphore_mem>>, %arg19: memref<!tpu.dma_semaphore, #tpu.memory_space<semaphore_mem>>) attributes {dimension_semantics = [#tpu.dimension_semantics<core_parallel>, #tpu.dimension_semantics<subcore_parallel>], iteration_bounds = array<i64: 2, 16>, scalar_prefetch = 0 : i64, scratch_operands = 12 : i64, tpu.core_type = #tpu.core_type<sc_vector_subcore>, window_params = [{transform_indices = #map}, {transform_indices = #map1}, {transform_indices = #map}, {transform_indices = #map2}, {transform_indices = #map1}, {transform_indices = #map1}]} {
    %mul3A = arith.constant 2 : i32
    %mul3A_0 = arith.muli %arg1, %mul3A : i32
    %add3A = arith.addi %mul3A_0, %arg0 : i32
    %mul3A_1 = arith.constant 10000 : i32
    %mul3A_2 = arith.muli %add3A, %mul3A_1 : i32
    %broadcast_in_dim3A = arith.constant 0.000000e+00 : f32
    %broadcast_in_dim3A_3 = vector.broadcast %broadcast_in_dim3A : f32 to vector<16xf32>
    %broadcast_in_dim3A_4 = arith.constant 1.000000e+00 : f32
    %broadcast_in_dim3A_5 = vector.broadcast %broadcast_in_dim3A_4 : f32 to vector<16xf32>
    %add3A_6 = arith.constant 0 : i32
    %add3A_7 = arith.addi %mul3A_2, %add3A_6 : i32
    %dma_start3A = arith.constant 0 : i32
    %dma_start3A_8 = arith.constant 0 : i32
    %dma_start3A_9 = tpu.memref_slice %arg8[%dma_start3A, %dma_start3A_8] : memref<400x128xf32, #tpu.memory_space<vmem>> -> memref<200x128xf32, #tpu.memory_space<vmem>>
    %dma_start3A_10 = arith.constant 0 : i32
    %dma_start3A_11 = tpu.memref_slice %arg2[%add3A_7, %dma_start3A_10] : memref<320000x128xf32, #tpu.memory_space<hbm>> -> memref<200x128xf32, #tpu.memory_space<hbm>>
    %dma_start3A_12 = arith.constant 0 : i32
    %dma_start3A_13 = arith.constant 0 : i32
    %dma_start3A_14 = tpu.memref_slice %arg8[%dma_start3A_12, %dma_start3A_13] : memref<400x128xf32, #tpu.memory_space<vmem>> -> memref<200x128xf32, #tpu.memory_space<vmem>>
    %dma_start3A_15 = arith.constant 0 : i32
    %dma_start3A_16 = tpu.memref_slice %arg2[%add3A_7, %dma_start3A_15] : memref<320000x128xf32, #tpu.memory_space<hbm>> -> memref<200x128xf32, #tpu.memory_space<hbm>>
    tpu.enqueue_dma source(%dma_start3A_16 : memref<200x128xf32, #tpu.memory_space<hbm>>) target(%dma_start3A_14 : memref<200x128xf32, #tpu.memory_space<vmem>>) target_semaphore(%arg17 : memref<!tpu.dma_semaphore, #tpu.memory_space<semaphore_mem>>)
    %add3A_17 = arith.constant 200 : i32
    %add3A_18 = arith.addi %add3A_7, %add3A_17 : i32
    %dma_start3A_19 = arith.constant 200 : i32
    %dma_start3A_20 = arith.constant 0 : i32
    %dma_start3A_21 = tpu.memref_slice %arg8[%dma_start3A_19, %dma_start3A_20] : memref<400x128xf32, #tpu.memory_space<vmem>> -> memref<200x128xf32, #tpu.memory_space<vmem>>
    %dma_start3A_22 = arith.constant 0 : i32
    %dma_start3A_23 = tpu.memref_slice %arg2[%add3A_18, %dma_start3A_22] : memref<320000x128xf32, #tpu.memory_space<hbm>> -> memref<200x128xf32, #tpu.memory_space<hbm>>
    %dma_start3A_24 = arith.constant 200 : i32
    %dma_start3A_25 = arith.constant 0 : i32
    %dma_start3A_26 = tpu.memref_slice %arg8[%dma_start3A_24, %dma_start3A_25] : memref<400x128xf32, #tpu.memory_space<vmem>> -> memref<200x128xf32, #tpu.memory_space<vmem>>
    %dma_start3A_27 = arith.constant 0 : i32
    %dma_start3A_28 = tpu.memref_slice %arg2[%add3A_18, %dma_start3A_27] : memref<320000x128xf32, #tpu.memory_space<hbm>> -> memref<200x128xf32, #tpu.memory_space<hbm>>
    tpu.enqueue_dma source(%dma_start3A_28 : memref<200x128xf32, #tpu.memory_space<hbm>>) target(%dma_start3A_26 : memref<200x128xf32, #tpu.memory_space<vmem>>) target_semaphore(%arg17 : memref<!tpu.dma_semaphore, #tpu.memory_space<semaphore_mem>>)
    %add3A_29 = arith.constant 0 : i32
    %add3A_30 = arith.addi %add3A_7, %add3A_29 : i32
    %dma_start3A_31 = arith.constant 0 : i32
    %dma_start3A_32 = arith.constant 0 : i32
    %dma_start3A_33 = tpu.memref_slice %arg9[%dma_start3A_31, %dma_start3A_32] : memref<5x80xi32, #tpu.memory_space<vmem>> -> memref<1x80xi32, #tpu.memory_space<vmem>>
    %dma_start3A_34 = tpu.memref_squeeze %dma_start3A_33 : memref<1x80xi32, #tpu.memory_space<vmem>> -> memref<80xi32, #tpu.memory_space<vmem>>
    %dma_start3A_35 = tpu.memref_slice %arg3[%add3A_30] : memref<320000xi32, #tpu.memory_space<hbm>> -> memref<80xi32, #tpu.memory_space<hbm>>
    %dma_start3A_36 = arith.constant 0 : i32
    %dma_start3A_37 = tpu.memref_slice %arg9[%dma_start3A_31, %dma_start3A_36] : memref<5x80xi32, #tpu.memory_space<vmem>> -> memref<1x80xi32, #tpu.memory_space<vmem>>
    %dma_start3A_38 = tpu.memref_squeeze %dma_start3A_37 : memref<1x80xi32, #tpu.memory_space<vmem>> -> memref<80xi32, #tpu.memory_space<vmem>>
    %dma_start3A_39 = tpu.memref_slice %arg3[%add3A_30] : memref<320000xi32, #tpu.memory_space<hbm>> -> memref<80xi32, #tpu.memory_space<hbm>>
    tpu.enqueue_dma source(%dma_start3A_39 : memref<80xi32, #tpu.memory_space<hbm>>) target(%dma_start3A_38 : memref<80xi32, #tpu.memory_space<vmem>>) target_semaphore(%arg17 : memref<!tpu.dma_semaphore, #tpu.memory_space<semaphore_mem>>)
    %add3A_40 = arith.constant 80 : i32
    %add3A_41 = arith.addi %add3A_7, %add3A_40 : i32
    %dma_start3A_42 = arith.constant 1 : i32
    %dma_start3A_43 = arith.constant 0 : i32
    %dma_start3A_44 = tpu.memref_slice %arg9[%dma_start3A_42, %dma_start3A_43] : memref<5x80xi32, #tpu.memory_space<vmem>> -> memref<1x80xi32, #tpu.memory_space<vmem>>
    %dma_start3A_45 = tpu.memref_squeeze %dma_start3A_44 : memref<1x80xi32, #tpu.memory_space<vmem>> -> memref<80xi32, #tpu.memory_space<vmem>>
    %dma_start3A_46 = tpu.memref_slice %arg3[%add3A_41] : memref<320000xi32, #tpu.memory_space<hbm>> -> memref<80xi32, #tpu.memory_space<hbm>>
    %dma_start3A_47 = arith.constant 0 : i32
    %dma_start3A_48 = tpu.memref_slice %arg9[%dma_start3A_42, %dma_start3A_47] : memref<5x80xi32, #tpu.memory_space<vmem>> -> memref<1x80xi32, #tpu.memory_space<vmem>>
    %dma_start3A_49 = tpu.memref_squeeze %dma_start3A_48 : memref<1x80xi32, #tpu.memory_space<vmem>> -> memref<80xi32, #tpu.memory_space<vmem>>
    %dma_start3A_50 = tpu.memref_slice %arg3[%add3A_41] : memref<320000xi32, #tpu.memory_space<hbm>> -> memref<80xi32, #tpu.memory_space<hbm>>
    tpu.enqueue_dma source(%dma_start3A_50 : memref<80xi32, #tpu.memory_space<hbm>>) target(%dma_start3A_49 : memref<80xi32, #tpu.memory_space<vmem>>) target_semaphore(%arg17 : memref<!tpu.dma_semaphore, #tpu.memory_space<semaphore_mem>>)
    %add3A_51 = arith.constant 160 : i32
    %add3A_52 = arith.addi %add3A_7, %add3A_51 : i32
    %dma_start3A_53 = arith.constant 2 : i32
    %dma_start3A_54 = arith.constant 0 : i32
    %dma_start3A_55 = tpu.memref_slice %arg9[%dma_start3A_53, %dma_start3A_54] : memref<5x80xi32, #tpu.memory_space<vmem>> -> memref<1x80xi32, #tpu.memory_space<vmem>>
    %dma_start3A_56 = tpu.memref_squeeze %dma_start3A_55 : memref<1x80xi32, #tpu.memory_space<vmem>> -> memref<80xi32, #tpu.memory_space<vmem>>
    %dma_start3A_57 = tpu.memref_slice %arg3[%add3A_52] : memref<320000xi32, #tpu.memory_space<hbm>> -> memref<80xi32, #tpu.memory_space<hbm>>
    %dma_start3A_58 = arith.constant 0 : i32
    %dma_start3A_59 = tpu.memref_slice %arg9[%dma_start3A_53, %dma_start3A_58] : memref<5x80xi32, #tpu.memory_space<vmem>> -> memref<1x80xi32, #tpu.memory_space<vmem>>
    %dma_start3A_60 = tpu.memref_squeeze %dma_start3A_59 : memref<1x80xi32, #tpu.memory_space<vmem>> -> memref<80xi32, #tpu.memory_space<vmem>>
    %dma_start3A_61 = tpu.memref_slice %arg3[%add3A_52] : memref<320000xi32, #tpu.memory_space<hbm>> -> memref<80xi32, #tpu.memory_space<hbm>>
    tpu.enqueue_dma source(%dma_start3A_61 : memref<80xi32, #tpu.memory_space<hbm>>) target(%dma_start3A_60 : memref<80xi32, #tpu.memory_space<vmem>>) target_semaphore(%arg17 : memref<!tpu.dma_semaphore, #tpu.memory_space<semaphore_mem>>)
    %add3A_62 = arith.constant 240 : i32
    %add3A_63 = arith.addi %add3A_7, %add3A_62 : i32
    %dma_start3A_64 = arith.constant 3 : i32
    %dma_start3A_65 = arith.constant 0 : i32
    %dma_start3A_66 = tpu.memref_slice %arg9[%dma_start3A_64, %dma_start3A_65] : memref<5x80xi32, #tpu.memory_space<vmem>> -> memref<1x80xi32, #tpu.memory_space<vmem>>
    %dma_start3A_67 = tpu.memref_squeeze %dma_start3A_66 : memref<1x80xi32, #tpu.memory_space<vmem>> -> memref<80xi32, #tpu.memory_space<vmem>>
    %dma_start3A_68 = tpu.memref_slice %arg3[%add3A_63] : memref<320000xi32, #tpu.memory_space<hbm>> -> memref<80xi32, #tpu.memory_space<hbm>>
    %dma_start3A_69 = arith.constant 0 : i32
    %dma_start3A_70 = tpu.memref_slice %arg9[%dma_start3A_64, %dma_start3A_69] : memref<5x80xi32, #tpu.memory_space<vmem>> -> memref<1x80xi32, #tpu.memory_space<vmem>>
    %dma_start3A_71 = tpu.memref_squeeze %dma_start3A_70 : memref<1x80xi32, #tpu.memory_space<vmem>> -> memref<80xi32, #tpu.memory_space<vmem>>
    %dma_start3A_72 = tpu.memref_slice %arg3[%add3A_63] : memref<320000xi32, #tpu.memory_space<hbm>> -> memref<80xi32, #tpu.memory_space<hbm>>
    tpu.enqueue_dma source(%dma_start3A_72 : memref<80xi32, #tpu.memory_space<hbm>>) target(%dma_start3A_71 : memref<80xi32, #tpu.memory_space<vmem>>) target_semaphore(%arg17 : memref<!tpu.dma_semaphore, #tpu.memory_space<semaphore_mem>>)
    %add3A_73 = arith.constant 320 : i32
    %add3A_74 = arith.addi %add3A_7, %add3A_73 : i32
    %dma_start3A_75 = arith.constant 4 : i32
    %dma_start3A_76 = arith.constant 0 : i32
    %dma_start3A_77 = tpu.memref_slice %arg9[%dma_start3A_75, %dma_start3A_76] : memref<5x80xi32, #tpu.memory_space<vmem>> -> memref<1x80xi32, #tpu.memory_space<vmem>>
    %dma_start3A_78 = tpu.memref_squeeze %dma_start3A_77 : memref<1x80xi32, #tpu.memory_space<vmem>> -> memref<80xi32, #tpu.memory_space<vmem>>
    %dma_start3A_79 = tpu.memref_slice %arg3[%add3A_74] : memref<320000xi32, #tpu.memory_space<hbm>> -> memref<80xi32, #tpu.memory_space<hbm>>
    %dma_start3A_80 = arith.constant 0 : i32
    %dma_start3A_81 = tpu.memref_slice %arg9[%dma_start3A_75, %dma_start3A_80] : memref<5x80xi32, #tpu.memory_space<vmem>> -> memref<1x80xi32, #tpu.memory_space<vmem>>
    %dma_start3A_82 = tpu.memref_squeeze %dma_start3A_81 : memref<1x80xi32, #tpu.memory_space<vmem>> -> memref<80xi32, #tpu.memory_space<vmem>>
    %dma_start3A_83 = tpu.memref_slice %arg3[%add3A_74] : memref<320000xi32, #tpu.memory_space<hbm>> -> memref<80xi32, #tpu.memory_space<hbm>>
    tpu.enqueue_dma source(%dma_start3A_83 : memref<80xi32, #tpu.memory_space<hbm>>) target(%dma_start3A_82 : memref<80xi32, #tpu.memory_space<vmem>>) target_semaphore(%arg17 : memref<!tpu.dma_semaphore, #tpu.memory_space<semaphore_mem>>)
    %swap3A = arith.constant 0 : index
    %swap3A_84 = tpu.vector_load %arg12[%swap3A] {strides = array<i32>} : memref<80xf32, #tpu.memory_space<vmem>>, vector<16xf32>,
    %swap3A_85 = vector.shape_cast %swap3A_84 : vector<16xf32> to vector<16xf32>
    %swap3A_86 = vector.shape_cast %broadcast_in_dim3A_5 : vector<16xf32> to vector<16xf32>
    tpu.vector_store %arg12[%swap3A], %swap3A_86 {strides = array<i32>} : memref<80xf32, #tpu.memory_space<vmem>>, vector<16xf32>,
    %swap3A_87 = arith.constant 16 : index
    %swap3A_88 = tpu.vector_load %arg12[%swap3A_87] {strides = array<i32>} : memref<80xf32, #tpu.memory_space<vmem>>, vector<16xf32>,
    %swap3A_89 = vector.shape_cast %swap3A_88 : vector<16xf32> to vector<16xf32>
    %swap3A_90 = vector.shape_cast %broadcast_in_dim3A_5 : vector<16xf32> to vector<16xf32>
    tpu.vector_store %arg12[%swap3A_87], %swap3A_90 {strides = array<i32>} : memref<80xf32, #tpu.memory_space<vmem>>, vector<16xf32>,
    %swap3A_91 = arith.constant 32 : index
    %swap3A_92 = tpu.vector_load %arg12[%swap3A_91] {strides = array<i32>} : memref<80xf32, #tpu.memory_space<vmem>>, vector<16xf32>,
    %swap3A_93 = vector.shape_cast %swap3A_92 : vector<16xf32> to vector<16xf32>
    %swap3A_94 = vector.shape_cast %broadcast_in_dim3A_5 : vector<16xf32> to vector<16xf32>
    tpu.vector_store %arg12[%swap3A_91], %swap3A_94 {strides = array<i32>} : memref<80xf32, #tpu.memory_space<vmem>>, vector<16xf32>,
    %swap3A_95 = arith.constant 48 : index
    %swap3A_96 = tpu.vector_load %arg12[%swap3A_95] {strides = array<i32>} : memref<80xf32, #tpu.memory_space<vmem>>, vector<16xf32>,
    %swap3A_97 = vector.shape_cast %swap3A_96 : vector<16xf32> to vector<16xf32>
    %swap3A_98 = vector.shape_cast %broadcast_in_dim3A_5 : vector<16xf32> to vector<16xf32>
    tpu.vector_store %arg12[%swap3A_95], %swap3A_98 {strides = array<i32>} : memref<80xf32, #tpu.memory_space<vmem>>, vector<16xf32>,
    %swap3A_99 = arith.constant 64 : index
    %swap3A_100 = tpu.vector_load %arg12[%swap3A_99] {strides = array<i32>} : memref<80xf32, #tpu.memory_space<vmem>>, vector<16xf32>,
    %swap3A_101 = vector.shape_cast %swap3A_100 : vector<16xf32> to vector<16xf32>
    %swap3A_102 = vector.shape_cast %broadcast_in_dim3A_5 : vector<16xf32> to vector<16xf32>
    tpu.vector_store %arg12[%swap3A_99], %swap3A_102 {strides = array<i32>} : memref<80xf32, #tpu.memory_space<vmem>>, vector<16xf32>,
    %swap3A_103 = arith.constant 0 : index
    %swap3A_104 = tpu.vector_load %arg14[%swap3A_103] {strides = array<i32>} : memref<64xf32, #tpu.memory_space<vmem>>, vector<16xf32>,
    %swap3A_105 = vector.shape_cast %swap3A_104 : vector<16xf32> to vector<16xf32>
    %swap3A_106 = vector.shape_cast %broadcast_in_dim3A_3 : vector<16xf32> to vector<16xf32>
    tpu.vector_store %arg14[%swap3A_103], %swap3A_106 {strides = array<i32>} : memref<64xf32, #tpu.memory_space<vmem>>, vector<16xf32>,
    %swap3A_107 = arith.constant 16 : index
    %swap3A_108 = tpu.vector_load %arg14[%swap3A_107] {strides = array<i32>} : memref<64xf32, #tpu.memory_space<vmem>>, vector<16xf32>,
    %swap3A_109 = vector.shape_cast %swap3A_108 : vector<16xf32> to vector<16xf32>
    %swap3A_110 = vector.shape_cast %broadcast_in_dim3A_3 : vector<16xf32> to vector<16xf32>
    tpu.vector_store %arg14[%swap3A_107], %swap3A_110 {strides = array<i32>} : memref<64xf32, #tpu.memory_space<vmem>>, vector<16xf32>,
    %swap3A_111 = arith.constant 32 : index
    %swap3A_112 = tpu.vector_load %arg14[%swap3A_111] {strides = array<i32>} : memref<64xf32, #tpu.memory_space<vmem>>, vector<16xf32>,
    %swap3A_113 = vector.shape_cast %swap3A_112 : vector<16xf32> to vector<16xf32>
    %swap3A_114 = vector.shape_cast %broadcast_in_dim3A_3 : vector<16xf32> to vector<16xf32>
    tpu.vector_store %arg14[%swap3A_111], %swap3A_114 {strides = array<i32>} : memref<64xf32, #tpu.memory_space<vmem>>, vector<16xf32>,
    %swap3A_115 = arith.constant 48 : index
    %swap3A_116 = tpu.vector_load %arg14[%swap3A_115] {strides = array<i32>} : memref<64xf32, #tpu.memory_space<vmem>>, vector<16xf32>,
    %swap3A_117 = vector.shape_cast %swap3A_116 : vector<16xf32> to vector<16xf32>
    %swap3A_118 = vector.shape_cast %broadcast_in_dim3A_3 : vector<16xf32> to vector<16xf32>
    tpu.vector_store %arg14[%swap3A_115], %swap3A_118 {strides = array<i32>} : memref<64xf32, #tpu.memory_space<vmem>>, vector<16xf32>,
    %mul3A_119 = arith.constant 64 : i32
    %mul3A_120 = arith.muli %arg1, %mul3A_119 : i32
    "tpu.region"() ({
      %run_scoped3A = tpu.sem_alloc : memref<!tpu.dma_semaphore, #tpu.memory_space<semaphore_mem>>
      %dma_start3A_379 = arith.constant 0 : i32
      %dma_start3A_380 = tpu.memref_slice %arg15[%mul3A_120, %dma_start3A_379] : memref<1024x128xf32, #tpu.memory_space<vmem_shared>> -> memref<64x128xf32, #tpu.memory_space<vmem_shared>>
      tpu.enqueue_dma source(%arg4 : memref<64x128xf32, #tpu.memory_space<hbm>>) target(%dma_start3A_380 : memref<64x128xf32, #tpu.memory_space<vmem_shared>>) target_semaphore(%run_scoped3A : memref<!tpu.dma_semaphore, #tpu.memory_space<semaphore_mem>>)
      %dma_wait3A_381 = arith.constant 0 : i32
      %dma_wait3A_382 = tpu.memref_slice %arg15[%mul3A_120, %dma_wait3A_381] : memref<1024x128xf32, #tpu.memory_space<vmem_shared>> -> memref<64x128xf32, #tpu.memory_space<vmem_shared>>
      tpu.wait_dma2 semaphore(%run_scoped3A : memref<!tpu.dma_semaphore, #tpu.memory_space<semaphore_mem>>) src(%arg4 : memref<64x128xf32, #tpu.memory_space<hbm>>) dst(%dma_wait3A_382 : memref<64x128xf32, #tpu.memory_space<vmem_shared>>)
      tpu.yield
    }) : () -> ()
    %mul3A_121 = arith.constant 64 : i32
    %mul3A_122 = arith.muli %arg1, %mul3A_121 : i32
    "tpu.region"() ({
      %run_scoped3A = tpu.sem_alloc : memref<!tpu.dma_semaphore, #tpu.memory_space<semaphore_mem>>
      %dma_start3A_379 = tpu.memref_slice %arg16[%mul3A_122] : memref<1024xf32, #tpu.memory_space<vmem_shared>> -> memref<64xf32, #tpu.memory_space<vmem_shared>>
      %dma_start3A_380 = tpu.memref_slice %arg16[%mul3A_122] : memref<1024xf32, #tpu.memory_space<vmem_shared>> -> memref<64xf32, #tpu.memory_space<vmem_shared>>
      tpu.enqueue_dma source(%arg14 : memref<64xf32, #tpu.memory_space<vmem>>) target(%dma_start3A_380 : memref<64xf32, #tpu.memory_space<vmem_shared>>) target_semaphore(%run_scoped3A : memref<!tpu.dma_semaphore, #tpu.memory_space<semaphore_mem>>)
      %dma_wait3A_381 = tpu.memref_slice %arg16[%mul3A_122] : memref<1024xf32, #tpu.memory_space<vmem_shared>> -> memref<64xf32, #tpu.memory_space<vmem_shared>>
      %dma_wait3A_382 = tpu.memref_slice %arg16[%mul3A_122] : memref<1024xf32, #tpu.memory_space<vmem_shared>> -> memref<64xf32, #tpu.memory_space<vmem_shared>>
      tpu.wait_dma2 semaphore(%run_scoped3A : memref<!tpu.dma_semaphore, #tpu.memory_space<semaphore_mem>>) src(%arg14 : memref<64xf32, #tpu.memory_space<vmem>>) dst(%dma_wait3A_382 : memref<64xf32, #tpu.memory_space<vmem_shared>>)
      tpu.yield
    }) : () -> ()
    %barrier3A = arith.constant 0 : index
    tpu.barrier barrier_id(%barrier3A)
    %scan3A = arith.constant 0 : i32
    %scan3A_123 = arith.constant 12 : i32
    %scan3A_124 = arith.addi %scan3A, %scan3A_123 : i32
    %scan3A_125 = arith.constant 1 : i32
    %scan3A_126:8 = scf.for %scan3A_379 = %scan3A to %scan3A_124 step %scan3A_125 iter_args(%scan3A_380 = %broadcast_in_dim3A_3, %scan3A_381 = %broadcast_in_dim3A_3, %scan3A_382 = %broadcast_in_dim3A_3, %scan3A_383 = %broadcast_in_dim3A_3, %scan3A_384 = %broadcast_in_dim3A_3, %scan3A_385 = %broadcast_in_dim3A_3, %scan3A_386 = %broadcast_in_dim3A_3, %scan3A_387 = %broadcast_in_dim3A_3) -> (vector<16xf32>, vector<16xf32>, vector<16xf32>, vector<16xf32>, vector<16xf32>, vector<16xf32>, vector<16xf32>, vector<16xf32>)  : i32 {
      %mul3A_388 = arith.constant 2 : i32
      %mul3A_389 = arith.muli %mul3A_388, %scan3A_379 : i32
      %mul3A_390 = arith.constant 400 : i32
      %mul3A_391 = arith.muli %mul3A_389, %mul3A_390 : i32
      %add3A_392 = arith.addi %mul3A_2, %mul3A_391 : i32
      %dma_wait3A_393 = arith.constant 0 : i32
      %dma_wait3A_394 = tpu.memref_slice %arg2[%add3A_392, %dma_wait3A_393] : memref<320000x128xf32, #tpu.memory_space<hbm>> -> memref<400x128xf32, #tpu.memory_space<hbm>>
      %dma_wait3A_395 = arith.constant 0 : i32
      %dma_wait3A_396 = tpu.memref_slice %arg2[%add3A_392, %dma_wait3A_395] : memref<320000x128xf32, #tpu.memory_space<hbm>> -> memref<400x128xf32, #tpu.memory_space<hbm>>
      tpu.wait_dma2 semaphore(%arg17 : memref<!tpu.dma_semaphore, #tpu.memory_space<semaphore_mem>>) src(%dma_wait3A_396 : memref<400x128xf32, #tpu.memory_space<hbm>>) dst(%arg8 : memref<400x128xf32, #tpu.memory_space<vmem>>)
      %add3A_397 = arith.constant 0 : i32
      %add3A_398 = arith.addi %add3A_392, %add3A_397 : i32
      %dma_wait3A_399 = arith.constant 0 : i32
      %dma_wait3A_400 = arith.constant 0 : i32
      %dma_wait3A_401 = tpu.memref_slice %arg9[%dma_wait3A_399, %dma_wait3A_400] : memref<5x80xi32, #tpu.memory_space<vmem>> -> memref<1x80xi32, #tpu.memory_space<vmem>>
      %dma_wait3A_402 = tpu.memref_squeeze %dma_wait3A_401 : memref<1x80xi32, #tpu.memory_space<vmem>> -> memref<80xi32, #tpu.memory_space<vmem>>
      %dma_wait3A_403 = tpu.memref_slice %arg3[%add3A_398] : memref<320000xi32, #tpu.memory_space<hbm>> -> memref<80xi32, #tpu.memory_space<hbm>>
      %dma_wait3A_404 = arith.constant 0 : i32
      %dma_wait3A_405 = tpu.memref_slice %arg9[%dma_wait3A_399, %dma_wait3A_404] : memref<5x80xi32, #tpu.memory_space<vmem>> -> memref<1x80xi32, #tpu.memory_space<vmem>>
      %dma_wait3A_406 = tpu.memref_squeeze %dma_wait3A_405 : memref<1x80xi32, #tpu.memory_space<vmem>> -> memref<80xi32, #tpu.memory_space<vmem>>
      %dma_wait3A_407 = tpu.memref_slice %arg3[%add3A_398] : memref<320000xi32, #tpu.memory_space<hbm>> -> memref<80xi32, #tpu.memory_space<hbm>>
      tpu.wait_dma2 semaphore(%arg17 : memref<!tpu.dma_semaphore, #tpu.memory_space<semaphore_mem>>) src(%dma_wait3A_407 : memref<80xi32, #tpu.memory_space<hbm>>) dst(%dma_wait3A_406 : memref<80xi32, #tpu.memory_space<vmem>>)
      %add3A_408 = arith.constant 80 : i32
      %add3A_409 = arith.addi %add3A_392, %add3A_408 : i32
      %dma_wait3A_410 = arith.constant 1 : i32
      %dma_wait3A_411 = arith.constant 0 : i32
      %dma_wait3A_412 = tpu.memref_slice %arg9[%dma_wait3A_410, %dma_wait3A_411] : memref<5x80xi32, #tpu.memory_space<vmem>> -> memref<1x80xi32, #tpu.memory_space<vmem>>
      %dma_wait3A_413 = tpu.memref_squeeze %dma_wait3A_412 : memref<1x80xi32, #tpu.memory_space<vmem>> -> memref<80xi32, #tpu.memory_space<vmem>>
      %dma_wait3A_414 = tpu.memref_slice %arg3[%add3A_409] : memref<320000xi32, #tpu.memory_space<hbm>> -> memref<80xi32, #tpu.memory_space<hbm>>
      %dma_wait3A_415 = arith.constant 0 : i32
      %dma_wait3A_416 = tpu.memref_slice %arg9[%dma_wait3A_410, %dma_wait3A_415] : memref<5x80xi32, #tpu.memory_space<vmem>> -> memref<1x80xi32, #tpu.memory_space<vmem>>
      %dma_wait3A_417 = tpu.memref_squeeze %dma_wait3A_416 : memref<1x80xi32, #tpu.memory_space<vmem>> -> memref<80xi32, #tpu.memory_space<vmem>>
      %dma_wait3A_418 = tpu.memref_slice %arg3[%add3A_409] : memref<320000xi32, #tpu.memory_space<hbm>> -> memref<80xi32, #tpu.memory_space<hbm>>
      tpu.wait_dma2 semaphore(%arg17 : memref<!tpu.dma_semaphore, #tpu.memory_space<semaphore_mem>>) src(%dma_wait3A_418 : memref<80xi32, #tpu.memory_space<hbm>>) dst(%dma_wait3A_417 : memref<80xi32, #tpu.memory_space<vmem>>)
      %add3A_419 = arith.constant 160 : i32
      %add3A_420 = arith.addi %add3A_392, %add3A_419 : i32
      %dma_wait3A_421 = arith.constant 2 : i32
      %dma_wait3A_422 = arith.constant 0 : i32
      %dma_wait3A_423 = tpu.memref_slice %arg9[%dma_wait3A_421, %dma_wait3A_422] : memref<5x80xi32, #tpu.memory_space<vmem>> -> memref<1x80xi32, #tpu.memory_space<vmem>>
      %dma_wait3A_424 = tpu.memref_squeeze %dma_wait3A_423 : memref<1x80xi32, #tpu.memory_space<vmem>> -> memref<80xi32, #tpu.memory_space<vmem>>
      %dma_wait3A_425 = tpu.memref_slice %arg3[%add3A_420] : memref<320000xi32, #tpu.memory_space<hbm>> -> memref<80xi32, #tpu.memory_space<hbm>>
      %dma_wait3A_426 = arith.constant 0 : i32
      %dma_wait3A_427 = tpu.memref_slice %arg9[%dma_wait3A_421, %dma_wait3A_426] : memref<5x80xi32, #tpu.memory_space<vmem>> -> memref<1x80xi32, #tpu.memory_space<vmem>>
      %dma_wait3A_428 = tpu.memref_squeeze %dma_wait3A_427 : memref<1x80xi32, #tpu.memory_space<vmem>> -> memref<80xi32, #tpu.memory_space<vmem>>
      %dma_wait3A_429 = tpu.memref_slice %arg3[%add3A_420] : memref<320000xi32, #tpu.memory_space<hbm>> -> memref<80xi32, #tpu.memory_space<hbm>>
      tpu.wait_dma2 semaphore(%arg17 : memref<!tpu.dma_semaphore, #tpu.memory_space<semaphore_mem>>) src(%dma_wait3A_429 : memref<80xi32, #tpu.memory_space<hbm>>) dst(%dma_wait3A_428 : memref<80xi32, #tpu.memory_space<vmem>>)
      %add3A_430 = arith.constant 240 : i32
      %add3A_431 = arith.addi %add3A_392, %add3A_430 : i32
      %dma_wait3A_432 = arith.constant 3 : i32
      %dma_wait3A_433 = arith.constant 0 : i32
      %dma_wait3A_434 = tpu.memref_slice %arg9[%dma_wait3A_432, %dma_wait3A_433] : memref<5x80xi32, #tpu.memory_space<vmem>> -> memref<1x80xi32, #tpu.memory_space<vmem>>
      %dma_wait3A_435 = tpu.memref_squeeze %dma_wait3A_434 : memref<1x80xi32, #tpu.memory_space<vmem>> -> memref<80xi32, #tpu.memory_space<vmem>>
      %dma_wait3A_436 = tpu.memref_slice %arg3[%add3A_431] : memref<320000xi32, #tpu.memory_space<hbm>> -> memref<80xi32, #tpu.memory_space<hbm>>
      %dma_wait3A_437 = arith.constant 0 : i32
      %dma_wait3A_438 = tpu.memref_slice %arg9[%dma_wait3A_432, %dma_wait3A_437] : memref<5x80xi32, #tpu.memory_space<vmem>> -> memref<1x80xi32, #tpu.memory_space<vmem>>
      %dma_wait3A_439 = tpu.memref_squeeze %dma_wait3A_438 : memref<1x80xi32, #tpu.memory_space<vmem>> -> memref<80xi32, #tpu.memory_space<vmem>>
      %dma_wait3A_440 = tpu.memref_slice %arg3[%add3A_431] : memref<320000xi32, #tpu.memory_space<hbm>> -> memref<80xi32, #tpu.memory_space<hbm>>
      tpu.wait_dma2 semaphore(%arg17 : memref<!tpu.dma_semaphore, #tpu.memory_space<semaphore_mem>>) src(%dma_wait3A_440 : memref<80xi32, #tpu.memory_space<hbm>>) dst(%dma_wait3A_439 : memref<80xi32, #tpu.memory_space<vmem>>)
      %add3A_441 = arith.constant 320 : i32
      %add3A_442 = arith.addi %add3A_392, %add3A_441 : i32
      %dma_wait3A_443 = arith.constant 4 : i32
      %dma_wait3A_444 = arith.constant 0 : i32
      %dma_wait3A_445 = tpu.memref_slice %arg9[%dma_wait3A_443, %dma_wait3A_444] : memref<5x80xi32, #tpu.memory_space<vmem>> -> memref<1x80xi32, #tpu.memory_space<vmem>>
      %dma_wait3A_446 = tpu.memref_squeeze %dma_wait3A_445 : memref<1x80xi32, #tpu.memory_space<vmem>> -> memref<80xi32, #tpu.memory_space<vmem>>
      %dma_wait3A_447 = tpu.memref_slice %arg3[%add3A_442] : memref<320000xi32, #tpu.memory_space<hbm>> -> memref<80xi32, #tpu.memory_space<hbm>>
      %dma_wait3A_448 = arith.constant 0 : i32
      %dma_wait3A_449 = tpu.memref_slice %arg9[%dma_wait3A_443, %dma_wait3A_448] : memref<5x80xi32, #tpu.memory_space<vmem>> -> memref<1x80xi32, #tpu.memory_space<vmem>>
      %dma_wait3A_450 = tpu.memref_squeeze %dma_wait3A_449 : memref<1x80xi32, #tpu.memory_space<vmem>> -> memref<80xi32, #tpu.memory_space<vmem>>
      %dma_wait3A_451 = tpu.memref_slice %arg3[%add3A_442] : memref<320000xi32, #tpu.memory_space<hbm>> -> memref<80xi32, #tpu.memory_space<hbm>>
      tpu.wait_dma2 semaphore(%arg17 : memref<!tpu.dma_semaphore, #tpu.memory_space<semaphore_mem>>) src(%dma_wait3A_451 : memref<80xi32, #tpu.memory_space<hbm>>) dst(%dma_wait3A_450 : memref<80xi32, #tpu.memory_space<vmem>>)
      %add3A_452 = arith.constant 1 : i32
      %add3A_453 = arith.addi %mul3A_389, %add3A_452 : i32
      %mul3A_454 = arith.constant 400 : i32
      %mul3A_455 = arith.muli %add3A_453, %mul3A_454 : i32
      %add3A_456 = arith.addi %mul3A_2, %mul3A_455 : i32
      %dma_start3A_457 = arith.constant 0 : i32
      %dma_start3A_458 = arith.constant 0 : i32
      %dma_start3A_459 = tpu.memref_slice %arg10[%dma_start3A_457, %dma_start3A_458] : memref<400x128xf32, #tpu.memory_space<vmem>> -> memref<200x128xf32, #tpu.memory_space<vmem>>
      %dma_start3A_460 = arith.constant 0 : i32
      %dma_start3A_461 = tpu.memref_slice %arg2[%add3A_456, %dma_start3A_460] : memref<320000x128xf32, #tpu.memory_space<hbm>> -> memref<200x128xf32, #tpu.memory_space<hbm>>
      %dma_start3A_462 = arith.constant 0 : i32
      %dma_start3A_463 = arith.constant 0 : i32
      %dma_start3A_464 = tpu.memref_slice %arg10[%dma_start3A_462, %dma_start3A_463] : memref<400x128xf32, #tpu.memory_space<vmem>> -> memref<200x128xf32, #tpu.memory_space<vmem>>
      %dma_start3A_465 = arith.constant 0 : i32
      %dma_start3A_466 = tpu.memref_slice %arg2[%add3A_456, %dma_start3A_465] : memref<320000x128xf32, #tpu.memory_space<hbm>> -> memref<200x128xf32, #tpu.memory_space<hbm>>
      tpu.enqueue_dma source(%dma_start3A_466 : memref<200x128xf32, #tpu.memory_space<hbm>>) target(%dma_start3A_464 : memref<200x128xf32, #tpu.memory_space<vmem>>) target_semaphore(%arg18 : memref<!tpu.dma_semaphore, #tpu.memory_space<semaphore_mem>>)
      %add3A_467 = arith.constant 200 : i32
      %add3A_468 = arith.addi %add3A_456, %add3A_467 : i32
      %dma_start3A_469 = arith.constant 200 : i32
      %dma_start3A_470 = arith.constant 0 : i32
      %dma_start3A_471 = tpu.memref_slice %arg10[%dma_start3A_469, %dma_start3A_470] : memref<400x128xf32, #tpu.memory_space<vmem>> -> memref<200x128xf32, #tpu.memory_space<vmem>>
      %dma_start3A_472 = arith.constant 0 : i32
      %dma_start3A_473 = tpu.memref_slice %arg2[%add3A_468, %dma_start3A_472] : memref<320000x128xf32, #tpu.memory_space<hbm>> -> memref<200x128xf32, #tpu.memory_space<hbm>>
      %dma_start3A_474 = arith.constant 200 : i32
      %dma_start3A_475 = arith.constant 0 : i32
      %dma_start3A_476 = tpu.memref_slice %arg10[%dma_start3A_474, %dma_start3A_475] : memref<400x128xf32, #tpu.memory_space<vmem>> -> memref<200x128xf32, #tpu.memory_space<vmem>>
      %dma_start3A_477 = arith.constant 0 : i32
      %dma_start3A_478 = tpu.memref_slice %arg2[%add3A_468, %dma_start3A_477] : memref<320000x128xf32, #tpu.memory_space<hbm>> -> memref<200x128xf32, #tpu.memory_space<hbm>>
      tpu.enqueue_dma source(%dma_start3A_478 : memref<200x128xf32, #tpu.memory_space<hbm>>) target(%dma_start3A_476 : memref<200x128xf32, #tpu.memory_space<vmem>>) target_semaphore(%arg18 : memref<!tpu.dma_semaphore, #tpu.memory_space<semaphore_mem>>)
      %add3A_479 = arith.constant 0 : i32
      %add3A_480 = arith.addi %add3A_456, %add3A_479 : i32
      %dma_start3A_481 = arith.constant 0 : i32
      %dma_start3A_482 = arith.constant 0 : i32
      %dma_start3A_483 = tpu.memref_slice %arg11[%dma_start3A_481, %dma_start3A_482] : memref<5x80xi32, #tpu.memory_space<vmem>> -> memref<1x80xi32, #tpu.memory_space<vmem>>
      %dma_start3A_484 = tpu.memref_squeeze %dma_start3A_483 : memref<1x80xi32, #tpu.memory_space<vmem>> -> memref<80xi32, #tpu.memory_space<vmem>>
      %dma_start3A_485 = tpu.memref_slice %arg3[%add3A_480] : memref<320000xi32, #tpu.memory_space<hbm>> -> memref<80xi32, #tpu.memory_space<hbm>>
      %dma_start3A_486 = arith.constant 0 : i32
      %dma_start3A_487 = tpu.memref_slice %arg11[%dma_start3A_481, %dma_start3A_486] : memref<5x80xi32, #tpu.memory_space<vmem>> -> memref<1x80xi32, #tpu.memory_space<vmem>>
      %dma_start3A_488 = tpu.memref_squeeze %dma_start3A_487 : memref<1x80xi32, #tpu.memory_space<vmem>> -> memref<80xi32, #tpu.memory_space<vmem>>
      %dma_start3A_489 = tpu.memref_slice %arg3[%add3A_480] : memref<320000xi32, #tpu.memory_space<hbm>> -> memref<80xi32, #tpu.memory_space<hbm>>
      tpu.enqueue_dma source(%dma_start3A_489 : memref<80xi32, #tpu.memory_space<hbm>>) target(%dma_start3A_488 : memref<80xi32, #tpu.memory_space<vmem>>) target_semaphore(%arg18 : memref<!tpu.dma_semaphore, #tpu.memory_space<semaphore_mem>>)
      %add3A_490 = arith.constant 80 : i32
      %add3A_491 = arith.addi %add3A_456, %add3A_490 : i32
      %dma_start3A_492 = arith.constant 1 : i32
      %dma_start3A_493 = arith.constant 0 : i32
      %dma_start3A_494 = tpu.memref_slice %arg11[%dma_start3A_492, %dma_start3A_493] : memref<5x80xi32, #tpu.memory_space<vmem>> -> memref<1x80xi32, #tpu.memory_space<vmem>>
      %dma_start3A_495 = tpu.memref_squeeze %dma_start3A_494 : memref<1x80xi32, #tpu.memory_space<vmem>> -> memref<80xi32, #tpu.memory_space<vmem>>
      %dma_start3A_496 = tpu.memref_slice %arg3[%add3A_491] : memref<320000xi32, #tpu.memory_space<hbm>> -> memref<80xi32, #tpu.memory_space<hbm>>
      %dma_start3A_497 = arith.constant 0 : i32
      %dma_start3A_498 = tpu.memref_slice %arg11[%dma_start3A_492, %dma_start3A_497] : memref<5x80xi32, #tpu.memory_space<vmem>> -> memref<1x80xi32, #tpu.memory_space<vmem>>
      %dma_start3A_499 = tpu.memref_squeeze %dma_start3A_498 : memref<1x80xi32, #tpu.memory_space<vmem>> -> memref<80xi32, #tpu.memory_space<vmem>>
      %dma_start3A_500 = tpu.memref_slice %arg3[%add3A_491] : memref<320000xi32, #tpu.memory_space<hbm>> -> memref<80xi32, #tpu.memory_space<hbm>>
      tpu.enqueue_dma source(%dma_start3A_500 : memref<80xi32, #tpu.memory_space<hbm>>) target(%dma_start3A_499 : memref<80xi32, #tpu.memory_space<vmem>>) target_semaphore(%arg18 : memref<!tpu.dma_semaphore, #tpu.memory_space<semaphore_mem>>)
      %add3A_501 = arith.constant 160 : i32
      %add3A_502 = arith.addi %add3A_456, %add3A_501 : i32
      %dma_start3A_503 = arith.constant 2 : i32
      %dma_start3A_504 = arith.constant 0 : i32
      %dma_start3A_505 = tpu.memref_slice %arg11[%dma_start3A_503, %dma_start3A_504] : memref<5x80xi32, #tpu.memory_space<vmem>> -> memref<1x80xi32, #tpu.memory_space<vmem>>
      %dma_start3A_506 = tpu.memref_squeeze %dma_start3A_505 : memref<1x80xi32, #tpu.memory_space<vmem>> -> memref<80xi32, #tpu.memory_space<vmem>>
      %dma_start3A_507 = tpu.memref_slice %arg3[%add3A_502] : memref<320000xi32, #tpu.memory_space<hbm>> -> memref<80xi32, #tpu.memory_space<hbm>>
      %dma_start3A_508 = arith.constant 0 : i32
      %dma_start3A_509 = tpu.memref_slice %arg11[%dma_start3A_503, %dma_start3A_508] : memref<5x80xi32, #tpu.memory_space<vmem>> -> memref<1x80xi32, #tpu.memory_space<vmem>>
      %dma_start3A_510 = tpu.memref_squeeze %dma_start3A_509 : memref<1x80xi32, #tpu.memory_space<vmem>> -> memref<80xi32, #tpu.memory_space<vmem>>
      %dma_start3A_511 = tpu.memref_slice %arg3[%add3A_502] : memref<320000xi32, #tpu.memory_space<hbm>> -> memref<80xi32, #tpu.memory_space<hbm>>
      tpu.enqueue_dma source(%dma_start3A_511 : memref<80xi32, #tpu.memory_space<hbm>>) target(%dma_start3A_510 : memref<80xi32, #tpu.memory_space<vmem>>) target_semaphore(%arg18 : memref<!tpu.dma_semaphore, #tpu.memory_space<semaphore_mem>>)
      %add3A_512 = arith.constant 240 : i32
      %add3A_513 = arith.addi %add3A_456, %add3A_512 : i32
      %dma_start3A_514 = arith.constant 3 : i32
      %dma_start3A_515 = arith.constant 0 : i32
      %dma_start3A_516 = tpu.memref_slice %arg11[%dma_start3A_514, %dma_start3A_515] : memref<5x80xi32, #tpu.memory_space<vmem>> -> memref<1x80xi32, #tpu.memory_space<vmem>>
      %dma_start3A_517 = tpu.memref_squeeze %dma_start3A_516 : memref<1x80xi32, #tpu.memory_space<vmem>> -> memref<80xi32, #tpu.memory_space<vmem>>
      %dma_start3A_518 = tpu.memref_slice %arg3[%add3A_513] : memref<320000xi32, #tpu.memory_space<hbm>> -> memref<80xi32, #tpu.memory_space<hbm>>
      %dma_start3A_519 = arith.constant 0 : i32
      %dma_start3A_520 = tpu.memref_slice %arg11[%dma_start3A_514, %dma_start3A_519] : memref<5x80xi32, #tpu.memory_space<vmem>> -> memref<1x80xi32, #tpu.memory_space<vmem>>
      %dma_start3A_521 = tpu.memref_squeeze %dma_start3A_520 : memref<1x80xi32, #tpu.memory_space<vmem>> -> memref<80xi32, #tpu.memory_space<vmem>>
      %dma_start3A_522 = tpu.memref_slice %arg3[%add3A_513] : memref<320000xi32, #tpu.memory_space<hbm>> -> memref<80xi32, #tpu.memory_space<hbm>>
      tpu.enqueue_dma source(%dma_start3A_522 : memref<80xi32, #tpu.memory_space<hbm>>) target(%dma_start3A_521 : memref<80xi32, #tpu.memory_space<vmem>>) target_semaphore(%arg18 : memref<!tpu.dma_semaphore, #tpu.memory_space<semaphore_mem>>)
      %add3A_523 = arith.constant 320 : i32
      %add3A_524 = arith.addi %add3A_456, %add3A_523 : i32
      %dma_start3A_525 = arith.constant 4 : i32
      %dma_start3A_526 = arith.constant 0 : i32
      %dma_start3A_527 = tpu.memref_slice %arg11[%dma_start3A_525, %dma_start3A_526] : memref<5x80xi32, #tpu.memory_space<vmem>> -> memref<1x80xi32, #tpu.memory_space<vmem>>
      %dma_start3A_528 = tpu.memref_squeeze %dma_start3A_527 : memref<1x80xi32, #tpu.memory_space<vmem>> -> memref<80xi32, #tpu.memory_space<vmem>>
      %dma_start3A_529 = tpu.memref_slice %arg3[%add3A_524] : memref<320000xi32, #tpu.memory_space<hbm>> -> memref<80xi32, #tpu.memory_space<hbm>>
      %dma_start3A_530 = arith.constant 0 : i32
      %dma_start3A_531 = tpu.memref_slice %arg11[%dma_start3A_525, %dma_start3A_530] : memref<5x80xi32, #tpu.memory_space<vmem>> -> memref<1x80xi32, #tpu.memory_space<vmem>>
      %dma_start3A_532 = tpu.memref_squeeze %dma_start3A_531 : memref<1x80xi32, #tpu.memory_space<vmem>> -> memref<80xi32, #tpu.memory_space<vmem>>
      %dma_start3A_533 = tpu.memref_slice %arg3[%add3A_524] : memref<320000xi32, #tpu.memory_space<hbm>> -> memref<80xi32, #tpu.memory_space<hbm>>
      tpu.enqueue_dma source(%dma_start3A_533 : memref<80xi32, #tpu.memory_space<hbm>>) target(%dma_start3A_532 : memref<80xi32, #tpu.memory_space<vmem>>) target_semaphore(%arg18 : memref<!tpu.dma_semaphore, #tpu.memory_space<semaphore_mem>>)
      %dma_start3A_534 = arith.constant 0 : i32
      %dma_start3A_535 = arith.constant 0 : i32
      %dma_start3A_536 = arith.constant 0 : i32
      %dma_start3A_537 = tpu.memref_slice %arg8[%dma_start3A_535, %dma_start3A_536] : memref<400x128xf32, #tpu.memory_space<vmem>> -> memref<80x128xf32, #tpu.memory_space<vmem>>
      %dma_start3A_538 = arith.constant 0 : i32
      %dma_start3A_539 = tpu.memref_slice %arg9[%dma_start3A_534, %dma_start3A_538] : memref<5x80xi32, #tpu.memory_space<vmem>> -> memref<1x80xi32, #tpu.memory_space<vmem>>
      %dma_start3A_540 = tpu.memref_squeeze %dma_start3A_539 : memref<1x80xi32, #tpu.memory_space<vmem>> -> memref<80xi32, #tpu.memory_space<vmem>>
      %dma_start3A_541 = arith.constant 0 : i32
      %dma_start3A_542 = arith.constant 0 : i32
      %dma_start3A_543 = tpu.memref_slice %arg15[%dma_start3A_541, %dma_start3A_542] : memref<1024x128xf32, #tpu.memory_space<vmem_shared>> -> memref<1024x128xf32, #tpu.memory_space<vmem_shared>>
      tpu.enqueue_indirect_dma source(%dma_start3A_537 : memref<80x128xf32, #tpu.memory_space<vmem>>) target(%dma_start3A_543 : memref<1024x128xf32, #tpu.memory_space<vmem_shared>>) offsets(%dma_start3A_540 : memref<80xi32, #tpu.memory_space<vmem>>) semaphore(%arg19 : memref<!tpu.dma_semaphore, #tpu.memory_space<semaphore_mem>>) {add = true}
      %dma_start3A_544 = arith.constant 0 : i32
      %dma_start3A_545 = arith.constant 0 : i32
      %dma_start3A_546 = tpu.memref_slice %arg9[%dma_start3A_544, %dma_start3A_545] : memref<5x80xi32, #tpu.memory_space<vmem>> -> memref<1x80xi32, #tpu.memory_space<vmem>>
      %dma_start3A_547 = tpu.memref_squeeze %dma_start3A_546 : memref<1x80xi32, #tpu.memory_space<vmem>> -> memref<80xi32, #tpu.memory_space<vmem>>
      %dma_start3A_548 = arith.constant 0 : i32
      %dma_start3A_549 = tpu.memref_slice %arg16[%dma_start3A_548] : memref<1024xf32, #tpu.memory_space<vmem_shared>> -> memref<1024xf32, #tpu.memory_space<vmem_shared>>
      tpu.enqueue_indirect_dma source(%arg12 : memref<80xf32, #tpu.memory_space<vmem>>) target(%dma_start3A_549 : memref<1024xf32, #tpu.memory_space<vmem_shared>>) offsets(%dma_start3A_547 : memref<80xi32, #tpu.memory_space<vmem>>) semaphore(%arg19 : memref<!tpu.dma_semaphore, #tpu.memory_space<semaphore_mem>>) {add = true}
      %dma_start3A_550 = arith.constant 1 : i32
      %dma_start3A_551 = arith.constant 80 : i32
      %dma_start3A_552 = arith.constant 0 : i32
      %dma_start3A_553 = tpu.memref_slice %arg8[%dma_start3A_551, %dma_start3A_552] : memref<400x128xf32, #tpu.memory_space<vmem>> -> memref<80x128xf32, #tpu.memory_space<vmem>>
      %dma_start3A_554 = arith.constant 0 : i32
      %dma_start3A_555 = tpu.memref_slice %arg9[%dma_start3A_550, %dma_start3A_554] : memref<5x80xi32, #tpu.memory_space<vmem>> -> memref<1x80xi32, #tpu.memory_space<vmem>>
      %dma_start3A_556 = tpu.memref_squeeze %dma_start3A_555 : memref<1x80xi32, #tpu.memory_space<vmem>> -> memref<80xi32, #tpu.memory_space<vmem>>
      %dma_start3A_557 = arith.constant 0 : i32
      %dma_start3A_558 = arith.constant 0 : i32
      %dma_start3A_559 = tpu.memref_slice %arg15[%dma_start3A_557, %dma_start3A_558] : memref<1024x128xf32, #tpu.memory_space<vmem_shared>> -> memref<1024x128xf32, #tpu.memory_space<vmem_shared>>
      tpu.enqueue_indirect_dma source(%dma_start3A_553 : memref<80x128xf32, #tpu.memory_space<vmem>>) target(%dma_start3A_559 : memref<1024x128xf32, #tpu.memory_space<vmem_shared>>) offsets(%dma_start3A_556 : memref<80xi32, #tpu.memory_space<vmem>>) semaphore(%arg19 : memref<!tpu.dma_semaphore, #tpu.memory_space<semaphore_mem>>) {add = true}
      %dma_start3A_560 = arith.constant 1 : i32
      %dma_start3A_561 = arith.constant 0 : i32
      %dma_start3A_562 = tpu.memref_slice %arg9[%dma_start3A_560, %dma_start3A_561] : memref<5x80xi32, #tpu.memory_space<vmem>> -> memref<1x80xi32, #tpu.memory_space<vmem>>
      %dma_start3A_563 = tpu.memref_squeeze %dma_start3A_562 : memref<1x80xi32, #tpu.memory_space<vmem>> -> memref<80xi32, #tpu.memory_space<vmem>>
      %dma_start3A_564 = arith.constant 0 : i32
      %dma_start3A_565 = tpu.memref_slice %arg16[%dma_start3A_564] : memref<1024xf32, #tpu.memory_space<vmem_shared>> -> memref<1024xf32, #tpu.memory_space<vmem_shared>>
      tpu.enqueue_indirect_dma source(%arg12 : memref<80xf32, #tpu.memory_space<vmem>>) target(%dma_start3A_565 : memref<1024xf32, #tpu.memory_space<vmem_shared>>) offsets(%dma_start3A_563 : memref<80xi32, #tpu.memory_space<vmem>>) semaphore(%arg19 : memref<!tpu.dma_semaphore, #tpu.memory_space<semaphore_mem>>) {add = true}
      %dma_start3A_566 = arith.constant 2 : i32
      %dma_start3A_567 = arith.constant 160 : i32
      %dma_start3A_568 = arith.constant 0 : i32
      %dma_start3A_569 = tpu.memref_slice %arg8[%dma_start3A_567, %dma_start3A_568] : memref<400x128xf32, #tpu.memory_space<vmem>> -> memref<80x128xf32, #tpu.memory_space<vmem>>
      %dma_start3A_570 = arith.constant 0 : i32
      %dma_start3A_571 = tpu.memref_slice %arg9[%dma_start3A_566, %dma_start3A_570] : memref<5x80xi32, #tpu.memory_space<vmem>> -> memref<1x80xi32, #tpu.memory_space<vmem>>
      %dma_start3A_572 = tpu.memref_squeeze %dma_start3A_571 : memref<1x80xi32, #tpu.memory_space<vmem>> -> memref<80xi32, #tpu.memory_space<vmem>>
      %dma_start3A_573 = arith.constant 0 : i32
      %dma_start3A_574 = arith.constant 0 : i32
      %dma_start3A_575 = tpu.memref_slice %arg15[%dma_start3A_573, %dma_start3A_574] : memref<1024x128xf32, #tpu.memory_space<vmem_shared>> -> memref<1024x128xf32, #tpu.memory_space<vmem_shared>>
      tpu.enqueue_indirect_dma source(%dma_start3A_569 : memref<80x128xf32, #tpu.memory_space<vmem>>) target(%dma_start3A_575 : memref<1024x128xf32, #tpu.memory_space<vmem_shared>>) offsets(%dma_start3A_572 : memref<80xi32, #tpu.memory_space<vmem>>) semaphore(%arg19 : memref<!tpu.dma_semaphore, #tpu.memory_space<semaphore_mem>>) {add = true}
      %dma_start3A_576 = arith.constant 2 : i32
      %dma_start3A_577 = arith.constant 0 : i32
      %dma_start3A_578 = tpu.memref_slice %arg9[%dma_start3A_576, %dma_start3A_577] : memref<5x80xi32, #tpu.memory_space<vmem>> -> memref<1x80xi32, #tpu.memory_space<vmem>>
      %dma_start3A_579 = tpu.memref_squeeze %dma_start3A_578 : memref<1x80xi32, #tpu.memory_space<vmem>> -> memref<80xi32, #tpu.memory_space<vmem>>
      %dma_start3A_580 = arith.constant 0 : i32
      %dma_start3A_581 = tpu.memref_slice %arg16[%dma_start3A_580] : memref<1024xf32, #tpu.memory_space<vmem_shared>> -> memref<1024xf32, #tpu.memory_space<vmem_shared>>
      tpu.enqueue_indirect_dma source(%arg12 : memref<80xf32, #tpu.memory_space<vmem>>) target(%dma_start3A_581 : memref<1024xf32, #tpu.memory_space<vmem_shared>>) offsets(%dma_start3A_579 : memref<80xi32, #tpu.memory_space<vmem>>) semaphore(%arg19 : memref<!tpu.dma_semaphore, #tpu.memory_space<semaphore_mem>>) {add = true}
      %dma_start3A_582 = arith.constant 3 : i32
      %dma_start3A_583 = arith.constant 240 : i32
      %dma_start3A_584 = arith.constant 0 : i32
      %dma_start3A_585 = tpu.memref_slice %arg8[%dma_start3A_583, %dma_start3A_584] : memref<400x128xf32, #tpu.memory_space<vmem>> -> memref<80x128xf32, #tpu.memory_space<vmem>>
      %dma_start3A_586 = arith.constant 0 : i32
      %dma_start3A_587 = tpu.memref_slice %arg9[%dma_start3A_582, %dma_start3A_586] : memref<5x80xi32, #tpu.memory_space<vmem>> -> memref<1x80xi32, #tpu.memory_space<vmem>>
      %dma_start3A_588 = tpu.memref_squeeze %dma_start3A_587 : memref<1x80xi32, #tpu.memory_space<vmem>> -> memref<80xi32, #tpu.memory_space<vmem>>
      %dma_start3A_589 = arith.constant 0 : i32
      %dma_start3A_590 = arith.constant 0 : i32
      %dma_start3A_591 = tpu.memref_slice %arg15[%dma_start3A_589, %dma_start3A_590] : memref<1024x128xf32, #tpu.memory_space<vmem_shared>> -> memref<1024x128xf32, #tpu.memory_space<vmem_shared>>
      tpu.enqueue_indirect_dma source(%dma_start3A_585 : memref<80x128xf32, #tpu.memory_space<vmem>>) target(%dma_start3A_591 : memref<1024x128xf32, #tpu.memory_space<vmem_shared>>) offsets(%dma_start3A_588 : memref<80xi32, #tpu.memory_space<vmem>>) semaphore(%arg19 : memref<!tpu.dma_semaphore, #tpu.memory_space<semaphore_mem>>) {add = true}
      %dma_start3A_592 = arith.constant 3 : i32
      %dma_start3A_593 = arith.constant 0 : i32
      %dma_start3A_594 = tpu.memref_slice %arg9[%dma_start3A_592, %dma_start3A_593] : memref<5x80xi32, #tpu.memory_space<vmem>> -> memref<1x80xi32, #tpu.memory_space<vmem>>
      %dma_start3A_595 = tpu.memref_squeeze %dma_start3A_594 : memref<1x80xi32, #tpu.memory_space<vmem>> -> memref<80xi32, #tpu.memory_space<vmem>>
      %dma_start3A_596 = arith.constant 0 : i32
      %dma_start3A_597 = tpu.memref_slice %arg16[%dma_start3A_596] : memref<1024xf32, #tpu.memory_space<vmem_shared>> -> memref<1024xf32, #tpu.memory_space<vmem_shared>>
      tpu.enqueue_indirect_dma source(%arg12 : memref<80xf32, #tpu.memory_space<vmem>>) target(%dma_start3A_597 : memref<1024xf32, #tpu.memory_space<vmem_shared>>) offsets(%dma_start3A_595 : memref<80xi32, #tpu.memory_space<vmem>>) semaphore(%arg19 : memref<!tpu.dma_semaphore, #tpu.memory_space<semaphore_mem>>) {add = true}
      %dma_start3A_598 = arith.constant 4 : i32
      %dma_start3A_599 = arith.constant 320 : i32
      %dma_start3A_600 = arith.constant 0 : i32
      %dma_start3A_601 = tpu.memref_slice %arg8[%dma_start3A_599, %dma_start3A_600] : memref<400x128xf32, #tpu.memory_space<vmem>> -> memref<80x128xf32, #tpu.memory_space<vmem>>
      %dma_start3A_602 = arith.constant 0 : i32
      %dma_start3A_603 = tpu.memref_slice %arg9[%dma_start3A_598, %dma_start3A_602] : memref<5x80xi32, #tpu.memory_space<vmem>> -> memref<1x80xi32, #tpu.memory_space<vmem>>
      %dma_start3A_604 = tpu.memref_squeeze %dma_start3A_603 : memref<1x80xi32, #tpu.memory_space<vmem>> -> memref<80xi32, #tpu.memory_space<vmem>>
      %dma_start3A_605 = arith.constant 0 : i32
      %dma_start3A_606 = arith.constant 0 : i32
      %dma_start3A_607 = tpu.memref_slice %arg15[%dma_start3A_605, %dma_start3A_606] : memref<1024x128xf32, #tpu.memory_space<vmem_shared>> -> memref<1024x128xf32, #tpu.memory_space<vmem_shared>>
      tpu.enqueue_indirect_dma source(%dma_start3A_601 : memref<80x128xf32, #tpu.memory_space<vmem>>) target(%dma_start3A_607 : memref<1024x128xf32, #tpu.memory_space<vmem_shared>>) offsets(%dma_start3A_604 : memref<80xi32, #tpu.memory_space<vmem>>) semaphore(%arg19 : memref<!tpu.dma_semaphore, #tpu.memory_space<semaphore_mem>>) {add = true}
      %dma_start3A_608 = arith.constant 4 : i32
      %dma_start3A_609 = arith.constant 0 : i32
      %dma_start3A_610 = tpu.memref_slice %arg9[%dma_start3A_608, %dma_start3A_609] : memref<5x80xi32, #tpu.memory_space<vmem>> -> memref<1x80xi32, #tpu.memory_space<vmem>>
      %dma_start3A_611 = tpu.memref_squeeze %dma_start3A_610 : memref<1x80xi32, #tpu.memory_space<vmem>> -> memref<80xi32, #tpu.memory_space<vmem>>
      %dma_start3A_612 = arith.constant 0 : i32
      %dma_start3A_613 = tpu.memref_slice %arg16[%dma_start3A_612] : memref<1024xf32, #tpu.memory_space<vmem_shared>> -> memref<1024xf32, #tpu.memory_space<vmem_shared>>
      tpu.enqueue_indirect_dma source(%arg12 : memref<80xf32, #tpu.memory_space<vmem>>) target(%dma_start3A_613 : memref<1024xf32, #tpu.memory_space<vmem_shared>>) offsets(%dma_start3A_611 : memref<80xi32, #tpu.memory_space<vmem>>) semaphore(%arg19 : memref<!tpu.dma_semaphore, #tpu.memory_space<semaphore_mem>>) {add = true}
      %scan3A_614 = arith.constant 0 : i32
      %scan3A_615 = arith.constant 400 : i32
      %scan3A_616 = arith.addi %scan3A_614, %scan3A_615 : i32
      %scan3A_617 = arith.constant 1 : i32
      %scan3A_618:8 = scf.for %scan3A_1012 = %scan3A_614 to %scan3A_616 step %scan3A_617 iter_args(%scan3A_1013 = %scan3A_380, %scan3A_1014 = %scan3A_381, %scan3A_1015 = %scan3A_382, %scan3A_1016 = %scan3A_383, %scan3A_1017 = %scan3A_384, %scan3A_1018 = %scan3A_385, %scan3A_1019 = %scan3A_386, %scan3A_1020 = %scan3A_387) -> (vector<16xf32>, vector<16xf32>, vector<16xf32>, vector<16xf32>, vector<16xf32>, vector<16xf32>, vector<16xf32>, vector<16xf32>)  : i32 {
        %get3A = arith.index_cast %scan3A_1012 : i32 to index
        %get3A_1021 = arith.constant 0 : index
        %get3A_1022 = tpu.vector_load %arg8[%get3A, %get3A_1021] {strides = array<i32>} : memref<400x128xf32, #tpu.memory_space<vmem>>, vector<1x16xf32>,
        %get3A_1023 = vector.shape_cast %get3A_1022 : vector<1x16xf32> to vector<16xf32>
        %mul3A_1024 = arith.mulf %get3A_1023, %get3A_1023 : vector<16xf32>
        %add3A_1025 = arith.addf %scan3A_1013, %mul3A_1024 : vector<16xf32>
        %get3A_1026 = arith.index_cast %scan3A_1012 : i32 to index
        %get3A_1027 = arith.constant 16 : index
        %get3A_1028 = tpu.vector_load %arg8[%get3A_1026, %get3A_1027] {strides = array<i32>} : memref<400x128xf32, #tpu.memory_space<vmem>>, vector<1x16xf32>,
        %get3A_1029 = vector.shape_cast %get3A_1028 : vector<1x16xf32> to vector<16xf32>
        %mul3A_1030 = arith.mulf %get3A_1029, %get3A_1029 : vector<16xf32>
        %add3A_1031 = arith.addf %scan3A_1014, %mul3A_1030 : vector<16xf32>
        %get3A_1032 = arith.index_cast %scan3A_1012 : i32 to index
        %get3A_1033 = arith.constant 32 : index
        %get3A_1034 = tpu.vector_load %arg8[%get3A_1032, %get3A_1033] {strides = array<i32>} : memref<400x128xf32, #tpu.memory_space<vmem>>, vector<1x16xf32>,
        %get3A_1035 = vector.shape_cast %get3A_1034 : vector<1x16xf32> to vector<16xf32>
        %mul3A_1036 = arith.mulf %get3A_1035, %get3A_1035 : vector<16xf32>
        %add3A_1037 = arith.addf %scan3A_1015, %mul3A_1036 : vector<16xf32>
        %get3A_1038 = arith.index_cast %scan3A_1012 : i32 to index
        %get3A_1039 = arith.constant 48 : index
        %get3A_1040 = tpu.vector_load %arg8[%get3A_1038, %get3A_1039] {strides = array<i32>} : memref<400x128xf32, #tpu.memory_space<vmem>>, vector<1x16xf32>,
        %get3A_1041 = vector.shape_cast %get3A_1040 : vector<1x16xf32> to vector<16xf32>
        %mul3A_1042 = arith.mulf %get3A_1041, %get3A_1041 : vector<16xf32>
        %add3A_1043 = arith.addf %scan3A_1016, %mul3A_1042 : vector<16xf32>
        %get3A_1044 = arith.index_cast %scan3A_1012 : i32 to index
        %get3A_1045 = arith.constant 64 : index
        %get3A_1046 = tpu.vector_load %arg8[%get3A_1044, %get3A_1045] {strides = array<i32>} : memref<400x128xf32, #tpu.memory_space<vmem>>, vector<1x16xf32>,
        %get3A_1047 = vector.shape_cast %get3A_1046 : vector<1x16xf32> to vector<16xf32>
        %mul3A_1048 = arith.mulf %get3A_1047, %get3A_1047 : vector<16xf32>
        %add3A_1049 = arith.addf %scan3A_1017, %mul3A_1048 : vector<16xf32>
        %get3A_1050 = arith.index_cast %scan3A_1012 : i32 to index
        %get3A_1051 = arith.constant 80 : index
        %get3A_1052 = tpu.vector_load %arg8[%get3A_1050, %get3A_1051] {strides = array<i32>} : memref<400x128xf32, #tpu.memory_space<vmem>>, vector<1x16xf32>,
        %get3A_1053 = vector.shape_cast %get3A_1052 : vector<1x16xf32> to vector<16xf32>
        %mul3A_1054 = arith.mulf %get3A_1053, %get3A_1053 : vector<16xf32>
        %add3A_1055 = arith.addf %scan3A_1018, %mul3A_1054 : vector<16xf32>
        %get3A_1056 = arith.index_cast %scan3A_1012 : i32 to index
        %get3A_1057 = arith.constant 96 : index
        %get3A_1058 = tpu.vector_load %arg8[%get3A_1056, %get3A_1057] {strides = array<i32>} : memref<400x128xf32, #tpu.memory_space<vmem>>, vector<1x16xf32>,
        %get3A_1059 = vector.shape_cast %get3A_1058 : vector<1x16xf32> to vector<16xf32>
        %mul3A_1060 = arith.mulf %get3A_1059, %get3A_1059 : vector<16xf32>
        %add3A_1061 = arith.addf %scan3A_1019, %mul3A_1060 : vector<16xf32>
        %get3A_1062 = arith.index_cast %scan3A_1012 : i32 to index
        %get3A_1063 = arith.constant 112 : index
        %get3A_1064 = tpu.vector_load %arg8[%get3A_1062, %get3A_1063] {strides = array<i32>} : memref<400x128xf32, #tpu.memory_space<vmem>>, vector<1x16xf32>,
        %get3A_1065 = vector.shape_cast %get3A_1064 : vector<1x16xf32> to vector<16xf32>
        %mul3A_1066 = arith.mulf %get3A_1065, %get3A_1065 : vector<16xf32>
        %add3A_1067 = arith.addf %scan3A_1020, %mul3A_1066 : vector<16xf32>
        scf.yield %add3A_1025, %add3A_1031, %add3A_1037, %add3A_1043, %add3A_1049, %add3A_1055, %add3A_1061, %add3A_1067 : vector<16xf32>, vector<16xf32>, vector<16xf32>, vector<16xf32>, vector<16xf32>, vector<16xf32>, vector<16xf32>, vector<16xf32>
      }
      %scan3A_619 = arith.constant 400 : i32
      %dma_wait3A_620 = arith.constant 0 : i32
      %dma_wait3A_621 = arith.constant 0 : i32
      %dma_wait3A_622 = arith.constant 0 : i32
      %dma_wait3A_623 = tpu.memref_slice %arg8[%dma_wait3A_621, %dma_wait3A_622] : memref<400x128xf32, #tpu.memory_space<vmem>> -> memref<80x128xf32, #tpu.memory_space<vmem>>
      %dma_wait3A_624 = arith.constant 0 : i32
      %dma_wait3A_625 = tpu.memref_slice %arg9[%dma_wait3A_620, %dma_wait3A_624] : memref<5x80xi32, #tpu.memory_space<vmem>> -> memref<1x80xi32, #tpu.memory_space<vmem>>
      %dma_wait3A_626 = tpu.memref_squeeze %dma_wait3A_625 : memref<1x80xi32, #tpu.memory_space<vmem>> -> memref<80xi32, #tpu.memory_space<vmem>>
      %dma_wait3A_627 = arith.constant 0 : i32
      %dma_wait3A_628 = arith.constant 0 : i32
      %dma_wait3A_629 = tpu.memref_slice %arg15[%dma_wait3A_627, %dma_wait3A_628] : memref<1024x128xf32, #tpu.memory_space<vmem_shared>> -> memref<1024x128xf32, #tpu.memory_space<vmem_shared>>
      tpu.wait_indirect_dma semaphore(%arg19 : memref<!tpu.dma_semaphore, #tpu.memory_space<semaphore_mem>>) src(%dma_wait3A_623 : memref<80x128xf32, #tpu.memory_space<vmem>>) dst(%dma_wait3A_629 : memref<1024x128xf32, #tpu.memory_space<vmem_shared>>)
      %dma_wait3A_630 = arith.constant 0 : i32
      %dma_wait3A_631 = arith.constant 0 : i32
      %dma_wait3A_632 = tpu.memref_slice %arg9[%dma_wait3A_630, %dma_wait3A_631] : memref<5x80xi32, #tpu.memory_space<vmem>> -> memref<1x80xi32, #tpu.memory_space<vmem>>
      %dma_wait3A_633 = tpu.memref_squeeze %dma_wait3A_632 : memref<1x80xi32, #tpu.memory_space<vmem>> -> memref<80xi32, #tpu.memory_space<vmem>>
      %dma_wait3A_634 = arith.constant 0 : i32
      %dma_wait3A_635 = tpu.memref_slice %arg16[%dma_wait3A_634] : memref<1024xf32, #tpu.memory_space<vmem_shared>> -> memref<1024xf32, #tpu.memory_space<vmem_shared>>
      tpu.wait_indirect_dma semaphore(%arg19 : memref<!tpu.dma_semaphore, #tpu.memory_space<semaphore_mem>>) src(%arg12 : memref<80xf32, #tpu.memory_space<vmem>>) dst(%dma_wait3A_635 : memref<1024xf32, #tpu.memory_space<vmem_shared>>)
      %dma_wait3A_636 = arith.constant 1 : i32
      %dma_wait3A_637 = arith.constant 80 : i32
      %dma_wait3A_638 = arith.constant 0 : i32
      %dma_wait3A_639 = tpu.memref_slice %arg8[%dma_wait3A_637, %dma_wait3A_638] : memref<400x128xf32, #tpu.memory_space<vmem>> -> memref<80x128xf32, #tpu.memory_space<vmem>>
      %dma_wait3A_640 = arith.constant 0 : i32
      %dma_wait3A_641 = tpu.memref_slice %arg9[%dma_wait3A_636, %dma_wait3A_640] : memref<5x80xi32, #tpu.memory_space<vmem>> -> memref<1x80xi32, #tpu.memory_space<vmem>>
      %dma_wait3A_642 = tpu.memref_squeeze %dma_wait3A_641 : memref<1x80xi32, #tpu.memory_space<vmem>> -> memref<80xi32, #tpu.memory_space<vmem>>
      %dma_wait3A_643 = arith.constant 0 : i32
      %dma_wait3A_644 = arith.constant 0 : i32
      %dma_wait3A_645 = tpu.memref_slice %arg15[%dma_wait3A_643, %dma_wait3A_644] : memref<1024x128xf32, #tpu.memory_space<vmem_shared>> -> memref<1024x128xf32, #tpu.memory_space<vmem_shared>>
      tpu.wait_indirect_dma semaphore(%arg19 : memref<!tpu.dma_semaphore, #tpu.memory_space<semaphore_mem>>) src(%dma_wait3A_639 : memref<80x128xf32, #tpu.memory_space<vmem>>) dst(%dma_wait3A_645 : memref<1024x128xf32, #tpu.memory_space<vmem_shared>>)
      %dma_wait3A_646 = arith.constant 1 : i32
      %dma_wait3A_647 = arith.constant 0 : i32
      %dma_wait3A_648 = tpu.memref_slice %arg9[%dma_wait3A_646, %dma_wait3A_647] : memref<5x80xi32, #tpu.memory_space<vmem>> -> memref<1x80xi32, #tpu.memory_space<vmem>>
      %dma_wait3A_649 = tpu.memref_squeeze %dma_wait3A_648 : memref<1x80xi32, #tpu.memory_space<vmem>> -> memref<80xi32, #tpu.memory_space<vmem>>
      %dma_wait3A_650 = arith.constant 0 : i32
      %dma_wait3A_651 = tpu.memref_slice %arg16[%dma_wait3A_650] : memref<1024xf32, #tpu.memory_space<vmem_shared>> -> memref<1024xf32, #tpu.memory_space<vmem_shared>>
      tpu.wait_indirect_dma semaphore(%arg19 : memref<!tpu.dma_semaphore, #tpu.memory_space<semaphore_mem>>) src(%arg12 : memref<80xf32, #tpu.memory_space<vmem>>) dst(%dma_wait3A_651 : memref<1024xf32, #tpu.memory_space<vmem_shared>>)
      %dma_wait3A_652 = arith.constant 2 : i32
      %dma_wait3A_653 = arith.constant 160 : i32
      %dma_wait3A_654 = arith.constant 0 : i32
      %dma_wait3A_655 = tpu.memref_slice %arg8[%dma_wait3A_653, %dma_wait3A_654] : memref<400x128xf32, #tpu.memory_space<vmem>> -> memref<80x128xf32, #tpu.memory_space<vmem>>
      %dma_wait3A_656 = arith.constant 0 : i32
      %dma_wait3A_657 = tpu.memref_slice %arg9[%dma_wait3A_652, %dma_wait3A_656] : memref<5x80xi32, #tpu.memory_space<vmem>> -> memref<1x80xi32, #tpu.memory_space<vmem>>
      %dma_wait3A_658 = tpu.memref_squeeze %dma_wait3A_657 : memref<1x80xi32, #tpu.memory_space<vmem>> -> memref<80xi32, #tpu.memory_space<vmem>>
      %dma_wait3A_659 = arith.constant 0 : i32
      %dma_wait3A_660 = arith.constant 0 : i32
      %dma_wait3A_661 = tpu.memref_slice %arg15[%dma_wait3A_659, %dma_wait3A_660] : memref<1024x128xf32, #tpu.memory_space<vmem_shared>> -> memref<1024x128xf32, #tpu.memory_space<vmem_shared>>
      tpu.wait_indirect_dma semaphore(%arg19 : memref<!tpu.dma_semaphore, #tpu.memory_space<semaphore_mem>>) src(%dma_wait3A_655 : memref<80x128xf32, #tpu.memory_space<vmem>>) dst(%dma_wait3A_661 : memref<1024x128xf32, #tpu.memory_space<vmem_shared>>)
      %dma_wait3A_662 = arith.constant 2 : i32
      %dma_wait3A_663 = arith.constant 0 : i32
      %dma_wait3A_664 = tpu.memref_slice %arg9[%dma_wait3A_662, %dma_wait3A_663] : memref<5x80xi32, #tpu.memory_space<vmem>> -> memref<1x80xi32, #tpu.memory_space<vmem>>
      %dma_wait3A_665 = tpu.memref_squeeze %dma_wait3A_664 : memref<1x80xi32, #tpu.memory_space<vmem>> -> memref<80xi32, #tpu.memory_space<vmem>>
      %dma_wait3A_666 = arith.constant 0 : i32
      %dma_wait3A_667 = tpu.memref_slice %arg16[%dma_wait3A_666] : memref<1024xf32, #tpu.memory_space<vmem_shared>> -> memref<1024xf32, #tpu.memory_space<vmem_shared>>
      tpu.wait_indirect_dma semaphore(%arg19 : memref<!tpu.dma_semaphore, #tpu.memory_space<semaphore_mem>>) src(%arg12 : memref<80xf32, #tpu.memory_space<vmem>>) dst(%dma_wait3A_667 : memref<1024xf32, #tpu.memory_space<vmem_shared>>)
      %dma_wait3A_668 = arith.constant 3 : i32
      %dma_wait3A_669 = arith.constant 240 : i32
      %dma_wait3A_670 = arith.constant 0 : i32
      %dma_wait3A_671 = tpu.memref_slice %arg8[%dma_wait3A_669, %dma_wait3A_670] : memref<400x128xf32, #tpu.memory_space<vmem>> -> memref<80x128xf32, #tpu.memory_space<vmem>>
      %dma_wait3A_672 = arith.constant 0 : i32
      %dma_wait3A_673 = tpu.memref_slice %arg9[%dma_wait3A_668, %dma_wait3A_672] : memref<5x80xi32, #tpu.memory_space<vmem>> -> memref<1x80xi32, #tpu.memory_space<vmem>>
      %dma_wait3A_674 = tpu.memref_squeeze %dma_wait3A_673 : memref<1x80xi32, #tpu.memory_space<vmem>> -> memref<80xi32, #tpu.memory_space<vmem>>
      %dma_wait3A_675 = arith.constant 0 : i32
      %dma_wait3A_676 = arith.constant 0 : i32
      %dma_wait3A_677 = tpu.memref_slice %arg15[%dma_wait3A_675, %dma_wait3A_676] : memref<1024x128xf32, #tpu.memory_space<vmem_shared>> -> memref<1024x128xf32, #tpu.memory_space<vmem_shared>>
      tpu.wait_indirect_dma semaphore(%arg19 : memref<!tpu.dma_semaphore, #tpu.memory_space<semaphore_mem>>) src(%dma_wait3A_671 : memref<80x128xf32, #tpu.memory_space<vmem>>) dst(%dma_wait3A_677 : memref<1024x128xf32, #tpu.memory_space<vmem_shared>>)
      %dma_wait3A_678 = arith.constant 3 : i32
      %dma_wait3A_679 = arith.constant 0 : i32
      %dma_wait3A_680 = tpu.memref_slice %arg9[%dma_wait3A_678, %dma_wait3A_679] : memref<5x80xi32, #tpu.memory_space<vmem>> -> memref<1x80xi32, #tpu.memory_space<vmem>>
      %dma_wait3A_681 = tpu.memref_squeeze %dma_wait3A_680 : memref<1x80xi32, #tpu.memory_space<vmem>> -> memref<80xi32, #tpu.memory_space<vmem>>
      %dma_wait3A_682 = arith.constant 0 : i32
      %dma_wait3A_683 = tpu.memref_slice %arg16[%dma_wait3A_682] : memref<1024xf32, #tpu.memory_space<vmem_shared>> -> memref<1024xf32, #tpu.memory_space<vmem_shared>>
      tpu.wait_indirect_dma semaphore(%arg19 : memref<!tpu.dma_semaphore, #tpu.memory_space<semaphore_mem>>) src(%arg12 : memref<80xf32, #tpu.memory_space<vmem>>) dst(%dma_wait3A_683 : memref<1024xf32, #tpu.memory_space<vmem_shared>>)
      %dma_wait3A_684 = arith.constant 4 : i32
      %dma_wait3A_685 = arith.constant 320 : i32
      %dma_wait3A_686 = arith.constant 0 : i32
      %dma_wait3A_687 = tpu.memref_slice %arg8[%dma_wait3A_685, %dma_wait3A_686] : memref<400x128xf32, #tpu.memory_space<vmem>> -> memref<80x128xf32, #tpu.memory_space<vmem>>
      %dma_wait3A_688 = arith.constant 0 : i32
      %dma_wait3A_689 = tpu.memref_slice %arg9[%dma_wait3A_684, %dma_wait3A_688] : memref<5x80xi32, #tpu.memory_space<vmem>> -> memref<1x80xi32, #tpu.memory_space<vmem>>
      %dma_wait3A_690 = tpu.memref_squeeze %dma_wait3A_689 : memref<1x80xi32, #tpu.memory_space<vmem>> -> memref<80xi32, #tpu.memory_space<vmem>>
      %dma_wait3A_691 = arith.constant 0 : i32
      %dma_wait3A_692 = arith.constant 0 : i32
      %dma_wait3A_693 = tpu.memref_slice %arg15[%dma_wait3A_691, %dma_wait3A_692] : memref<1024x128xf32, #tpu.memory_space<vmem_shared>> -> memref<1024x128xf32, #tpu.memory_space<vmem_shared>>
      tpu.wait_indirect_dma semaphore(%arg19 : memref<!tpu.dma_semaphore, #tpu.memory_space<semaphore_mem>>) src(%dma_wait3A_687 : memref<80x128xf32, #tpu.memory_space<vmem>>) dst(%dma_wait3A_693 : memref<1024x128xf32, #tpu.memory_space<vmem_shared>>)
      %dma_wait3A_694 = arith.constant 4 : i32
      %dma_wait3A_695 = arith.constant 0 : i32
      %dma_wait3A_696 = tpu.memref_slice %arg9[%dma_wait3A_694, %dma_wait3A_695] : memref<5x80xi32, #tpu.memory_space<vmem>> -> memref<1x80xi32, #tpu.memory_space<vmem>>
      %dma_wait3A_697 = tpu.memref_squeeze %dma_wait3A_696 : memref<1x80xi32, #tpu.memory_space<vmem>> -> memref<80xi32, #tpu.memory_space<vmem>>
      %dma_wait3A_698 = arith.constant 0 : i32
      %dma_wait3A_699 = tpu.memref_slice %arg16[%dma_wait3A_698] : memref<1024xf32, #tpu.memory_space<vmem_shared>> -> memref<1024xf32, #tpu.memory_space<vmem_shared>>
      tpu.wait_indirect_dma semaphore(%arg19 : memref<!tpu.dma_semaphore, #tpu.memory_space<semaphore_mem>>) src(%arg12 : memref<80xf32, #tpu.memory_space<vmem>>) dst(%dma_wait3A_699 : memref<1024xf32, #tpu.memory_space<vmem_shared>>)
      %add3A_700 = arith.constant 1 : i32
      %add3A_701 = arith.addi %mul3A_389, %add3A_700 : i32
      %mul3A_702 = arith.constant 400 : i32
      %mul3A_703 = arith.muli %add3A_701, %mul3A_702 : i32
      %add3A_704 = arith.addi %mul3A_2, %mul3A_703 : i32
      %dma_wait3A_705 = arith.constant 0 : i32
      %dma_wait3A_706 = tpu.memref_slice %arg2[%add3A_704, %dma_wait3A_705] : memref<320000x128xf32, #tpu.memory_space<hbm>> -> memref<400x128xf32, #tpu.memory_space<hbm>>
      %dma_wait3A_707 = arith.constant 0 : i32
      %dma_wait3A_708 = tpu.memref_slice %arg2[%add3A_704, %dma_wait3A_707] : memref<320000x128xf32, #tpu.memory_space<hbm>> -> memref<400x128xf32, #tpu.memory_space<hbm>>
      tpu.wait_dma2 semaphore(%arg18 : memref<!tpu.dma_semaphore, #tpu.memory_space<semaphore_mem>>) src(%dma_wait3A_708 : memref<400x128xf32, #tpu.memory_space<hbm>>) dst(%arg10 : memref<400x128xf32, #tpu.memory_space<vmem>>)
      %add3A_709 = arith.constant 0 : i32
      %add3A_710 = arith.addi %add3A_704, %add3A_709 : i32
      %dma_wait3A_711 = arith.constant 0 : i32
      %dma_wait3A_712 = arith.constant 0 : i32
      %dma_wait3A_713 = tpu.memref_slice %arg11[%dma_wait3A_711, %dma_wait3A_712] : memref<5x80xi32, #tpu.memory_space<vmem>> -> memref<1x80xi32, #tpu.memory_space<vmem>>
      %dma_wait3A_714 = tpu.memref_squeeze %dma_wait3A_713 : memref<1x80xi32, #tpu.memory_space<vmem>> -> memref<80xi32, #tpu.memory_space<vmem>>
      %dma_wait3A_715 = tpu.memref_slice %arg3[%add3A_710] : memref<320000xi32, #tpu.memory_space<hbm>> -> memref<80xi32, #tpu.memory_space<hbm>>
      %dma_wait3A_716 = arith.constant 0 : i32
      %dma_wait3A_717 = tpu.memref_slice %arg11[%dma_wait3A_711, %dma_wait3A_716] : memref<5x80xi32, #tpu.memory_space<vmem>> -> memref<1x80xi32, #tpu.memory_space<vmem>>
      %dma_wait3A_718 = tpu.memref_squeeze %dma_wait3A_717 : memref<1x80xi32, #tpu.memory_space<vmem>> -> memref<80xi32, #tpu.memory_space<vmem>>
      %dma_wait3A_719 = tpu.memref_slice %arg3[%add3A_710] : memref<320000xi32, #tpu.memory_space<hbm>> -> memref<80xi32, #tpu.memory_space<hbm>>
      tpu.wait_dma2 semaphore(%arg18 : memref<!tpu.dma_semaphore, #tpu.memory_space<semaphore_mem>>) src(%dma_wait3A_719 : memref<80xi32, #tpu.memory_space<hbm>>) dst(%dma_wait3A_718 : memref<80xi32, #tpu.memory_space<vmem>>)
      %add3A_720 = arith.constant 80 : i32
      %add3A_721 = arith.addi %add3A_704, %add3A_720 : i32
      %dma_wait3A_722 = arith.constant 1 : i32
      %dma_wait3A_723 = arith.constant 0 : i32
      %dma_wait3A_724 = tpu.memref_slice %arg11[%dma_wait3A_722, %dma_wait3A_723] : memref<5x80xi32, #tpu.memory_space<vmem>> -> memref<1x80xi32, #tpu.memory_space<vmem>>
      %dma_wait3A_725 = tpu.memref_squeeze %dma_wait3A_724 : memref<1x80xi32, #tpu.memory_space<vmem>> -> memref<80xi32, #tpu.memory_space<vmem>>
      %dma_wait3A_726 = tpu.memref_slice %arg3[%add3A_721] : memref<320000xi32, #tpu.memory_space<hbm>> -> memref<80xi32, #tpu.memory_space<hbm>>
      %dma_wait3A_727 = arith.constant 0 : i32
      %dma_wait3A_728 = tpu.memref_slice %arg11[%dma_wait3A_722, %dma_wait3A_727] : memref<5x80xi32, #tpu.memory_space<vmem>> -> memref<1x80xi32, #tpu.memory_space<vmem>>
      %dma_wait3A_729 = tpu.memref_squeeze %dma_wait3A_728 : memref<1x80xi32, #tpu.memory_space<vmem>> -> memref<80xi32, #tpu.memory_space<vmem>>
      %dma_wait3A_730 = tpu.memref_slice %arg3[%add3A_721] : memref<320000xi32, #tpu.memory_space<hbm>> -> memref<80xi32, #tpu.memory_space<hbm>>
      tpu.wait_dma2 semaphore(%arg18 : memref<!tpu.dma_semaphore, #tpu.memory_space<semaphore_mem>>) src(%dma_wait3A_730 : memref<80xi32, #tpu.memory_space<hbm>>) dst(%dma_wait3A_729 : memref<80xi32, #tpu.memory_space<vmem>>)
      %add3A_731 = arith.constant 160 : i32
      %add3A_732 = arith.addi %add3A_704, %add3A_731 : i32
      %dma_wait3A_733 = arith.constant 2 : i32
      %dma_wait3A_734 = arith.constant 0 : i32
      %dma_wait3A_735 = tpu.memref_slice %arg11[%dma_wait3A_733, %dma_wait3A_734] : memref<5x80xi32, #tpu.memory_space<vmem>> -> memref<1x80xi32, #tpu.memory_space<vmem>>
      %dma_wait3A_736 = tpu.memref_squeeze %dma_wait3A_735 : memref<1x80xi32, #tpu.memory_space<vmem>> -> memref<80xi32, #tpu.memory_space<vmem>>
      %dma_wait3A_737 = tpu.memref_slice %arg3[%add3A_732] : memref<320000xi32, #tpu.memory_space<hbm>> -> memref<80xi32, #tpu.memory_space<hbm>>
      %dma_wait3A_738 = arith.constant 0 : i32
      %dma_wait3A_739 = tpu.memref_slice %arg11[%dma_wait3A_733, %dma_wait3A_738] : memref<5x80xi32, #tpu.memory_space<vmem>> -> memref<1x80xi32, #tpu.memory_space<vmem>>
      %dma_wait3A_740 = tpu.memref_squeeze %dma_wait3A_739 : memref<1x80xi32, #tpu.memory_space<vmem>> -> memref<80xi32, #tpu.memory_space<vmem>>
      %dma_wait3A_741 = tpu.memref_slice %arg3[%add3A_732] : memref<320000xi32, #tpu.memory_space<hbm>> -> memref<80xi32, #tpu.memory_space<hbm>>
      tpu.wait_dma2 semaphore(%arg18 : memref<!tpu.dma_semaphore, #tpu.memory_space<semaphore_mem>>) src(%dma_wait3A_741 : memref<80xi32, #tpu.memory_space<hbm>>) dst(%dma_wait3A_740 : memref<80xi32, #tpu.memory_space<vmem>>)
      %add3A_742 = arith.constant 240 : i32
      %add3A_743 = arith.addi %add3A_704, %add3A_742 : i32
      %dma_wait3A_744 = arith.constant 3 : i32
      %dma_wait3A_745 = arith.constant 0 : i32
      %dma_wait3A_746 = tpu.memref_slice %arg11[%dma_wait3A_744, %dma_wait3A_745] : memref<5x80xi32, #tpu.memory_space<vmem>> -> memref<1x80xi32, #tpu.memory_space<vmem>>
      %dma_wait3A_747 = tpu.memref_squeeze %dma_wait3A_746 : memref<1x80xi32, #tpu.memory_space<vmem>> -> memref<80xi32, #tpu.memory_space<vmem>>
      %dma_wait3A_748 = tpu.memref_slice %arg3[%add3A_743] : memref<320000xi32, #tpu.memory_space<hbm>> -> memref<80xi32, #tpu.memory_space<hbm>>
      %dma_wait3A_749 = arith.constant 0 : i32
      %dma_wait3A_750 = tpu.memref_slice %arg11[%dma_wait3A_744, %dma_wait3A_749] : memref<5x80xi32, #tpu.memory_space<vmem>> -> memref<1x80xi32, #tpu.memory_space<vmem>>
      %dma_wait3A_751 = tpu.memref_squeeze %dma_wait3A_750 : memref<1x80xi32, #tpu.memory_space<vmem>> -> memref<80xi32, #tpu.memory_space<vmem>>
      %dma_wait3A_752 = tpu.memref_slice %arg3[%add3A_743] : memref<320000xi32, #tpu.memory_space<hbm>> -> memref<80xi32, #tpu.memory_space<hbm>>
      tpu.wait_dma2 semaphore(%arg18 : memref<!tpu.dma_semaphore, #tpu.memory_space<semaphore_mem>>) src(%dma_wait3A_752 : memref<80xi32, #tpu.memory_space<hbm>>) dst(%dma_wait3A_751 : memref<80xi32, #tpu.memory_space<vmem>>)
      %add3A_753 = arith.constant 320 : i32
      %add3A_754 = arith.addi %add3A_704, %add3A_753 : i32
      %dma_wait3A_755 = arith.constant 4 : i32
      %dma_wait3A_756 = arith.constant 0 : i32
      %dma_wait3A_757 = tpu.memref_slice %arg11[%dma_wait3A_755, %dma_wait3A_756] : memref<5x80xi32, #tpu.memory_space<vmem>> -> memref<1x80xi32, #tpu.memory_space<vmem>>
      %dma_wait3A_758 = tpu.memref_squeeze %dma_wait3A_757 : memref<1x80xi32, #tpu.memory_space<vmem>> -> memref<80xi32, #tpu.memory_space<vmem>>
      %dma_wait3A_759 = tpu.memref_slice %arg3[%add3A_754] : memref<320000xi32, #tpu.memory_space<hbm>> -> memref<80xi32, #tpu.memory_space<hbm>>
      %dma_wait3A_760 = arith.constant 0 : i32
      %dma_wait3A_761 = tpu.memref_slice %arg11[%dma_wait3A_755, %dma_wait3A_760] : memref<5x80xi32, #tpu.memory_space<vmem>> -> memref<1x80xi32, #tpu.memory_space<vmem>>
      %dma_wait3A_762 = tpu.memref_squeeze %dma_wait3A_761 : memref<1x80xi32, #tpu.memory_space<vmem>> -> memref<80xi32, #tpu.memory_space<vmem>>
      %dma_wait3A_763 = tpu.memref_slice %arg3[%add3A_754] : memref<320000xi32, #tpu.memory_space<hbm>> -> memref<80xi32, #tpu.memory_space<hbm>>
      tpu.wait_dma2 semaphore(%arg18 : memref<!tpu.dma_semaphore, #tpu.memory_space<semaphore_mem>>) src(%dma_wait3A_763 : memref<80xi32, #tpu.memory_space<hbm>>) dst(%dma_wait3A_762 : memref<80xi32, #tpu.memory_space<vmem>>)
      %add3A_764 = arith.constant 2 : i32
      %add3A_765 = arith.addi %mul3A_389, %add3A_764 : i32
      %mul3A_766 = arith.constant 400 : i32
      %mul3A_767 = arith.muli %add3A_765, %mul3A_766 : i32
      %add3A_768 = arith.addi %mul3A_2, %mul3A_767 : i32
      %dma_start3A_769 = arith.constant 0 : i32
      %dma_start3A_770 = arith.constant 0 : i32
      %dma_start3A_771 = tpu.memref_slice %arg8[%dma_start3A_769, %dma_start3A_770] : memref<400x128xf32, #tpu.memory_space<vmem>> -> memref<200x128xf32, #tpu.memory_space<vmem>>
      %dma_start3A_772 = arith.constant 0 : i32
      %dma_start3A_773 = tpu.memref_slice %arg2[%add3A_768, %dma_start3A_772] : memref<320000x128xf32, #tpu.memory_space<hbm>> -> memref<200x128xf32, #tpu.memory_space<hbm>>
      %dma_start3A_774 = arith.constant 0 : i32
      %dma_start3A_775 = arith.constant 0 : i32
      %dma_start3A_776 = tpu.memref_slice %arg8[%dma_start3A_774, %dma_start3A_775] : memref<400x128xf32, #tpu.memory_space<vmem>> -> memref<200x128xf32, #tpu.memory_space<vmem>>
      %dma_start3A_777 = arith.constant 0 : i32
      %dma_start3A_778 = tpu.memref_slice %arg2[%add3A_768, %dma_start3A_777] : memref<320000x128xf32, #tpu.memory_space<hbm>> -> memref<200x128xf32, #tpu.memory_space<hbm>>
      tpu.enqueue_dma source(%dma_start3A_778 : memref<200x128xf32, #tpu.memory_space<hbm>>) target(%dma_start3A_776 : memref<200x128xf32, #tpu.memory_space<vmem>>) target_semaphore(%arg17 : memref<!tpu.dma_semaphore, #tpu.memory_space<semaphore_mem>>)
      %add3A_779 = arith.constant 200 : i32
      %add3A_780 = arith.addi %add3A_768, %add3A_779 : i32
      %dma_start3A_781 = arith.constant 200 : i32
      %dma_start3A_782 = arith.constant 0 : i32
      %dma_start3A_783 = tpu.memref_slice %arg8[%dma_start3A_781, %dma_start3A_782] : memref<400x128xf32, #tpu.memory_space<vmem>> -> memref<200x128xf32, #tpu.memory_space<vmem>>
      %dma_start3A_784 = arith.constant 0 : i32
      %dma_start3A_785 = tpu.memref_slice %arg2[%add3A_780, %dma_start3A_784] : memref<320000x128xf32, #tpu.memory_space<hbm>> -> memref<200x128xf32, #tpu.memory_space<hbm>>
      %dma_start3A_786 = arith.constant 200 : i32
      %dma_start3A_787 = arith.constant 0 : i32
      %dma_start3A_788 = tpu.memref_slice %arg8[%dma_start3A_786, %dma_start3A_787] : memref<400x128xf32, #tpu.memory_space<vmem>> -> memref<200x128xf32, #tpu.memory_space<vmem>>
      %dma_start3A_789 = arith.constant 0 : i32
      %dma_start3A_790 = tpu.memref_slice %arg2[%add3A_780, %dma_start3A_789] : memref<320000x128xf32, #tpu.memory_space<hbm>> -> memref<200x128xf32, #tpu.memory_space<hbm>>
      tpu.enqueue_dma source(%dma_start3A_790 : memref<200x128xf32, #tpu.memory_space<hbm>>) target(%dma_start3A_788 : memref<200x128xf32, #tpu.memory_space<vmem>>) target_semaphore(%arg17 : memref<!tpu.dma_semaphore, #tpu.memory_space<semaphore_mem>>)
      %add3A_791 = arith.constant 0 : i32
      %add3A_792 = arith.addi %add3A_768, %add3A_791 : i32
      %dma_start3A_793 = arith.constant 0 : i32
      %dma_start3A_794 = arith.constant 0 : i32
      %dma_start3A_795 = tpu.memref_slice %arg9[%dma_start3A_793, %dma_start3A_794] : memref<5x80xi32, #tpu.memory_space<vmem>> -> memref<1x80xi32, #tpu.memory_space<vmem>>
      %dma_start3A_796 = tpu.memref_squeeze %dma_start3A_795 : memref<1x80xi32, #tpu.memory_space<vmem>> -> memref<80xi32, #tpu.memory_space<vmem>>
      %dma_start3A_797 = tpu.memref_slice %arg3[%add3A_792] : memref<320000xi32, #tpu.memory_space<hbm>> -> memref<80xi32, #tpu.memory_space<hbm>>
      %dma_start3A_798 = arith.constant 0 : i32
      %dma_start3A_799 = tpu.memref_slice %arg9[%dma_start3A_793, %dma_start3A_798] : memref<5x80xi32, #tpu.memory_space<vmem>> -> memref<1x80xi32, #tpu.memory_space<vmem>>
      %dma_start3A_800 = tpu.memref_squeeze %dma_start3A_799 : memref<1x80xi32, #tpu.memory_space<vmem>> -> memref<80xi32, #tpu.memory_space<vmem>>
      %dma_start3A_801 = tpu.memref_slice %arg3[%add3A_792] : memref<320000xi32, #tpu.memory_space<hbm>> -> memref<80xi32, #tpu.memory_space<hbm>>
      tpu.enqueue_dma source(%dma_start3A_801 : memref<80xi32, #tpu.memory_space<hbm>>) target(%dma_start3A_800 : memref<80xi32, #tpu.memory_space<vmem>>) target_semaphore(%arg17 : memref<!tpu.dma_semaphore, #tpu.memory_space<semaphore_mem>>)
      %add3A_802 = arith.constant 80 : i32
      %add3A_803 = arith.addi %add3A_768, %add3A_802 : i32
      %dma_start3A_804 = arith.constant 1 : i32
      %dma_start3A_805 = arith.constant 0 : i32
      %dma_start3A_806 = tpu.memref_slice %arg9[%dma_start3A_804, %dma_start3A_805] : memref<5x80xi32, #tpu.memory_space<vmem>> -> memref<1x80xi32, #tpu.memory_space<vmem>>
      %dma_start3A_807 = tpu.memref_squeeze %dma_start3A_806 : memref<1x80xi32, #tpu.memory_space<vmem>> -> memref<80xi32, #tpu.memory_space<vmem>>
      %dma_start3A_808 = tpu.memref_slice %arg3[%add3A_803] : memref<320000xi32, #tpu.memory_space<hbm>> -> memref<80xi32, #tpu.memory_space<hbm>>
      %dma_start3A_809 = arith.constant 0 : i32
      %dma_start3A_810 = tpu.memref_slice %arg9[%dma_start3A_804, %dma_start3A_809] : memref<5x80xi32, #tpu.memory_space<vmem>> -> memref<1x80xi32, #tpu.memory_space<vmem>>
      %dma_start3A_811 = tpu.memref_squeeze %dma_start3A_810 : memref<1x80xi32, #tpu.memory_space<vmem>> -> memref<80xi32, #tpu.memory_space<vmem>>
      %dma_start3A_812 = tpu.memref_slice %arg3[%add3A_803] : memref<320000xi32, #tpu.memory_space<hbm>> -> memref<80xi32, #tpu.memory_space<hbm>>
      tpu.enqueue_dma source(%dma_start3A_812 : memref<80xi32, #tpu.memory_space<hbm>>) target(%dma_start3A_811 : memref<80xi32, #tpu.memory_space<vmem>>) target_semaphore(%arg17 : memref<!tpu.dma_semaphore, #tpu.memory_space<semaphore_mem>>)
      %add3A_813 = arith.constant 160 : i32
      %add3A_814 = arith.addi %add3A_768, %add3A_813 : i32
      %dma_start3A_815 = arith.constant 2 : i32
      %dma_start3A_816 = arith.constant 0 : i32
      %dma_start3A_817 = tpu.memref_slice %arg9[%dma_start3A_815, %dma_start3A_816] : memref<5x80xi32, #tpu.memory_space<vmem>> -> memref<1x80xi32, #tpu.memory_space<vmem>>
      %dma_start3A_818 = tpu.memref_squeeze %dma_start3A_817 : memref<1x80xi32, #tpu.memory_space<vmem>> -> memref<80xi32, #tpu.memory_space<vmem>>
      %dma_start3A_819 = tpu.memref_slice %arg3[%add3A_814] : memref<320000xi32, #tpu.memory_space<hbm>> -> memref<80xi32, #tpu.memory_space<hbm>>
      %dma_start3A_820 = arith.constant 0 : i32
      %dma_start3A_821 = tpu.memref_slice %arg9[%dma_start3A_815, %dma_start3A_820] : memref<5x80xi32, #tpu.memory_space<vmem>> -> memref<1x80xi32, #tpu.memory_space<vmem>>
      %dma_start3A_822 = tpu.memref_squeeze %dma_start3A_821 : memref<1x80xi32, #tpu.memory_space<vmem>> -> memref<80xi32, #tpu.memory_space<vmem>>
      %dma_start3A_823 = tpu.memref_slice %arg3[%add3A_814] : memref<320000xi32, #tpu.memory_space<hbm>> -> memref<80xi32, #tpu.memory_space<hbm>>
      tpu.enqueue_dma source(%dma_start3A_823 : memref<80xi32, #tpu.memory_space<hbm>>) target(%dma_start3A_822 : memref<80xi32, #tpu.memory_space<vmem>>) target_semaphore(%arg17 : memref<!tpu.dma_semaphore, #tpu.memory_space<semaphore_mem>>)
      %add3A_824 = arith.constant 240 : i32
      %add3A_825 = arith.addi %add3A_768, %add3A_824 : i32
      %dma_start3A_826 = arith.constant 3 : i32
      %dma_start3A_827 = arith.constant 0 : i32
      %dma_start3A_828 = tpu.memref_slice %arg9[%dma_start3A_826, %dma_start3A_827] : memref<5x80xi32, #tpu.memory_space<vmem>> -> memref<1x80xi32, #tpu.memory_space<vmem>>
      %dma_start3A_829 = tpu.memref_squeeze %dma_start3A_828 : memref<1x80xi32, #tpu.memory_space<vmem>> -> memref<80xi32, #tpu.memory_space<vmem>>
      %dma_start3A_830 = tpu.memref_slice %arg3[%add3A_825] : memref<320000xi32, #tpu.memory_space<hbm>> -> memref<80xi32, #tpu.memory_space<hbm>>
      %dma_start3A_831 = arith.constant 0 : i32
      %dma_start3A_832 = tpu.memref_slice %arg9[%dma_start3A_826, %dma_start3A_831] : memref<5x80xi32, #tpu.memory_space<vmem>> -> memref<1x80xi32, #tpu.memory_space<vmem>>
      %dma_start3A_833 = tpu.memref_squeeze %dma_start3A_832 : memref<1x80xi32, #tpu.memory_space<vmem>> -> memref<80xi32, #tpu.memory_space<vmem>>
      %dma_start3A_834 = tpu.memref_slice %arg3[%add3A_825] : memref<320000xi32, #tpu.memory_space<hbm>> -> memref<80xi32, #tpu.memory_space<hbm>>
      tpu.enqueue_dma source(%dma_start3A_834 : memref<80xi32, #tpu.memory_space<hbm>>) target(%dma_start3A_833 : memref<80xi32, #tpu.memory_space<vmem>>) target_semaphore(%arg17 : memref<!tpu.dma_semaphore, #tpu.memory_space<semaphore_mem>>)
      %add3A_835 = arith.constant 320 : i32
      %add3A_836 = arith.addi %add3A_768, %add3A_835 : i32
      %dma_start3A_837 = arith.constant 4 : i32
      %dma_start3A_838 = arith.constant 0 : i32
      %dma_start3A_839 = tpu.memref_slice %arg9[%dma_start3A_837, %dma_start3A_838] : memref<5x80xi32, #tpu.memory_space<vmem>> -> memref<1x80xi32, #tpu.memory_space<vmem>>
      %dma_start3A_840 = tpu.memref_squeeze %dma_start3A_839 : memref<1x80xi32, #tpu.memory_space<vmem>> -> memref<80xi32, #tpu.memory_space<vmem>>
      %dma_start3A_841 = tpu.memref_slice %arg3[%add3A_836] : memref<320000xi32, #tpu.memory_space<hbm>> -> memref<80xi32, #tpu.memory_space<hbm>>
      %dma_start3A_842 = arith.constant 0 : i32
      %dma_start3A_843 = tpu.memref_slice %arg9[%dma_start3A_837, %dma_start3A_842] : memref<5x80xi32, #tpu.memory_space<vmem>> -> memref<1x80xi32, #tpu.memory_space<vmem>>
      %dma_start3A_844 = tpu.memref_squeeze %dma_start3A_843 : memref<1x80xi32, #tpu.memory_space<vmem>> -> memref<80xi32, #tpu.memory_space<vmem>>
      %dma_start3A_845 = tpu.memref_slice %arg3[%add3A_836] : memref<320000xi32, #tpu.memory_space<hbm>> -> memref<80xi32, #tpu.memory_space<hbm>>
      tpu.enqueue_dma source(%dma_start3A_845 : memref<80xi32, #tpu.memory_space<hbm>>) target(%dma_start3A_844 : memref<80xi32, #tpu.memory_space<vmem>>) target_semaphore(%arg17 : memref<!tpu.dma_semaphore, #tpu.memory_space<semaphore_mem>>)
      %dma_start3A_846 = arith.constant 0 : i32
      %dma_start3A_847 = arith.constant 0 : i32
      %dma_start3A_848 = arith.constant 0 : i32
      %dma_start3A_849 = tpu.memref_slice %arg10[%dma_start3A_847, %dma_start3A_848] : memref<400x128xf32, #tpu.memory_space<vmem>> -> memref<80x128xf32, #tpu.memory_space<vmem>>
      %dma_start3A_850 = arith.constant 0 : i32
      %dma_start3A_851 = tpu.memref_slice %arg11[%dma_start3A_846, %dma_start3A_850] : memref<5x80xi32, #tpu.memory_space<vmem>> -> memref<1x80xi32, #tpu.memory_space<vmem>>
      %dma_start3A_852 = tpu.memref_squeeze %dma_start3A_851 : memref<1x80xi32, #tpu.memory_space<vmem>> -> memref<80xi32, #tpu.memory_space<vmem>>
      %dma_start3A_853 = arith.constant 0 : i32
      %dma_start3A_854 = arith.constant 0 : i32
      %dma_start3A_855 = tpu.memref_slice %arg15[%dma_start3A_853, %dma_start3A_854] : memref<1024x128xf32, #tpu.memory_space<vmem_shared>> -> memref<1024x128xf32, #tpu.memory_space<vmem_shared>>
      tpu.enqueue_indirect_dma source(%dma_start3A_849 : memref<80x128xf32, #tpu.memory_space<vmem>>) target(%dma_start3A_855 : memref<1024x128xf32, #tpu.memory_space<vmem_shared>>) offsets(%dma_start3A_852 : memref<80xi32, #tpu.memory_space<vmem>>) semaphore(%arg19 : memref<!tpu.dma_semaphore, #tpu.memory_space<semaphore_mem>>) {add = true}
      %dma_start3A_856 = arith.constant 0 : i32
      %dma_start3A_857 = arith.constant 0 : i32
      %dma_start3A_858 = tpu.memref_slice %arg11[%dma_start3A_856, %dma_start3A_857] : memref<5x80xi32, #tpu.memory_space<vmem>> -> memref<1x80xi32, #tpu.memory_space<vmem>>
      %dma_start3A_859 = tpu.memref_squeeze %dma_start3A_858 : memref<1x80xi32, #tpu.memory_space<vmem>> -> memref<80xi32, #tpu.memory_space<vmem>>
      %dma_start3A_860 = arith.constant 0 : i32
      %dma_start3A_861 = tpu.memref_slice %arg16[%dma_start3A_860] : memref<1024xf32, #tpu.memory_space<vmem_shared>> -> memref<1024xf32, #tpu.memory_space<vmem_shared>>
      tpu.enqueue_indirect_dma source(%arg12 : memref<80xf32, #tpu.memory_space<vmem>>) target(%dma_start3A_861 : memref<1024xf32, #tpu.memory_space<vmem_shared>>) offsets(%dma_start3A_859 : memref<80xi32, #tpu.memory_space<vmem>>) semaphore(%arg19 : memref<!tpu.dma_semaphore, #tpu.memory_space<semaphore_mem>>) {add = true}
      %dma_start3A_862 = arith.constant 1 : i32
      %dma_start3A_863 = arith.constant 80 : i32
      %dma_start3A_864 = arith.constant 0 : i32
      %dma_start3A_865 = tpu.memref_slice %arg10[%dma_start3A_863, %dma_start3A_864] : memref<400x128xf32, #tpu.memory_space<vmem>> -> memref<80x128xf32, #tpu.memory_space<vmem>>
      %dma_start3A_866 = arith.constant 0 : i32
      %dma_start3A_867 = tpu.memref_slice %arg11[%dma_start3A_862, %dma_start3A_866] : memref<5x80xi32, #tpu.memory_space<vmem>> -> memref<1x80xi32, #tpu.memory_space<vmem>>
      %dma_start3A_868 = tpu.memref_squeeze %dma_start3A_867 : memref<1x80xi32, #tpu.memory_space<vmem>> -> memref<80xi32, #tpu.memory_space<vmem>>
      %dma_start3A_869 = arith.constant 0 : i32
      %dma_start3A_870 = arith.constant 0 : i32
      %dma_start3A_871 = tpu.memref_slice %arg15[%dma_start3A_869, %dma_start3A_870] : memref<1024x128xf32, #tpu.memory_space<vmem_shared>> -> memref<1024x128xf32, #tpu.memory_space<vmem_shared>>
      tpu.enqueue_indirect_dma source(%dma_start3A_865 : memref<80x128xf32, #tpu.memory_space<vmem>>) target(%dma_start3A_871 : memref<1024x128xf32, #tpu.memory_space<vmem_shared>>) offsets(%dma_start3A_868 : memref<80xi32, #tpu.memory_space<vmem>>) semaphore(%arg19 : memref<!tpu.dma_semaphore, #tpu.memory_space<semaphore_mem>>) {add = true}
      %dma_start3A_872 = arith.constant 1 : i32
      %dma_start3A_873 = arith.constant 0 : i32
      %dma_start3A_874 = tpu.memref_slice %arg11[%dma_start3A_872, %dma_start3A_873] : memref<5x80xi32, #tpu.memory_space<vmem>> -> memref<1x80xi32, #tpu.memory_space<vmem>>
      %dma_start3A_875 = tpu.memref_squeeze %dma_start3A_874 : memref<1x80xi32, #tpu.memory_space<vmem>> -> memref<80xi32, #tpu.memory_space<vmem>>
      %dma_start3A_876 = arith.constant 0 : i32
      %dma_start3A_877 = tpu.memref_slice %arg16[%dma_start3A_876] : memref<1024xf32, #tpu.memory_space<vmem_shared>> -> memref<1024xf32, #tpu.memory_space<vmem_shared>>
      tpu.enqueue_indirect_dma source(%arg12 : memref<80xf32, #tpu.memory_space<vmem>>) target(%dma_start3A_877 : memref<1024xf32, #tpu.memory_space<vmem_shared>>) offsets(%dma_start3A_875 : memref<80xi32, #tpu.memory_space<vmem>>) semaphore(%arg19 : memref<!tpu.dma_semaphore, #tpu.memory_space<semaphore_mem>>) {add = true}
      %dma_start3A_878 = arith.constant 2 : i32
      %dma_start3A_879 = arith.constant 160 : i32
      %dma_start3A_880 = arith.constant 0 : i32
      %dma_start3A_881 = tpu.memref_slice %arg10[%dma_start3A_879, %dma_start3A_880] : memref<400x128xf32, #tpu.memory_space<vmem>> -> memref<80x128xf32, #tpu.memory_space<vmem>>
      %dma_start3A_882 = arith.constant 0 : i32
      %dma_start3A_883 = tpu.memref_slice %arg11[%dma_start3A_878, %dma_start3A_882] : memref<5x80xi32, #tpu.memory_space<vmem>> -> memref<1x80xi32, #tpu.memory_space<vmem>>
      %dma_start3A_884 = tpu.memref_squeeze %dma_start3A_883 : memref<1x80xi32, #tpu.memory_space<vmem>> -> memref<80xi32, #tpu.memory_space<vmem>>
      %dma_start3A_885 = arith.constant 0 : i32
      %dma_start3A_886 = arith.constant 0 : i32
      %dma_start3A_887 = tpu.memref_slice %arg15[%dma_start3A_885, %dma_start3A_886] : memref<1024x128xf32, #tpu.memory_space<vmem_shared>> -> memref<1024x128xf32, #tpu.memory_space<vmem_shared>>
      tpu.enqueue_indirect_dma source(%dma_start3A_881 : memref<80x128xf32, #tpu.memory_space<vmem>>) target(%dma_start3A_887 : memref<1024x128xf32, #tpu.memory_space<vmem_shared>>) offsets(%dma_start3A_884 : memref<80xi32, #tpu.memory_space<vmem>>) semaphore(%arg19 : memref<!tpu.dma_semaphore, #tpu.memory_space<semaphore_mem>>) {add = true}
      %dma_start3A_888 = arith.constant 2 : i32
      %dma_start3A_889 = arith.constant 0 : i32
      %dma_start3A_890 = tpu.memref_slice %arg11[%dma_start3A_888, %dma_start3A_889] : memref<5x80xi32, #tpu.memory_space<vmem>> -> memref<1x80xi32, #tpu.memory_space<vmem>>
      %dma_start3A_891 = tpu.memref_squeeze %dma_start3A_890 : memref<1x80xi32, #tpu.memory_space<vmem>> -> memref<80xi32, #tpu.memory_space<vmem>>
      %dma_start3A_892 = arith.constant 0 : i32
      %dma_start3A_893 = tpu.memref_slice %arg16[%dma_start3A_892] : memref<1024xf32, #tpu.memory_space<vmem_shared>> -> memref<1024xf32, #tpu.memory_space<vmem_shared>>
      tpu.enqueue_indirect_dma source(%arg12 : memref<80xf32, #tpu.memory_space<vmem>>) target(%dma_start3A_893 : memref<1024xf32, #tpu.memory_space<vmem_shared>>) offsets(%dma_start3A_891 : memref<80xi32, #tpu.memory_space<vmem>>) semaphore(%arg19 : memref<!tpu.dma_semaphore, #tpu.memory_space<semaphore_mem>>) {add = true}
      %dma_start3A_894 = arith.constant 3 : i32
      %dma_start3A_895 = arith.constant 240 : i32
      %dma_start3A_896 = arith.constant 0 : i32
      %dma_start3A_897 = tpu.memref_slice %arg10[%dma_start3A_895, %dma_start3A_896] : memref<400x128xf32, #tpu.memory_space<vmem>> -> memref<80x128xf32, #tpu.memory_space<vmem>>
      %dma_start3A_898 = arith.constant 0 : i32
      %dma_start3A_899 = tpu.memref_slice %arg11[%dma_start3A_894, %dma_start3A_898] : memref<5x80xi32, #tpu.memory_space<vmem>> -> memref<1x80xi32, #tpu.memory_space<vmem>>
      %dma_start3A_900 = tpu.memref_squeeze %dma_start3A_899 : memref<1x80xi32, #tpu.memory_space<vmem>> -> memref<80xi32, #tpu.memory_space<vmem>>
      %dma_start3A_901 = arith.constant 0 : i32
      %dma_start3A_902 = arith.constant 0 : i32
      %dma_start3A_903 = tpu.memref_slice %arg15[%dma_start3A_901, %dma_start3A_902] : memref<1024x128xf32, #tpu.memory_space<vmem_shared>> -> memref<1024x128xf32, #tpu.memory_space<vmem_shared>>
      tpu.enqueue_indirect_dma source(%dma_start3A_897 : memref<80x128xf32, #tpu.memory_space<vmem>>) target(%dma_start3A_903 : memref<1024x128xf32, #tpu.memory_space<vmem_shared>>) offsets(%dma_start3A_900 : memref<80xi32, #tpu.memory_space<vmem>>) semaphore(%arg19 : memref<!tpu.dma_semaphore, #tpu.memory_space<semaphore_mem>>) {add = true}
      %dma_start3A_904 = arith.constant 3 : i32
      %dma_start3A_905 = arith.constant 0 : i32
      %dma_start3A_906 = tpu.memref_slice %arg11[%dma_start3A_904, %dma_start3A_905] : memref<5x80xi32, #tpu.memory_space<vmem>> -> memref<1x80xi32, #tpu.memory_space<vmem>>
      %dma_start3A_907 = tpu.memref_squeeze %dma_start3A_906 : memref<1x80xi32, #tpu.memory_space<vmem>> -> memref<80xi32, #tpu.memory_space<vmem>>
      %dma_start3A_908 = arith.constant 0 : i32
      %dma_start3A_909 = tpu.memref_slice %arg16[%dma_start3A_908] : memref<1024xf32, #tpu.memory_space<vmem_shared>> -> memref<1024xf32, #tpu.memory_space<vmem_shared>>
      tpu.enqueue_indirect_dma source(%arg12 : memref<80xf32, #tpu.memory_space<vmem>>) target(%dma_start3A_909 : memref<1024xf32, #tpu.memory_space<vmem_shared>>) offsets(%dma_start3A_907 : memref<80xi32, #tpu.memory_space<vmem>>) semaphore(%arg19 : memref<!tpu.dma_semaphore, #tpu.memory_space<semaphore_mem>>) {add = true}
      %dma_start3A_910 = arith.constant 4 : i32
      %dma_start3A_911 = arith.constant 320 : i32
      %dma_start3A_912 = arith.constant 0 : i32
      %dma_start3A_913 = tpu.memref_slice %arg10[%dma_start3A_911, %dma_start3A_912] : memref<400x128xf32, #tpu.memory_space<vmem>> -> memref<80x128xf32, #tpu.memory_space<vmem>>
      %dma_start3A_914 = arith.constant 0 : i32
      %dma_start3A_915 = tpu.memref_slice %arg11[%dma_start3A_910, %dma_start3A_914] : memref<5x80xi32, #tpu.memory_space<vmem>> -> memref<1x80xi32, #tpu.memory_space<vmem>>
      %dma_start3A_916 = tpu.memref_squeeze %dma_start3A_915 : memref<1x80xi32, #tpu.memory_space<vmem>> -> memref<80xi32, #tpu.memory_space<vmem>>
      %dma_start3A_917 = arith.constant 0 : i32
      %dma_start3A_918 = arith.constant 0 : i32
      %dma_start3A_919 = tpu.memref_slice %arg15[%dma_start3A_917, %dma_start3A_918] : memref<1024x128xf32, #tpu.memory_space<vmem_shared>> -> memref<1024x128xf32, #tpu.memory_space<vmem_shared>>
      tpu.enqueue_indirect_dma source(%dma_start3A_913 : memref<80x128xf32, #tpu.memory_space<vmem>>) target(%dma_start3A_919 : memref<1024x128xf32, #tpu.memory_space<vmem_shared>>) offsets(%dma_start3A_916 : memref<80xi32, #tpu.memory_space<vmem>>) semaphore(%arg19 : memref<!tpu.dma_semaphore, #tpu.memory_space<semaphore_mem>>) {add = true}
      %dma_start3A_920 = arith.constant 4 : i32
      %dma_start3A_921 = arith.constant 0 : i32
      %dma_start3A_922 = tpu.memref_slice %arg11[%dma_start3A_920, %dma_start3A_921] : memref<5x80xi32, #tpu.memory_space<vmem>> -> memref<1x80xi32, #tpu.memory_space<vmem>>
      %dma_start3A_923 = tpu.memref_squeeze %dma_start3A_922 : memref<1x80xi32, #tpu.memory_space<vmem>> -> memref<80xi32, #tpu.memory_space<vmem>>
      %dma_start3A_924 = arith.constant 0 : i32
      %dma_start3A_925 = tpu.memref_slice %arg16[%dma_start3A_924] : memref<1024xf32, #tpu.memory_space<vmem_shared>> -> memref<1024xf32, #tpu.memory_space<vmem_shared>>
      tpu.enqueue_indirect_dma source(%arg12 : memref<80xf32, #tpu.memory_space<vmem>>) target(%dma_start3A_925 : memref<1024xf32, #tpu.memory_space<vmem_shared>>) offsets(%dma_start3A_923 : memref<80xi32, #tpu.memory_space<vmem>>) semaphore(%arg19 : memref<!tpu.dma_semaphore, #tpu.memory_space<semaphore_mem>>) {add = true}
      %scan3A_926 = arith.constant 0 : i32
      %scan3A_927 = arith.constant 400 : i32
      %scan3A_928 = arith.addi %scan3A_926, %scan3A_927 : i32
      %scan3A_929 = arith.constant 1 : i32
      %scan3A_930:8 = scf.for %scan3A_1012 = %scan3A_926 to %scan3A_928 step %scan3A_929 iter_args(%scan3A_1013 = %scan3A_618#0, %scan3A_1014 = %scan3A_618#1, %scan3A_1015 = %scan3A_618#2, %scan3A_1016 = %scan3A_618#3, %scan3A_1017 = %scan3A_618#4, %scan3A_1018 = %scan3A_618#5, %scan3A_1019 = %scan3A_618#6, %scan3A_1020 = %scan3A_618#7) -> (vector<16xf32>, vector<16xf32>, vector<16xf32>, vector<16xf32>, vector<16xf32>, vector<16xf32>, vector<16xf32>, vector<16xf32>)  : i32 {
        %get3A = arith.index_cast %scan3A_1012 : i32 to index
        %get3A_1021 = arith.constant 0 : index
        %get3A_1022 = tpu.vector_load %arg10[%get3A, %get3A_1021] {strides = array<i32>} : memref<400x128xf32, #tpu.memory_space<vmem>>, vector<1x16xf32>,
        %get3A_1023 = vector.shape_cast %get3A_1022 : vector<1x16xf32> to vector<16xf32>
        %mul3A_1024 = arith.mulf %get3A_1023, %get3A_1023 : vector<16xf32>
        %add3A_1025 = arith.addf %scan3A_1013, %mul3A_1024 : vector<16xf32>
        %get3A_1026 = arith.index_cast %scan3A_1012 : i32 to index
        %get3A_1027 = arith.constant 16 : index
        %get3A_1028 = tpu.vector_load %arg10[%get3A_1026, %get3A_1027] {strides = array<i32>} : memref<400x128xf32, #tpu.memory_space<vmem>>, vector<1x16xf32>,
        %get3A_1029 = vector.shape_cast %get3A_1028 : vector<1x16xf32> to vector<16xf32>
        %mul3A_1030 = arith.mulf %get3A_1029, %get3A_1029 : vector<16xf32>
        %add3A_1031 = arith.addf %scan3A_1014, %mul3A_1030 : vector<16xf32>
        %get3A_1032 = arith.index_cast %scan3A_1012 : i32 to index
        %get3A_1033 = arith.constant 32 : index
        %get3A_1034 = tpu.vector_load %arg10[%get3A_1032, %get3A_1033] {strides = array<i32>} : memref<400x128xf32, #tpu.memory_space<vmem>>, vector<1x16xf32>,
        %get3A_1035 = vector.shape_cast %get3A_1034 : vector<1x16xf32> to vector<16xf32>
        %mul3A_1036 = arith.mulf %get3A_1035, %get3A_1035 : vector<16xf32>
        %add3A_1037 = arith.addf %scan3A_1015, %mul3A_1036 : vector<16xf32>
        %get3A_1038 = arith.index_cast %scan3A_1012 : i32 to index
        %get3A_1039 = arith.constant 48 : index
        %get3A_1040 = tpu.vector_load %arg10[%get3A_1038, %get3A_1039] {strides = array<i32>} : memref<400x128xf32, #tpu.memory_space<vmem>>, vector<1x16xf32>,
        %get3A_1041 = vector.shape_cast %get3A_1040 : vector<1x16xf32> to vector<16xf32>
        %mul3A_1042 = arith.mulf %get3A_1041, %get3A_1041 : vector<16xf32>
        %add3A_1043 = arith.addf %scan3A_1016, %mul3A_1042 : vector<16xf32>
        %get3A_1044 = arith.index_cast %scan3A_1012 : i32 to index
        %get3A_1045 = arith.constant 64 : index
        %get3A_1046 = tpu.vector_load %arg10[%get3A_1044, %get3A_1045] {strides = array<i32>} : memref<400x128xf32, #tpu.memory_space<vmem>>, vector<1x16xf32>,
        %get3A_1047 = vector.shape_cast %get3A_1046 : vector<1x16xf32> to vector<16xf32>
        %mul3A_1048 = arith.mulf %get3A_1047, %get3A_1047 : vector<16xf32>
        %add3A_1049 = arith.addf %scan3A_1017, %mul3A_1048 : vector<16xf32>
        %get3A_1050 = arith.index_cast %scan3A_1012 : i32 to index
        %get3A_1051 = arith.constant 80 : index
        %get3A_1052 = tpu.vector_load %arg10[%get3A_1050, %get3A_1051] {strides = array<i32>} : memref<400x128xf32, #tpu.memory_space<vmem>>, vector<1x16xf32>,
        %get3A_1053 = vector.shape_cast %get3A_1052 : vector<1x16xf32> to vector<16xf32>
        %mul3A_1054 = arith.mulf %get3A_1053, %get3A_1053 : vector<16xf32>
        %add3A_1055 = arith.addf %scan3A_1018, %mul3A_1054 : vector<16xf32>
        %get3A_1056 = arith.index_cast %scan3A_1012 : i32 to index
        %get3A_1057 = arith.constant 96 : index
        %get3A_1058 = tpu.vector_load %arg10[%get3A_1056, %get3A_1057] {strides = array<i32>} : memref<400x128xf32, #tpu.memory_space<vmem>>, vector<1x16xf32>,
        %get3A_1059 = vector.shape_cast %get3A_1058 : vector<1x16xf32> to vector<16xf32>
        %mul3A_1060 = arith.mulf %get3A_1059, %get3A_1059 : vector<16xf32>
        %add3A_1061 = arith.addf %scan3A_1019, %mul3A_1060 : vector<16xf32>
        %get3A_1062 = arith.index_cast %scan3A_1012 : i32 to index
        %get3A_1063 = arith.constant 112 : index
        %get3A_1064 = tpu.vector_load %arg10[%get3A_1062, %get3A_1063] {strides = array<i32>} : memref<400x128xf32, #tpu.memory_space<vmem>>, vector<1x16xf32>,
        %get3A_1065 = vector.shape_cast %get3A_1064 : vector<1x16xf32> to vector<16xf32>
        %mul3A_1066 = arith.mulf %get3A_1065, %get3A_1065 : vector<16xf32>
        %add3A_1067 = arith.addf %scan3A_1020, %mul3A_1066 : vector<16xf32>
        scf.yield %add3A_1025, %add3A_1031, %add3A_1037, %add3A_1043, %add3A_1049, %add3A_1055, %add3A_1061, %add3A_1067 : vector<16xf32>, vector<16xf32>, vector<16xf32>, vector<16xf32>, vector<16xf32>, vector<16xf32>, vector<16xf32>, vector<16xf32>
      }
      %scan3A_931 = arith.constant 400 : i32
      %dma_wait3A_932 = arith.constant 0 : i32
      %dma_wait3A_933 = arith.constant 0 : i32
      %dma_wait3A_934 = arith.constant 0 : i32
      %dma_wait3A_935 = tpu.memref_slice %arg10[%dma_wait3A_933, %dma_wait3A_934] : memref<400x128xf32, #tpu.memory_space<vmem>> -> memref<80x128xf32, #tpu.memory_space<vmem>>
      %dma_wait3A_936 = arith.constant 0 : i32
      %dma_wait3A_937 = tpu.memref_slice %arg11[%dma_wait3A_932, %dma_wait3A_936] : memref<5x80xi32, #tpu.memory_space<vmem>> -> memref<1x80xi32, #tpu.memory_space<vmem>>
      %dma_wait3A_938 = tpu.memref_squeeze %dma_wait3A_937 : memref<1x80xi32, #tpu.memory_space<vmem>> -> memref<80xi32, #tpu.memory_space<vmem>>
      %dma_wait3A_939 = arith.constant 0 : i32
      %dma_wait3A_940 = arith.constant 0 : i32
      %dma_wait3A_941 = tpu.memref_slice %arg15[%dma_wait3A_939, %dma_wait3A_940] : memref<1024x128xf32, #tpu.memory_space<vmem_shared>> -> memref<1024x128xf32, #tpu.memory_space<vmem_shared>>
      tpu.wait_indirect_dma semaphore(%arg19 : memref<!tpu.dma_semaphore, #tpu.memory_space<semaphore_mem>>) src(%dma_wait3A_935 : memref<80x128xf32, #tpu.memory_space<vmem>>) dst(%dma_wait3A_941 : memref<1024x128xf32, #tpu.memory_space<vmem_shared>>)
      %dma_wait3A_942 = arith.constant 0 : i32
      %dma_wait3A_943 = arith.constant 0 : i32
      %dma_wait3A_944 = tpu.memref_slice %arg11[%dma_wait3A_942, %dma_wait3A_943] : memref<5x80xi32, #tpu.memory_space<vmem>> -> memref<1x80xi32, #tpu.memory_space<vmem>>
      %dma_wait3A_945 = tpu.memref_squeeze %dma_wait3A_944 : memref<1x80xi32, #tpu.memory_space<vmem>> -> memref<80xi32, #tpu.memory_space<vmem>>
      %dma_wait3A_946 = arith.constant 0 : i32
      %dma_wait3A_947 = tpu.memref_slice %arg16[%dma_wait3A_946] : memref<1024xf32, #tpu.memory_space<vmem_shared>> -> memref<1024xf32, #tpu.memory_space<vmem_shared>>
      tpu.wait_indirect_dma semaphore(%arg19 : memref<!tpu.dma_semaphore, #tpu.memory_space<semaphore_mem>>) src(%arg12 : memref<80xf32, #tpu.memory_space<vmem>>) dst(%dma_wait3A_947 : memref<1024xf32, #tpu.memory_space<vmem_shared>>)
      %dma_wait3A_948 = arith.constant 1 : i32
      %dma_wait3A_949 = arith.constant 80 : i32
      %dma_wait3A_950 = arith.constant 0 : i32
      %dma_wait3A_951 = tpu.memref_slice %arg10[%dma_wait3A_949, %dma_wait3A_950] : memref<400x128xf32, #tpu.memory_space<vmem>> -> memref<80x128xf32, #tpu.memory_space<vmem>>
      %dma_wait3A_952 = arith.constant 0 : i32
      %dma_wait3A_953 = tpu.memref_slice %arg11[%dma_wait3A_948, %dma_wait3A_952] : memref<5x80xi32, #tpu.memory_space<vmem>> -> memref<1x80xi32, #tpu.memory_space<vmem>>
      %dma_wait3A_954 = tpu.memref_squeeze %dma_wait3A_953 : memref<1x80xi32, #tpu.memory_space<vmem>> -> memref<80xi32, #tpu.memory_space<vmem>>
      %dma_wait3A_955 = arith.constant 0 : i32
      %dma_wait3A_956 = arith.constant 0 : i32
      %dma_wait3A_957 = tpu.memref_slice %arg15[%dma_wait3A_955, %dma_wait3A_956] : memref<1024x128xf32, #tpu.memory_space<vmem_shared>> -> memref<1024x128xf32, #tpu.memory_space<vmem_shared>>
      tpu.wait_indirect_dma semaphore(%arg19 : memref<!tpu.dma_semaphore, #tpu.memory_space<semaphore_mem>>) src(%dma_wait3A_951 : memref<80x128xf32, #tpu.memory_space<vmem>>) dst(%dma_wait3A_957 : memref<1024x128xf32, #tpu.memory_space<vmem_shared>>)
      %dma_wait3A_958 = arith.constant 1 : i32
      %dma_wait3A_959 = arith.constant 0 : i32
      %dma_wait3A_960 = tpu.memref_slice %arg11[%dma_wait3A_958, %dma_wait3A_959] : memref<5x80xi32, #tpu.memory_space<vmem>> -> memref<1x80xi32, #tpu.memory_space<vmem>>
      %dma_wait3A_961 = tpu.memref_squeeze %dma_wait3A_960 : memref<1x80xi32, #tpu.memory_space<vmem>> -> memref<80xi32, #tpu.memory_space<vmem>>
      %dma_wait3A_962 = arith.constant 0 : i32
      %dma_wait3A_963 = tpu.memref_slice %arg16[%dma_wait3A_962] : memref<1024xf32, #tpu.memory_space<vmem_shared>> -> memref<1024xf32, #tpu.memory_space<vmem_shared>>
      tpu.wait_indirect_dma semaphore(%arg19 : memref<!tpu.dma_semaphore, #tpu.memory_space<semaphore_mem>>) src(%arg12 : memref<80xf32, #tpu.memory_space<vmem>>) dst(%dma_wait3A_963 : memref<1024xf32, #tpu.memory_space<vmem_shared>>)
      %dma_wait3A_964 = arith.constant 2 : i32
      %dma_wait3A_965 = arith.constant 160 : i32
      %dma_wait3A_966 = arith.constant 0 : i32
      %dma_wait3A_967 = tpu.memref_slice %arg10[%dma_wait3A_965, %dma_wait3A_966] : memref<400x128xf32, #tpu.memory_space<vmem>> -> memref<80x128xf32, #tpu.memory_space<vmem>>
      %dma_wait3A_968 = arith.constant 0 : i32
      %dma_wait3A_969 = tpu.memref_slice %arg11[%dma_wait3A_964, %dma_wait3A_968] : memref<5x80xi32, #tpu.memory_space<vmem>> -> memref<1x80xi32, #tpu.memory_space<vmem>>
      %dma_wait3A_970 = tpu.memref_squeeze %dma_wait3A_969 : memref<1x80xi32, #tpu.memory_space<vmem>> -> memref<80xi32, #tpu.memory_space<vmem>>
      %dma_wait3A_971 = arith.constant 0 : i32
      %dma_wait3A_972 = arith.constant 0 : i32
      %dma_wait3A_973 = tpu.memref_slice %arg15[%dma_wait3A_971, %dma_wait3A_972] : memref<1024x128xf32, #tpu.memory_space<vmem_shared>> -> memref<1024x128xf32, #tpu.memory_space<vmem_shared>>
      tpu.wait_indirect_dma semaphore(%arg19 : memref<!tpu.dma_semaphore, #tpu.memory_space<semaphore_mem>>) src(%dma_wait3A_967 : memref<80x128xf32, #tpu.memory_space<vmem>>) dst(%dma_wait3A_973 : memref<1024x128xf32, #tpu.memory_space<vmem_shared>>)
      %dma_wait3A_974 = arith.constant 2 : i32
      %dma_wait3A_975 = arith.constant 0 : i32
      %dma_wait3A_976 = tpu.memref_slice %arg11[%dma_wait3A_974, %dma_wait3A_975] : memref<5x80xi32, #tpu.memory_space<vmem>> -> memref<1x80xi32, #tpu.memory_space<vmem>>
      %dma_wait3A_977 = tpu.memref_squeeze %dma_wait3A_976 : memref<1x80xi32, #tpu.memory_space<vmem>> -> memref<80xi32, #tpu.memory_space<vmem>>
      %dma_wait3A_978 = arith.constant 0 : i32
      %dma_wait3A_979 = tpu.memref_slice %arg16[%dma_wait3A_978] : memref<1024xf32, #tpu.memory_space<vmem_shared>> -> memref<1024xf32, #tpu.memory_space<vmem_shared>>
      tpu.wait_indirect_dma semaphore(%arg19 : memref<!tpu.dma_semaphore, #tpu.memory_space<semaphore_mem>>) src(%arg12 : memref<80xf32, #tpu.memory_space<vmem>>) dst(%dma_wait3A_979 : memref<1024xf32, #tpu.memory_space<vmem_shared>>)
      %dma_wait3A_980 = arith.constant 3 : i32
      %dma_wait3A_981 = arith.constant 240 : i32
      %dma_wait3A_982 = arith.constant 0 : i32
      %dma_wait3A_983 = tpu.memref_slice %arg10[%dma_wait3A_981, %dma_wait3A_982] : memref<400x128xf32, #tpu.memory_space<vmem>> -> memref<80x128xf32, #tpu.memory_space<vmem>>
      %dma_wait3A_984 = arith.constant 0 : i32
      %dma_wait3A_985 = tpu.memref_slice %arg11[%dma_wait3A_980, %dma_wait3A_984] : memref<5x80xi32, #tpu.memory_space<vmem>> -> memref<1x80xi32, #tpu.memory_space<vmem>>
      %dma_wait3A_986 = tpu.memref_squeeze %dma_wait3A_985 : memref<1x80xi32, #tpu.memory_space<vmem>> -> memref<80xi32, #tpu.memory_space<vmem>>
      %dma_wait3A_987 = arith.constant 0 : i32
      %dma_wait3A_988 = arith.constant 0 : i32
      %dma_wait3A_989 = tpu.memref_slice %arg15[%dma_wait3A_987, %dma_wait3A_988] : memref<1024x128xf32, #tpu.memory_space<vmem_shared>> -> memref<1024x128xf32, #tpu.memory_space<vmem_shared>>
      tpu.wait_indirect_dma semaphore(%arg19 : memref<!tpu.dma_semaphore, #tpu.memory_space<semaphore_mem>>) src(%dma_wait3A_983 : memref<80x128xf32, #tpu.memory_space<vmem>>) dst(%dma_wait3A_989 : memref<1024x128xf32, #tpu.memory_space<vmem_shared>>)
      %dma_wait3A_990 = arith.constant 3 : i32
      %dma_wait3A_991 = arith.constant 0 : i32
      %dma_wait3A_992 = tpu.memref_slice %arg11[%dma_wait3A_990, %dma_wait3A_991] : memref<5x80xi32, #tpu.memory_space<vmem>> -> memref<1x80xi32, #tpu.memory_space<vmem>>
      %dma_wait3A_993 = tpu.memref_squeeze %dma_wait3A_992 : memref<1x80xi32, #tpu.memory_space<vmem>> -> memref<80xi32, #tpu.memory_space<vmem>>
      %dma_wait3A_994 = arith.constant 0 : i32
      %dma_wait3A_995 = tpu.memref_slice %arg16[%dma_wait3A_994] : memref<1024xf32, #tpu.memory_space<vmem_shared>> -> memref<1024xf32, #tpu.memory_space<vmem_shared>>
      tpu.wait_indirect_dma semaphore(%arg19 : memref<!tpu.dma_semaphore, #tpu.memory_space<semaphore_mem>>) src(%arg12 : memref<80xf32, #tpu.memory_space<vmem>>) dst(%dma_wait3A_995 : memref<1024xf32, #tpu.memory_space<vmem_shared>>)
      %dma_wait3A_996 = arith.constant 4 : i32
      %dma_wait3A_997 = arith.constant 320 : i32
      %dma_wait3A_998 = arith.constant 0 : i32
      %dma_wait3A_999 = tpu.memref_slice %arg10[%dma_wait3A_997, %dma_wait3A_998] : memref<400x128xf32, #tpu.memory_space<vmem>> -> memref<80x128xf32, #tpu.memory_space<vmem>>
      %dma_wait3A_1000 = arith.constant 0 : i32
      %dma_wait3A_1001 = tpu.memref_slice %arg11[%dma_wait3A_996, %dma_wait3A_1000] : memref<5x80xi32, #tpu.memory_space<vmem>> -> memref<1x80xi32, #tpu.memory_space<vmem>>
      %dma_wait3A_1002 = tpu.memref_squeeze %dma_wait3A_1001 : memref<1x80xi32, #tpu.memory_space<vmem>> -> memref<80xi32, #tpu.memory_space<vmem>>
      %dma_wait3A_1003 = arith.constant 0 : i32
      %dma_wait3A_1004 = arith.constant 0 : i32
      %dma_wait3A_1005 = tpu.memref_slice %arg15[%dma_wait3A_1003, %dma_wait3A_1004] : memref<1024x128xf32, #tpu.memory_space<vmem_shared>> -> memref<1024x128xf32, #tpu.memory_space<vmem_shared>>
      tpu.wait_indirect_dma semaphore(%arg19 : memref<!tpu.dma_semaphore, #tpu.memory_space<semaphore_mem>>) src(%dma_wait3A_999 : memref<80x128xf32, #tpu.memory_space<vmem>>) dst(%dma_wait3A_1005 : memref<1024x128xf32, #tpu.memory_space<vmem_shared>>)
      %dma_wait3A_1006 = arith.constant 4 : i32
      %dma_wait3A_1007 = arith.constant 0 : i32
      %dma_wait3A_1008 = tpu.memref_slice %arg11[%dma_wait3A_1006, %dma_wait3A_1007] : memref<5x80xi32, #tpu.memory_space<vmem>> -> memref<1x80xi32, #tpu.memory_space<vmem>>
      %dma_wait3A_1009 = tpu.memref_squeeze %dma_wait3A_1008 : memref<1x80xi32, #tpu.memory_space<vmem>> -> memref<80xi32, #tpu.memory_space<vmem>>
      %dma_wait3A_1010 = arith.constant 0 : i32
      %dma_wait3A_1011 = tpu.memref_slice %arg16[%dma_wait3A_1010] : memref<1024xf32, #tpu.memory_space<vmem_shared>> -> memref<1024xf32, #tpu.memory_space<vmem_shared>>
      tpu.wait_indirect_dma semaphore(%arg19 : memref<!tpu.dma_semaphore, #tpu.memory_space<semaphore_mem>>) src(%arg12 : memref<80xf32, #tpu.memory_space<vmem>>) dst(%dma_wait3A_1011 : memref<1024xf32, #tpu.memory_space<vmem_shared>>)
      scf.yield %scan3A_930#0, %scan3A_930#1, %scan3A_930#2, %scan3A_930#3, %scan3A_930#4, %scan3A_930#5, %scan3A_930#6, %scan3A_930#7 : vector<16xf32>, vector<16xf32>, vector<16xf32>, vector<16xf32>, vector<16xf32>, vector<16xf32>, vector<16xf32>, vector<16xf32>
    }
    %scan3A_127 = arith.constant 12 : i32
    %add3A_128 = arith.constant 9600 : i32
    %add3A_129 = arith.addi %mul3A_2, %add3A_128 : i32
    %dma_wait3A = arith.constant 0 : i32
    %dma_wait3A_130 = tpu.memref_slice %arg2[%add3A_129, %dma_wait3A] : memref<320000x128xf32, #tpu.memory_space<hbm>> -> memref<400x128xf32, #tpu.memory_space<hbm>>
    %dma_wait3A_131 = arith.constant 0 : i32
    %dma_wait3A_132 = tpu.memref_slice %arg2[%add3A_129, %dma_wait3A_131] : memref<320000x128xf32, #tpu.memory_space<hbm>> -> memref<400x128xf32, #tpu.memory_space<hbm>>
    tpu.wait_dma2 semaphore(%arg17 : memref<!tpu.dma_semaphore, #tpu.memory_space<semaphore_mem>>) src(%dma_wait3A_132 : memref<400x128xf32, #tpu.memory_space<hbm>>) dst(%arg8 : memref<400x128xf32, #tpu.memory_space<vmem>>)
    %add3A_133 = arith.constant 0 : i32
    %add3A_134 = arith.addi %add3A_129, %add3A_133 : i32
    %dma_wait3A_135 = arith.constant 0 : i32
    %dma_wait3A_136 = arith.constant 0 : i32
    %dma_wait3A_137 = tpu.memref_slice %arg9[%dma_wait3A_135, %dma_wait3A_136] : memref<5x80xi32, #tpu.memory_space<vmem>> -> memref<1x80xi32, #tpu.memory_space<vmem>>
    %dma_wait3A_138 = tpu.memref_squeeze %dma_wait3A_137 : memref<1x80xi32, #tpu.memory_space<vmem>> -> memref<80xi32, #tpu.memory_space<vmem>>
    %dma_wait3A_139 = tpu.memref_slice %arg3[%add3A_134] : memref<320000xi32, #tpu.memory_space<hbm>> -> memref<80xi32, #tpu.memory_space<hbm>>
    %dma_wait3A_140 = arith.constant 0 : i32
    %dma_wait3A_141 = tpu.memref_slice %arg9[%dma_wait3A_135, %dma_wait3A_140] : memref<5x80xi32, #tpu.memory_space<vmem>> -> memref<1x80xi32, #tpu.memory_space<vmem>>
    %dma_wait3A_142 = tpu.memref_squeeze %dma_wait3A_141 : memref<1x80xi32, #tpu.memory_space<vmem>> -> memref<80xi32, #tpu.memory_space<vmem>>
    %dma_wait3A_143 = tpu.memref_slice %arg3[%add3A_134] : memref<320000xi32, #tpu.memory_space<hbm>> -> memref<80xi32, #tpu.memory_space<hbm>>
    tpu.wait_dma2 semaphore(%arg17 : memref<!tpu.dma_semaphore, #tpu.memory_space<semaphore_mem>>) src(%dma_wait3A_143 : memref<80xi32, #tpu.memory_space<hbm>>) dst(%dma_wait3A_142 : memref<80xi32, #tpu.memory_space<vmem>>)
    %add3A_144 = arith.constant 80 : i32
    %add3A_145 = arith.addi %add3A_129, %add3A_144 : i32
    %dma_wait3A_146 = arith.constant 1 : i32
    %dma_wait3A_147 = arith.constant 0 : i32
    %dma_wait3A_148 = tpu.memref_slice %arg9[%dma_wait3A_146, %dma_wait3A_147] : memref<5x80xi32, #tpu.memory_space<vmem>> -> memref<1x80xi32, #tpu.memory_space<vmem>>
    %dma_wait3A_149 = tpu.memref_squeeze %dma_wait3A_148 : memref<1x80xi32, #tpu.memory_space<vmem>> -> memref<80xi32, #tpu.memory_space<vmem>>
    %dma_wait3A_150 = tpu.memref_slice %arg3[%add3A_145] : memref<320000xi32, #tpu.memory_space<hbm>> -> memref<80xi32, #tpu.memory_space<hbm>>
    %dma_wait3A_151 = arith.constant 0 : i32
    %dma_wait3A_152 = tpu.memref_slice %arg9[%dma_wait3A_146, %dma_wait3A_151] : memref<5x80xi32, #tpu.memory_space<vmem>> -> memref<1x80xi32, #tpu.memory_space<vmem>>
    %dma_wait3A_153 = tpu.memref_squeeze %dma_wait3A_152 : memref<1x80xi32, #tpu.memory_space<vmem>> -> memref<80xi32, #tpu.memory_space<vmem>>
    %dma_wait3A_154 = tpu.memref_slice %arg3[%add3A_145] : memref<320000xi32, #tpu.memory_space<hbm>> -> memref<80xi32, #tpu.memory_space<hbm>>
    tpu.wait_dma2 semaphore(%arg17 : memref<!tpu.dma_semaphore, #tpu.memory_space<semaphore_mem>>) src(%dma_wait3A_154 : memref<80xi32, #tpu.memory_space<hbm>>) dst(%dma_wait3A_153 : memref<80xi32, #tpu.memory_space<vmem>>)
    %add3A_155 = arith.constant 160 : i32
    %add3A_156 = arith.addi %add3A_129, %add3A_155 : i32
    %dma_wait3A_157 = arith.constant 2 : i32
    %dma_wait3A_158 = arith.constant 0 : i32
    %dma_wait3A_159 = tpu.memref_slice %arg9[%dma_wait3A_157, %dma_wait3A_158] : memref<5x80xi32, #tpu.memory_space<vmem>> -> memref<1x80xi32, #tpu.memory_space<vmem>>
    %dma_wait3A_160 = tpu.memref_squeeze %dma_wait3A_159 : memref<1x80xi32, #tpu.memory_space<vmem>> -> memref<80xi32, #tpu.memory_space<vmem>>
    %dma_wait3A_161 = tpu.memref_slice %arg3[%add3A_156] : memref<320000xi32, #tpu.memory_space<hbm>> -> memref<80xi32, #tpu.memory_space<hbm>>
    %dma_wait3A_162 = arith.constant 0 : i32
    %dma_wait3A_163 = tpu.memref_slice %arg9[%dma_wait3A_157, %dma_wait3A_162] : memref<5x80xi32, #tpu.memory_space<vmem>> -> memref<1x80xi32, #tpu.memory_space<vmem>>
    %dma_wait3A_164 = tpu.memref_squeeze %dma_wait3A_163 : memref<1x80xi32, #tpu.memory_space<vmem>> -> memref<80xi32, #tpu.memory_space<vmem>>
    %dma_wait3A_165 = tpu.memref_slice %arg3[%add3A_156] : memref<320000xi32, #tpu.memory_space<hbm>> -> memref<80xi32, #tpu.memory_space<hbm>>
    tpu.wait_dma2 semaphore(%arg17 : memref<!tpu.dma_semaphore, #tpu.memory_space<semaphore_mem>>) src(%dma_wait3A_165 : memref<80xi32, #tpu.memory_space<hbm>>) dst(%dma_wait3A_164 : memref<80xi32, #tpu.memory_space<vmem>>)
    %add3A_166 = arith.constant 240 : i32
    %add3A_167 = arith.addi %add3A_129, %add3A_166 : i32
    %dma_wait3A_168 = arith.constant 3 : i32
    %dma_wait3A_169 = arith.constant 0 : i32
    %dma_wait3A_170 = tpu.memref_slice %arg9[%dma_wait3A_168, %dma_wait3A_169] : memref<5x80xi32, #tpu.memory_space<vmem>> -> memref<1x80xi32, #tpu.memory_space<vmem>>
    %dma_wait3A_171 = tpu.memref_squeeze %dma_wait3A_170 : memref<1x80xi32, #tpu.memory_space<vmem>> -> memref<80xi32, #tpu.memory_space<vmem>>
    %dma_wait3A_172 = tpu.memref_slice %arg3[%add3A_167] : memref<320000xi32, #tpu.memory_space<hbm>> -> memref<80xi32, #tpu.memory_space<hbm>>
    %dma_wait3A_173 = arith.constant 0 : i32
    %dma_wait3A_174 = tpu.memref_slice %arg9[%dma_wait3A_168, %dma_wait3A_173] : memref<5x80xi32, #tpu.memory_space<vmem>> -> memref<1x80xi32, #tpu.memory_space<vmem>>
    %dma_wait3A_175 = tpu.memref_squeeze %dma_wait3A_174 : memref<1x80xi32, #tpu.memory_space<vmem>> -> memref<80xi32, #tpu.memory_space<vmem>>
    %dma_wait3A_176 = tpu.memref_slice %arg3[%add3A_167] : memref<320000xi32, #tpu.memory_space<hbm>> -> memref<80xi32, #tpu.memory_space<hbm>>
    tpu.wait_dma2 semaphore(%arg17 : memref<!tpu.dma_semaphore, #tpu.memory_space<semaphore_mem>>) src(%dma_wait3A_176 : memref<80xi32, #tpu.memory_space<hbm>>) dst(%dma_wait3A_175 : memref<80xi32, #tpu.memory_space<vmem>>)
    %add3A_177 = arith.constant 320 : i32
    %add3A_178 = arith.addi %add3A_129, %add3A_177 : i32
    %dma_wait3A_179 = arith.constant 4 : i32
    %dma_wait3A_180 = arith.constant 0 : i32
    %dma_wait3A_181 = tpu.memref_slice %arg9[%dma_wait3A_179, %dma_wait3A_180] : memref<5x80xi32, #tpu.memory_space<vmem>> -> memref<1x80xi32, #tpu.memory_space<vmem>>
    %dma_wait3A_182 = tpu.memref_squeeze %dma_wait3A_181 : memref<1x80xi32, #tpu.memory_space<vmem>> -> memref<80xi32, #tpu.memory_space<vmem>>
    %dma_wait3A_183 = tpu.memref_slice %arg3[%add3A_178] : memref<320000xi32, #tpu.memory_space<hbm>> -> memref<80xi32, #tpu.memory_space<hbm>>
    %dma_wait3A_184 = arith.constant 0 : i32
    %dma_wait3A_185 = tpu.memref_slice %arg9[%dma_wait3A_179, %dma_wait3A_184] : memref<5x80xi32, #tpu.memory_space<vmem>> -> memref<1x80xi32, #tpu.memory_space<vmem>>
    %dma_wait3A_186 = tpu.memref_squeeze %dma_wait3A_185 : memref<1x80xi32, #tpu.memory_space<vmem>> -> memref<80xi32, #tpu.memory_space<vmem>>
    %dma_wait3A_187 = tpu.memref_slice %arg3[%add3A_178] : memref<320000xi32, #tpu.memory_space<hbm>> -> memref<80xi32, #tpu.memory_space<hbm>>
    tpu.wait_dma2 semaphore(%arg17 : memref<!tpu.dma_semaphore, #tpu.memory_space<semaphore_mem>>) src(%dma_wait3A_187 : memref<80xi32, #tpu.memory_space<hbm>>) dst(%dma_wait3A_186 : memref<80xi32, #tpu.memory_space<vmem>>)
    %dma_start3A_188 = arith.constant 0 : i32
    %dma_start3A_189 = arith.constant 0 : i32
    %dma_start3A_190 = arith.constant 0 : i32
    %dma_start3A_191 = tpu.memref_slice %arg8[%dma_start3A_189, %dma_start3A_190] : memref<400x128xf32, #tpu.memory_space<vmem>> -> memref<80x128xf32, #tpu.memory_space<vmem>>
    %dma_start3A_192 = arith.constant 0 : i32
    %dma_start3A_193 = tpu.memref_slice %arg9[%dma_start3A_188, %dma_start3A_192] : memref<5x80xi32, #tpu.memory_space<vmem>> -> memref<1x80xi32, #tpu.memory_space<vmem>>
    %dma_start3A_194 = tpu.memref_squeeze %dma_start3A_193 : memref<1x80xi32, #tpu.memory_space<vmem>> -> memref<80xi32, #tpu.memory_space<vmem>>
    %dma_start3A_195 = arith.constant 0 : i32
    %dma_start3A_196 = arith.constant 0 : i32
    %dma_start3A_197 = tpu.memref_slice %arg15[%dma_start3A_195, %dma_start3A_196] : memref<1024x128xf32, #tpu.memory_space<vmem_shared>> -> memref<1024x128xf32, #tpu.memory_space<vmem_shared>>
    tpu.enqueue_indirect_dma source(%dma_start3A_191 : memref<80x128xf32, #tpu.memory_space<vmem>>) target(%dma_start3A_197 : memref<1024x128xf32, #tpu.memory_space<vmem_shared>>) offsets(%dma_start3A_194 : memref<80xi32, #tpu.memory_space<vmem>>) semaphore(%arg19 : memref<!tpu.dma_semaphore, #tpu.memory_space<semaphore_mem>>) {add = true}
    %dma_start3A_198 = arith.constant 0 : i32
    %dma_start3A_199 = arith.constant 0 : i32
    %dma_start3A_200 = tpu.memref_slice %arg9[%dma_start3A_198, %dma_start3A_199] : memref<5x80xi32, #tpu.memory_space<vmem>> -> memref<1x80xi32, #tpu.memory_space<vmem>>
    %dma_start3A_201 = tpu.memref_squeeze %dma_start3A_200 : memref<1x80xi32, #tpu.memory_space<vmem>> -> memref<80xi32, #tpu.memory_space<vmem>>
    %dma_start3A_202 = arith.constant 0 : i32
    %dma_start3A_203 = tpu.memref_slice %arg16[%dma_start3A_202] : memref<1024xf32, #tpu.memory_space<vmem_shared>> -> memref<1024xf32, #tpu.memory_space<vmem_shared>>
    tpu.enqueue_indirect_dma source(%arg12 : memref<80xf32, #tpu.memory_space<vmem>>) target(%dma_start3A_203 : memref<1024xf32, #tpu.memory_space<vmem_shared>>) offsets(%dma_start3A_201 : memref<80xi32, #tpu.memory_space<vmem>>) semaphore(%arg19 : memref<!tpu.dma_semaphore, #tpu.memory_space<semaphore_mem>>) {add = true}
    %dma_start3A_204 = arith.constant 1 : i32
    %dma_start3A_205 = arith.constant 80 : i32
    %dma_start3A_206 = arith.constant 0 : i32
    %dma_start3A_207 = tpu.memref_slice %arg8[%dma_start3A_205, %dma_start3A_206] : memref<400x128xf32, #tpu.memory_space<vmem>> -> memref<80x128xf32, #tpu.memory_space<vmem>>
    %dma_start3A_208 = arith.constant 0 : i32
    %dma_start3A_209 = tpu.memref_slice %arg9[%dma_start3A_204, %dma_start3A_208] : memref<5x80xi32, #tpu.memory_space<vmem>> -> memref<1x80xi32, #tpu.memory_space<vmem>>
    %dma_start3A_210 = tpu.memref_squeeze %dma_start3A_209 : memref<1x80xi32, #tpu.memory_space<vmem>> -> memref<80xi32, #tpu.memory_space<vmem>>
    %dma_start3A_211 = arith.constant 0 : i32
    %dma_start3A_212 = arith.constant 0 : i32
    %dma_start3A_213 = tpu.memref_slice %arg15[%dma_start3A_211, %dma_start3A_212] : memref<1024x128xf32, #tpu.memory_space<vmem_shared>> -> memref<1024x128xf32, #tpu.memory_space<vmem_shared>>
    tpu.enqueue_indirect_dma source(%dma_start3A_207 : memref<80x128xf32, #tpu.memory_space<vmem>>) target(%dma_start3A_213 : memref<1024x128xf32, #tpu.memory_space<vmem_shared>>) offsets(%dma_start3A_210 : memref<80xi32, #tpu.memory_space<vmem>>) semaphore(%arg19 : memref<!tpu.dma_semaphore, #tpu.memory_space<semaphore_mem>>) {add = true}
    %dma_start3A_214 = arith.constant 1 : i32
    %dma_start3A_215 = arith.constant 0 : i32
    %dma_start3A_216 = tpu.memref_slice %arg9[%dma_start3A_214, %dma_start3A_215] : memref<5x80xi32, #tpu.memory_space<vmem>> -> memref<1x80xi32, #tpu.memory_space<vmem>>
    %dma_start3A_217 = tpu.memref_squeeze %dma_start3A_216 : memref<1x80xi32, #tpu.memory_space<vmem>> -> memref<80xi32, #tpu.memory_space<vmem>>
    %dma_start3A_218 = arith.constant 0 : i32
    %dma_start3A_219 = tpu.memref_slice %arg16[%dma_start3A_218] : memref<1024xf32, #tpu.memory_space<vmem_shared>> -> memref<1024xf32, #tpu.memory_space<vmem_shared>>
    tpu.enqueue_indirect_dma source(%arg12 : memref<80xf32, #tpu.memory_space<vmem>>) target(%dma_start3A_219 : memref<1024xf32, #tpu.memory_space<vmem_shared>>) offsets(%dma_start3A_217 : memref<80xi32, #tpu.memory_space<vmem>>) semaphore(%arg19 : memref<!tpu.dma_semaphore, #tpu.memory_space<semaphore_mem>>) {add = true}
    %dma_start3A_220 = arith.constant 2 : i32
    %dma_start3A_221 = arith.constant 160 : i32
    %dma_start3A_222 = arith.constant 0 : i32
    %dma_start3A_223 = tpu.memref_slice %arg8[%dma_start3A_221, %dma_start3A_222] : memref<400x128xf32, #tpu.memory_space<vmem>> -> memref<80x128xf32, #tpu.memory_space<vmem>>
    %dma_start3A_224 = arith.constant 0 : i32
    %dma_start3A_225 = tpu.memref_slice %arg9[%dma_start3A_220, %dma_start3A_224] : memref<5x80xi32, #tpu.memory_space<vmem>> -> memref<1x80xi32, #tpu.memory_space<vmem>>
    %dma_start3A_226 = tpu.memref_squeeze %dma_start3A_225 : memref<1x80xi32, #tpu.memory_space<vmem>> -> memref<80xi32, #tpu.memory_space<vmem>>
    %dma_start3A_227 = arith.constant 0 : i32
    %dma_start3A_228 = arith.constant 0 : i32
    %dma_start3A_229 = tpu.memref_slice %arg15[%dma_start3A_227, %dma_start3A_228] : memref<1024x128xf32, #tpu.memory_space<vmem_shared>> -> memref<1024x128xf32, #tpu.memory_space<vmem_shared>>
    tpu.enqueue_indirect_dma source(%dma_start3A_223 : memref<80x128xf32, #tpu.memory_space<vmem>>) target(%dma_start3A_229 : memref<1024x128xf32, #tpu.memory_space<vmem_shared>>) offsets(%dma_start3A_226 : memref<80xi32, #tpu.memory_space<vmem>>) semaphore(%arg19 : memref<!tpu.dma_semaphore, #tpu.memory_space<semaphore_mem>>) {add = true}
    %dma_start3A_230 = arith.constant 2 : i32
    %dma_start3A_231 = arith.constant 0 : i32
    %dma_start3A_232 = tpu.memref_slice %arg9[%dma_start3A_230, %dma_start3A_231] : memref<5x80xi32, #tpu.memory_space<vmem>> -> memref<1x80xi32, #tpu.memory_space<vmem>>
    %dma_start3A_233 = tpu.memref_squeeze %dma_start3A_232 : memref<1x80xi32, #tpu.memory_space<vmem>> -> memref<80xi32, #tpu.memory_space<vmem>>
    %dma_start3A_234 = arith.constant 0 : i32
    %dma_start3A_235 = tpu.memref_slice %arg16[%dma_start3A_234] : memref<1024xf32, #tpu.memory_space<vmem_shared>> -> memref<1024xf32, #tpu.memory_space<vmem_shared>>
    tpu.enqueue_indirect_dma source(%arg12 : memref<80xf32, #tpu.memory_space<vmem>>) target(%dma_start3A_235 : memref<1024xf32, #tpu.memory_space<vmem_shared>>) offsets(%dma_start3A_233 : memref<80xi32, #tpu.memory_space<vmem>>) semaphore(%arg19 : memref<!tpu.dma_semaphore, #tpu.memory_space<semaphore_mem>>) {add = true}
    %dma_start3A_236 = arith.constant 3 : i32
    %dma_start3A_237 = arith.constant 240 : i32
    %dma_start3A_238 = arith.constant 0 : i32
    %dma_start3A_239 = tpu.memref_slice %arg8[%dma_start3A_237, %dma_start3A_238] : memref<400x128xf32, #tpu.memory_space<vmem>> -> memref<80x128xf32, #tpu.memory_space<vmem>>
    %dma_start3A_240 = arith.constant 0 : i32
    %dma_start3A_241 = tpu.memref_slice %arg9[%dma_start3A_236, %dma_start3A_240] : memref<5x80xi32, #tpu.memory_space<vmem>> -> memref<1x80xi32, #tpu.memory_space<vmem>>
    %dma_start3A_242 = tpu.memref_squeeze %dma_start3A_241 : memref<1x80xi32, #tpu.memory_space<vmem>> -> memref<80xi32, #tpu.memory_space<vmem>>
    %dma_start3A_243 = arith.constant 0 : i32
    %dma_start3A_244 = arith.constant 0 : i32
    %dma_start3A_245 = tpu.memref_slice %arg15[%dma_start3A_243, %dma_start3A_244] : memref<1024x128xf32, #tpu.memory_space<vmem_shared>> -> memref<1024x128xf32, #tpu.memory_space<vmem_shared>>
    tpu.enqueue_indirect_dma source(%dma_start3A_239 : memref<80x128xf32, #tpu.memory_space<vmem>>) target(%dma_start3A_245 : memref<1024x128xf32, #tpu.memory_space<vmem_shared>>) offsets(%dma_start3A_242 : memref<80xi32, #tpu.memory_space<vmem>>) semaphore(%arg19 : memref<!tpu.dma_semaphore, #tpu.memory_space<semaphore_mem>>) {add = true}
    %dma_start3A_246 = arith.constant 3 : i32
    %dma_start3A_247 = arith.constant 0 : i32
    %dma_start3A_248 = tpu.memref_slice %arg9[%dma_start3A_246, %dma_start3A_247] : memref<5x80xi32, #tpu.memory_space<vmem>> -> memref<1x80xi32, #tpu.memory_space<vmem>>
    %dma_start3A_249 = tpu.memref_squeeze %dma_start3A_248 : memref<1x80xi32, #tpu.memory_space<vmem>> -> memref<80xi32, #tpu.memory_space<vmem>>
    %dma_start3A_250 = arith.constant 0 : i32
    %dma_start3A_251 = tpu.memref_slice %arg16[%dma_start3A_250] : memref<1024xf32, #tpu.memory_space<vmem_shared>> -> memref<1024xf32, #tpu.memory_space<vmem_shared>>
    tpu.enqueue_indirect_dma source(%arg12 : memref<80xf32, #tpu.memory_space<vmem>>) target(%dma_start3A_251 : memref<1024xf32, #tpu.memory_space<vmem_shared>>) offsets(%dma_start3A_249 : memref<80xi32, #tpu.memory_space<vmem>>) semaphore(%arg19 : memref<!tpu.dma_semaphore, #tpu.memory_space<semaphore_mem>>) {add = true}
    %dma_start3A_252 = arith.constant 4 : i32
    %dma_start3A_253 = arith.constant 320 : i32
    %dma_start3A_254 = arith.constant 0 : i32
    %dma_start3A_255 = tpu.memref_slice %arg8[%dma_start3A_253, %dma_start3A_254] : memref<400x128xf32, #tpu.memory_space<vmem>> -> memref<80x128xf32, #tpu.memory_space<vmem>>
    %dma_start3A_256 = arith.constant 0 : i32
    %dma_start3A_257 = tpu.memref_slice %arg9[%dma_start3A_252, %dma_start3A_256] : memref<5x80xi32, #tpu.memory_space<vmem>> -> memref<1x80xi32, #tpu.memory_space<vmem>>
    %dma_start3A_258 = tpu.memref_squeeze %dma_start3A_257 : memref<1x80xi32, #tpu.memory_space<vmem>> -> memref<80xi32, #tpu.memory_space<vmem>>
    %dma_start3A_259 = arith.constant 0 : i32
    %dma_start3A_260 = arith.constant 0 : i32
    %dma_start3A_261 = tpu.memref_slice %arg15[%dma_start3A_259, %dma_start3A_260] : memref<1024x128xf32, #tpu.memory_space<vmem_shared>> -> memref<1024x128xf32, #tpu.memory_space<vmem_shared>>
    tpu.enqueue_indirect_dma source(%dma_start3A_255 : memref<80x128xf32, #tpu.memory_space<vmem>>) target(%dma_start3A_261 : memref<1024x128xf32, #tpu.memory_space<vmem_shared>>) offsets(%dma_start3A_258 : memref<80xi32, #tpu.memory_space<vmem>>) semaphore(%arg19 : memref<!tpu.dma_semaphore, #tpu.memory_space<semaphore_mem>>) {add = true}
    %dma_start3A_262 = arith.constant 4 : i32
    %dma_start3A_263 = arith.constant 0 : i32
    %dma_start3A_264 = tpu.memref_slice %arg9[%dma_start3A_262, %dma_start3A_263] : memref<5x80xi32, #tpu.memory_space<vmem>> -> memref<1x80xi32, #tpu.memory_space<vmem>>
    %dma_start3A_265 = tpu.memref_squeeze %dma_start3A_264 : memref<1x80xi32, #tpu.memory_space<vmem>> -> memref<80xi32, #tpu.memory_space<vmem>>
    %dma_start3A_266 = arith.constant 0 : i32
    %dma_start3A_267 = tpu.memref_slice %arg16[%dma_start3A_266] : memref<1024xf32, #tpu.memory_space<vmem_shared>> -> memref<1024xf32, #tpu.memory_space<vmem_shared>>
    tpu.enqueue_indirect_dma source(%arg12 : memref<80xf32, #tpu.memory_space<vmem>>) target(%dma_start3A_267 : memref<1024xf32, #tpu.memory_space<vmem_shared>>) offsets(%dma_start3A_265 : memref<80xi32, #tpu.memory_space<vmem>>) semaphore(%arg19 : memref<!tpu.dma_semaphore, #tpu.memory_space<semaphore_mem>>) {add = true}
    %scan3A_268 = arith.constant 0 : i32
    %scan3A_269 = arith.constant 400 : i32
    %scan3A_270 = arith.addi %scan3A_268, %scan3A_269 : i32
    %scan3A_271 = arith.constant 1 : i32
    %scan3A_272:8 = scf.for %scan3A_379 = %scan3A_268 to %scan3A_270 step %scan3A_271 iter_args(%scan3A_380 = %scan3A_126#0, %scan3A_381 = %scan3A_126#1, %scan3A_382 = %scan3A_126#2, %scan3A_383 = %scan3A_126#3, %scan3A_384 = %scan3A_126#4, %scan3A_385 = %scan3A_126#5, %scan3A_386 = %scan3A_126#6, %scan3A_387 = %scan3A_126#7) -> (vector<16xf32>, vector<16xf32>, vector<16xf32>, vector<16xf32>, vector<16xf32>, vector<16xf32>, vector<16xf32>, vector<16xf32>)  : i32 {
      %get3A = arith.index_cast %scan3A_379 : i32 to index
      %get3A_388 = arith.constant 0 : index
      %get3A_389 = tpu.vector_load %arg8[%get3A, %get3A_388] {strides = array<i32>} : memref<400x128xf32, #tpu.memory_space<vmem>>, vector<1x16xf32>,
      %get3A_390 = vector.shape_cast %get3A_389 : vector<1x16xf32> to vector<16xf32>
      %mul3A_391 = arith.mulf %get3A_390, %get3A_390 : vector<16xf32>
      %add3A_392 = arith.addf %scan3A_380, %mul3A_391 : vector<16xf32>
      %get3A_393 = arith.index_cast %scan3A_379 : i32 to index
      %get3A_394 = arith.constant 16 : index
      %get3A_395 = tpu.vector_load %arg8[%get3A_393, %get3A_394] {strides = array<i32>} : memref<400x128xf32, #tpu.memory_space<vmem>>, vector<1x16xf32>,
      %get3A_396 = vector.shape_cast %get3A_395 : vector<1x16xf32> to vector<16xf32>
      %mul3A_397 = arith.mulf %get3A_396, %get3A_396 : vector<16xf32>
      %add3A_398 = arith.addf %scan3A_381, %mul3A_397 : vector<16xf32>
      %get3A_399 = arith.index_cast %scan3A_379 : i32 to index
      %get3A_400 = arith.constant 32 : index
      %get3A_401 = tpu.vector_load %arg8[%get3A_399, %get3A_400] {strides = array<i32>} : memref<400x128xf32, #tpu.memory_space<vmem>>, vector<1x16xf32>,
      %get3A_402 = vector.shape_cast %get3A_401 : vector<1x16xf32> to vector<16xf32>
      %mul3A_403 = arith.mulf %get3A_402, %get3A_402 : vector<16xf32>
      %add3A_404 = arith.addf %scan3A_382, %mul3A_403 : vector<16xf32>
      %get3A_405 = arith.index_cast %scan3A_379 : i32 to index
      %get3A_406 = arith.constant 48 : index
      %get3A_407 = tpu.vector_load %arg8[%get3A_405, %get3A_406] {strides = array<i32>} : memref<400x128xf32, #tpu.memory_space<vmem>>, vector<1x16xf32>,
      %get3A_408 = vector.shape_cast %get3A_407 : vector<1x16xf32> to vector<16xf32>
      %mul3A_409 = arith.mulf %get3A_408, %get3A_408 : vector<16xf32>
      %add3A_410 = arith.addf %scan3A_383, %mul3A_409 : vector<16xf32>
      %get3A_411 = arith.index_cast %scan3A_379 : i32 to index
      %get3A_412 = arith.constant 64 : index
      %get3A_413 = tpu.vector_load %arg8[%get3A_411, %get3A_412] {strides = array<i32>} : memref<400x128xf32, #tpu.memory_space<vmem>>, vector<1x16xf32>,
      %get3A_414 = vector.shape_cast %get3A_413 : vector<1x16xf32> to vector<16xf32>
      %mul3A_415 = arith.mulf %get3A_414, %get3A_414 : vector<16xf32>
      %add3A_416 = arith.addf %scan3A_384, %mul3A_415 : vector<16xf32>
      %get3A_417 = arith.index_cast %scan3A_379 : i32 to index
      %get3A_418 = arith.constant 80 : index
      %get3A_419 = tpu.vector_load %arg8[%get3A_417, %get3A_418] {strides = array<i32>} : memref<400x128xf32, #tpu.memory_space<vmem>>, vector<1x16xf32>,
      %get3A_420 = vector.shape_cast %get3A_419 : vector<1x16xf32> to vector<16xf32>
      %mul3A_421 = arith.mulf %get3A_420, %get3A_420 : vector<16xf32>
      %add3A_422 = arith.addf %scan3A_385, %mul3A_421 : vector<16xf32>
      %get3A_423 = arith.index_cast %scan3A_379 : i32 to index
      %get3A_424 = arith.constant 96 : index
      %get3A_425 = tpu.vector_load %arg8[%get3A_423, %get3A_424] {strides = array<i32>} : memref<400x128xf32, #tpu.memory_space<vmem>>, vector<1x16xf32>,
      %get3A_426 = vector.shape_cast %get3A_425 : vector<1x16xf32> to vector<16xf32>
      %mul3A_427 = arith.mulf %get3A_426, %get3A_426 : vector<16xf32>
      %add3A_428 = arith.addf %scan3A_386, %mul3A_427 : vector<16xf32>
      %get3A_429 = arith.index_cast %scan3A_379 : i32 to index
      %get3A_430 = arith.constant 112 : index
      %get3A_431 = tpu.vector_load %arg8[%get3A_429, %get3A_430] {strides = array<i32>} : memref<400x128xf32, #tpu.memory_space<vmem>>, vector<1x16xf32>,
      %get3A_432 = vector.shape_cast %get3A_431 : vector<1x16xf32> to vector<16xf32>
      %mul3A_433 = arith.mulf %get3A_432, %get3A_432 : vector<16xf32>
      %add3A_434 = arith.addf %scan3A_387, %mul3A_433 : vector<16xf32>
      scf.yield %add3A_392, %add3A_398, %add3A_404, %add3A_410, %add3A_416, %add3A_422, %add3A_428, %add3A_434 : vector<16xf32>, vector<16xf32>, vector<16xf32>, vector<16xf32>, vector<16xf32>, vector<16xf32>, vector<16xf32>, vector<16xf32>
    }
    %scan3A_273 = arith.constant 400 : i32
    %dma_wait3A_274 = arith.constant 0 : i32
    %dma_wait3A_275 = arith.constant 0 : i32
    %dma_wait3A_276 = arith.constant 0 : i32
    %dma_wait3A_277 = tpu.memref_slice %arg8[%dma_wait3A_275, %dma_wait3A_276] : memref<400x128xf32, #tpu.memory_space<vmem>> -> memref<80x128xf32, #tpu.memory_space<vmem>>
    %dma_wait3A_278 = arith.constant 0 : i32
    %dma_wait3A_279 = tpu.memref_slice %arg9[%dma_wait3A_274, %dma_wait3A_278] : memref<5x80xi32, #tpu.memory_space<vmem>> -> memref<1x80xi32, #tpu.memory_space<vmem>>
    %dma_wait3A_280 = tpu.memref_squeeze %dma_wait3A_279 : memref<1x80xi32, #tpu.memory_space<vmem>> -> memref<80xi32, #tpu.memory_space<vmem>>
    %dma_wait3A_281 = arith.constant 0 : i32
    %dma_wait3A_282 = arith.constant 0 : i32
    %dma_wait3A_283 = tpu.memref_slice %arg15[%dma_wait3A_281, %dma_wait3A_282] : memref<1024x128xf32, #tpu.memory_space<vmem_shared>> -> memref<1024x128xf32, #tpu.memory_space<vmem_shared>>
    tpu.wait_indirect_dma semaphore(%arg19 : memref<!tpu.dma_semaphore, #tpu.memory_space<semaphore_mem>>) src(%dma_wait3A_277 : memref<80x128xf32, #tpu.memory_space<vmem>>) dst(%dma_wait3A_283 : memref<1024x128xf32, #tpu.memory_space<vmem_shared>>)
    %dma_wait3A_284 = arith.constant 0 : i32
    %dma_wait3A_285 = arith.constant 0 : i32
    %dma_wait3A_286 = tpu.memref_slice %arg9[%dma_wait3A_284, %dma_wait3A_285] : memref<5x80xi32, #tpu.memory_space<vmem>> -> memref<1x80xi32, #tpu.memory_space<vmem>>
    %dma_wait3A_287 = tpu.memref_squeeze %dma_wait3A_286 : memref<1x80xi32, #tpu.memory_space<vmem>> -> memref<80xi32, #tpu.memory_space<vmem>>
    %dma_wait3A_288 = arith.constant 0 : i32
    %dma_wait3A_289 = tpu.memref_slice %arg16[%dma_wait3A_288] : memref<1024xf32, #tpu.memory_space<vmem_shared>> -> memref<1024xf32, #tpu.memory_space<vmem_shared>>
    tpu.wait_indirect_dma semaphore(%arg19 : memref<!tpu.dma_semaphore, #tpu.memory_space<semaphore_mem>>) src(%arg12 : memref<80xf32, #tpu.memory_space<vmem>>) dst(%dma_wait3A_289 : memref<1024xf32, #tpu.memory_space<vmem_shared>>)
    %dma_wait3A_290 = arith.constant 1 : i32
    %dma_wait3A_291 = arith.constant 80 : i32
    %dma_wait3A_292 = arith.constant 0 : i32
    %dma_wait3A_293 = tpu.memref_slice %arg8[%dma_wait3A_291, %dma_wait3A_292] : memref<400x128xf32, #tpu.memory_space<vmem>> -> memref<80x128xf32, #tpu.memory_space<vmem>>
    %dma_wait3A_294 = arith.constant 0 : i32
    %dma_wait3A_295 = tpu.memref_slice %arg9[%dma_wait3A_290, %dma_wait3A_294] : memref<5x80xi32, #tpu.memory_space<vmem>> -> memref<1x80xi32, #tpu.memory_space<vmem>>
    %dma_wait3A_296 = tpu.memref_squeeze %dma_wait3A_295 : memref<1x80xi32, #tpu.memory_space<vmem>> -> memref<80xi32, #tpu.memory_space<vmem>>
    %dma_wait3A_297 = arith.constant 0 : i32
    %dma_wait3A_298 = arith.constant 0 : i32
    %dma_wait3A_299 = tpu.memref_slice %arg15[%dma_wait3A_297, %dma_wait3A_298] : memref<1024x128xf32, #tpu.memory_space<vmem_shared>> -> memref<1024x128xf32, #tpu.memory_space<vmem_shared>>
    tpu.wait_indirect_dma semaphore(%arg19 : memref<!tpu.dma_semaphore, #tpu.memory_space<semaphore_mem>>) src(%dma_wait3A_293 : memref<80x128xf32, #tpu.memory_space<vmem>>) dst(%dma_wait3A_299 : memref<1024x128xf32, #tpu.memory_space<vmem_shared>>)
    %dma_wait3A_300 = arith.constant 1 : i32
    %dma_wait3A_301 = arith.constant 0 : i32
    %dma_wait3A_302 = tpu.memref_slice %arg9[%dma_wait3A_300, %dma_wait3A_301] : memref<5x80xi32, #tpu.memory_space<vmem>> -> memref<1x80xi32, #tpu.memory_space<vmem>>
    %dma_wait3A_303 = tpu.memref_squeeze %dma_wait3A_302 : memref<1x80xi32, #tpu.memory_space<vmem>> -> memref<80xi32, #tpu.memory_space<vmem>>
    %dma_wait3A_304 = arith.constant 0 : i32
    %dma_wait3A_305 = tpu.memref_slice %arg16[%dma_wait3A_304] : memref<1024xf32, #tpu.memory_space<vmem_shared>> -> memref<1024xf32, #tpu.memory_space<vmem_shared>>
    tpu.wait_indirect_dma semaphore(%arg19 : memref<!tpu.dma_semaphore, #tpu.memory_space<semaphore_mem>>) src(%arg12 : memref<80xf32, #tpu.memory_space<vmem>>) dst(%dma_wait3A_305 : memref<1024xf32, #tpu.memory_space<vmem_shared>>)
    %dma_wait3A_306 = arith.constant 2 : i32
    %dma_wait3A_307 = arith.constant 160 : i32
    %dma_wait3A_308 = arith.constant 0 : i32
    %dma_wait3A_309 = tpu.memref_slice %arg8[%dma_wait3A_307, %dma_wait3A_308] : memref<400x128xf32, #tpu.memory_space<vmem>> -> memref<80x128xf32, #tpu.memory_space<vmem>>
    %dma_wait3A_310 = arith.constant 0 : i32
    %dma_wait3A_311 = tpu.memref_slice %arg9[%dma_wait3A_306, %dma_wait3A_310] : memref<5x80xi32, #tpu.memory_space<vmem>> -> memref<1x80xi32, #tpu.memory_space<vmem>>
    %dma_wait3A_312 = tpu.memref_squeeze %dma_wait3A_311 : memref<1x80xi32, #tpu.memory_space<vmem>> -> memref<80xi32, #tpu.memory_space<vmem>>
    %dma_wait3A_313 = arith.constant 0 : i32
    %dma_wait3A_314 = arith.constant 0 : i32
    %dma_wait3A_315 = tpu.memref_slice %arg15[%dma_wait3A_313, %dma_wait3A_314] : memref<1024x128xf32, #tpu.memory_space<vmem_shared>> -> memref<1024x128xf32, #tpu.memory_space<vmem_shared>>
    tpu.wait_indirect_dma semaphore(%arg19 : memref<!tpu.dma_semaphore, #tpu.memory_space<semaphore_mem>>) src(%dma_wait3A_309 : memref<80x128xf32, #tpu.memory_space<vmem>>) dst(%dma_wait3A_315 : memref<1024x128xf32, #tpu.memory_space<vmem_shared>>)
    %dma_wait3A_316 = arith.constant 2 : i32
    %dma_wait3A_317 = arith.constant 0 : i32
    %dma_wait3A_318 = tpu.memref_slice %arg9[%dma_wait3A_316, %dma_wait3A_317] : memref<5x80xi32, #tpu.memory_space<vmem>> -> memref<1x80xi32, #tpu.memory_space<vmem>>
    %dma_wait3A_319 = tpu.memref_squeeze %dma_wait3A_318 : memref<1x80xi32, #tpu.memory_space<vmem>> -> memref<80xi32, #tpu.memory_space<vmem>>
    %dma_wait3A_320 = arith.constant 0 : i32
    %dma_wait3A_321 = tpu.memref_slice %arg16[%dma_wait3A_320] : memref<1024xf32, #tpu.memory_space<vmem_shared>> -> memref<1024xf32, #tpu.memory_space<vmem_shared>>
    tpu.wait_indirect_dma semaphore(%arg19 : memref<!tpu.dma_semaphore, #tpu.memory_space<semaphore_mem>>) src(%arg12 : memref<80xf32, #tpu.memory_space<vmem>>) dst(%dma_wait3A_321 : memref<1024xf32, #tpu.memory_space<vmem_shared>>)
    %dma_wait3A_322 = arith.constant 3 : i32
    %dma_wait3A_323 = arith.constant 240 : i32
    %dma_wait3A_324 = arith.constant 0 : i32
    %dma_wait3A_325 = tpu.memref_slice %arg8[%dma_wait3A_323, %dma_wait3A_324] : memref<400x128xf32, #tpu.memory_space<vmem>> -> memref<80x128xf32, #tpu.memory_space<vmem>>
    %dma_wait3A_326 = arith.constant 0 : i32
    %dma_wait3A_327 = tpu.memref_slice %arg9[%dma_wait3A_322, %dma_wait3A_326] : memref<5x80xi32, #tpu.memory_space<vmem>> -> memref<1x80xi32, #tpu.memory_space<vmem>>
    %dma_wait3A_328 = tpu.memref_squeeze %dma_wait3A_327 : memref<1x80xi32, #tpu.memory_space<vmem>> -> memref<80xi32, #tpu.memory_space<vmem>>
    %dma_wait3A_329 = arith.constant 0 : i32
    %dma_wait3A_330 = arith.constant 0 : i32
    %dma_wait3A_331 = tpu.memref_slice %arg15[%dma_wait3A_329, %dma_wait3A_330] : memref<1024x128xf32, #tpu.memory_space<vmem_shared>> -> memref<1024x128xf32, #tpu.memory_space<vmem_shared>>
    tpu.wait_indirect_dma semaphore(%arg19 : memref<!tpu.dma_semaphore, #tpu.memory_space<semaphore_mem>>) src(%dma_wait3A_325 : memref<80x128xf32, #tpu.memory_space<vmem>>) dst(%dma_wait3A_331 : memref<1024x128xf32, #tpu.memory_space<vmem_shared>>)
    %dma_wait3A_332 = arith.constant 3 : i32
    %dma_wait3A_333 = arith.constant 0 : i32
    %dma_wait3A_334 = tpu.memref_slice %arg9[%dma_wait3A_332, %dma_wait3A_333] : memref<5x80xi32, #tpu.memory_space<vmem>> -> memref<1x80xi32, #tpu.memory_space<vmem>>
    %dma_wait3A_335 = tpu.memref_squeeze %dma_wait3A_334 : memref<1x80xi32, #tpu.memory_space<vmem>> -> memref<80xi32, #tpu.memory_space<vmem>>
    %dma_wait3A_336 = arith.constant 0 : i32
    %dma_wait3A_337 = tpu.memref_slice %arg16[%dma_wait3A_336] : memref<1024xf32, #tpu.memory_space<vmem_shared>> -> memref<1024xf32, #tpu.memory_space<vmem_shared>>
    tpu.wait_indirect_dma semaphore(%arg19 : memref<!tpu.dma_semaphore, #tpu.memory_space<semaphore_mem>>) src(%arg12 : memref<80xf32, #tpu.memory_space<vmem>>) dst(%dma_wait3A_337 : memref<1024xf32, #tpu.memory_space<vmem_shared>>)
    %dma_wait3A_338 = arith.constant 4 : i32
    %dma_wait3A_339 = arith.constant 320 : i32
    %dma_wait3A_340 = arith.constant 0 : i32
    %dma_wait3A_341 = tpu.memref_slice %arg8[%dma_wait3A_339, %dma_wait3A_340] : memref<400x128xf32, #tpu.memory_space<vmem>> -> memref<80x128xf32, #tpu.memory_space<vmem>>
    %dma_wait3A_342 = arith.constant 0 : i32
    %dma_wait3A_343 = tpu.memref_slice %arg9[%dma_wait3A_338, %dma_wait3A_342] : memref<5x80xi32, #tpu.memory_space<vmem>> -> memref<1x80xi32, #tpu.memory_space<vmem>>
    %dma_wait3A_344 = tpu.memref_squeeze %dma_wait3A_343 : memref<1x80xi32, #tpu.memory_space<vmem>> -> memref<80xi32, #tpu.memory_space<vmem>>
    %dma_wait3A_345 = arith.constant 0 : i32
    %dma_wait3A_346 = arith.constant 0 : i32
    %dma_wait3A_347 = tpu.memref_slice %arg15[%dma_wait3A_345, %dma_wait3A_346] : memref<1024x128xf32, #tpu.memory_space<vmem_shared>> -> memref<1024x128xf32, #tpu.memory_space<vmem_shared>>
    tpu.wait_indirect_dma semaphore(%arg19 : memref<!tpu.dma_semaphore, #tpu.memory_space<semaphore_mem>>) src(%dma_wait3A_341 : memref<80x128xf32, #tpu.memory_space<vmem>>) dst(%dma_wait3A_347 : memref<1024x128xf32, #tpu.memory_space<vmem_shared>>)
    %dma_wait3A_348 = arith.constant 4 : i32
    %dma_wait3A_349 = arith.constant 0 : i32
    %dma_wait3A_350 = tpu.memref_slice %arg9[%dma_wait3A_348, %dma_wait3A_349] : memref<5x80xi32, #tpu.memory_space<vmem>> -> memref<1x80xi32, #tpu.memory_space<vmem>>
    %dma_wait3A_351 = tpu.memref_squeeze %dma_wait3A_350 : memref<1x80xi32, #tpu.memory_space<vmem>> -> memref<80xi32, #tpu.memory_space<vmem>>
    %dma_wait3A_352 = arith.constant 0 : i32
    %dma_wait3A_353 = tpu.memref_slice %arg16[%dma_wait3A_352] : memref<1024xf32, #tpu.memory_space<vmem_shared>> -> memref<1024xf32, #tpu.memory_space<vmem_shared>>
    tpu.wait_indirect_dma semaphore(%arg19 : memref<!tpu.dma_semaphore, #tpu.memory_space<semaphore_mem>>) src(%arg12 : memref<80xf32, #tpu.memory_space<vmem>>) dst(%dma_wait3A_353 : memref<1024xf32, #tpu.memory_space<vmem_shared>>)
    %add3A_354 = arith.addf %scan3A_272#0, %scan3A_272#1 : vector<16xf32>
    %add3A_355 = arith.addf %scan3A_272#2, %scan3A_272#3 : vector<16xf32>
    %add3A_356 = arith.addf %add3A_354, %add3A_355 : vector<16xf32>
    %add3A_357 = arith.addf %scan3A_272#4, %scan3A_272#5 : vector<16xf32>
    %add3A_358 = arith.addf %scan3A_272#6, %scan3A_272#7 : vector<16xf32>
    %add3A_359 = arith.addf %add3A_357, %add3A_358 : vector<16xf32>
    %add3A_360 = arith.addf %add3A_356, %add3A_359 : vector<16xf32>
    %swap3A_361 = arith.constant 0 : index
    %swap3A_362 = tpu.vector_load %arg13[%swap3A_361] {strides = array<i32>} : memref<16xf32, #tpu.memory_space<vmem>>, vector<16xf32>,
    %swap3A_363 = vector.shape_cast %swap3A_362 : vector<16xf32> to vector<16xf32>
    %swap3A_364 = vector.shape_cast %add3A_360 : vector<16xf32> to vector<16xf32>
    tpu.vector_store %arg13[%swap3A_361], %swap3A_364 {strides = array<i32>} : memref<16xf32, #tpu.memory_space<vmem>>, vector<16xf32>,
    %mul3A_365 = arith.constant 16 : i32
    %mul3A_366 = arith.muli %add3A, %mul3A_365 : i32
    "tpu.region"() ({
      %run_scoped3A = tpu.sem_alloc : memref<!tpu.dma_semaphore, #tpu.memory_space<semaphore_mem>>
      %dma_start3A_379 = tpu.memref_slice %arg7[%mul3A_366] : memref<512xf32, #tpu.memory_space<hbm>> -> memref<16xf32, #tpu.memory_space<hbm>>
      %dma_start3A_380 = tpu.memref_slice %arg7[%mul3A_366] : memref<512xf32, #tpu.memory_space<hbm>> -> memref<16xf32, #tpu.memory_space<hbm>>
      tpu.enqueue_dma source(%arg13 : memref<16xf32, #tpu.memory_space<vmem>>) target(%dma_start3A_380 : memref<16xf32, #tpu.memory_space<hbm>>) target_semaphore(%run_scoped3A : memref<!tpu.dma_semaphore, #tpu.memory_space<semaphore_mem>>)
      %dma_wait3A_381 = tpu.memref_slice %arg7[%mul3A_366] : memref<512xf32, #tpu.memory_space<hbm>> -> memref<16xf32, #tpu.memory_space<hbm>>
      %dma_wait3A_382 = tpu.memref_slice %arg7[%mul3A_366] : memref<512xf32, #tpu.memory_space<hbm>> -> memref<16xf32, #tpu.memory_space<hbm>>
      tpu.wait_dma2 semaphore(%run_scoped3A : memref<!tpu.dma_semaphore, #tpu.memory_space<semaphore_mem>>) src(%arg13 : memref<16xf32, #tpu.memory_space<vmem>>) dst(%dma_wait3A_382 : memref<16xf32, #tpu.memory_space<hbm>>)
      tpu.yield
    }) : () -> ()
    %barrier3A_367 = arith.constant 0 : index
    tpu.barrier barrier_id(%barrier3A_367)
    %mul3A_368 = arith.constant 64 : i32
    %mul3A_369 = arith.muli %arg1, %mul3A_368 : i32
    %mul3A_370 = arith.constant 64 : i32
    %mul3A_371 = arith.muli %arg1, %mul3A_370 : i32
    "tpu.region"() ({
      %run_scoped3A = tpu.sem_alloc : memref<!tpu.dma_semaphore, #tpu.memory_space<semaphore_mem>>
      %dma_start3A_379 = arith.constant 0 : i32
      %dma_start3A_380 = tpu.memref_slice %arg5[%arg0, %mul3A_371, %dma_start3A_379] : memref<2x1024x128xf32, #tpu.memory_space<hbm>> -> memref<1x64x128xf32, #tpu.memory_space<hbm>>
      %dma_start3A_381 = tpu.memref_squeeze %dma_start3A_380 : memref<1x64x128xf32, #tpu.memory_space<hbm>> -> memref<64x128xf32, #tpu.memory_space<hbm>>
      %dma_start3A_382 = arith.constant 0 : i32
      %dma_start3A_383 = tpu.memref_slice %arg15[%mul3A_369, %dma_start3A_382] : memref<1024x128xf32, #tpu.memory_space<vmem_shared>> -> memref<64x128xf32, #tpu.memory_space<vmem_shared>>
      tpu.enqueue_dma source(%dma_start3A_383 : memref<64x128xf32, #tpu.memory_space<vmem_shared>>) target(%dma_start3A_381 : memref<64x128xf32, #tpu.memory_space<hbm>>) target_semaphore(%run_scoped3A : memref<!tpu.dma_semaphore, #tpu.memory_space<semaphore_mem>>)
      %dma_wait3A_384 = arith.constant 0 : i32
      %dma_wait3A_385 = tpu.memref_slice %arg5[%arg0, %mul3A_371, %dma_wait3A_384] : memref<2x1024x128xf32, #tpu.memory_space<hbm>> -> memref<1x64x128xf32, #tpu.memory_space<hbm>>
      %dma_wait3A_386 = tpu.memref_squeeze %dma_wait3A_385 : memref<1x64x128xf32, #tpu.memory_space<hbm>> -> memref<64x128xf32, #tpu.memory_space<hbm>>
      %dma_wait3A_387 = arith.constant 0 : i32
      %dma_wait3A_388 = tpu.memref_slice %arg15[%mul3A_369, %dma_wait3A_387] : memref<1024x128xf32, #tpu.memory_space<vmem_shared>> -> memref<64x128xf32, #tpu.memory_space<vmem_shared>>
      tpu.wait_dma2 semaphore(%run_scoped3A : memref<!tpu.dma_semaphore, #tpu.memory_space<semaphore_mem>>) src(%dma_wait3A_388 : memref<64x128xf32, #tpu.memory_space<vmem_shared>>) dst(%dma_wait3A_386 : memref<64x128xf32, #tpu.memory_space<hbm>>)
      tpu.yield
    }) : () -> ()
    %mul3A_372 = arith.constant 64 : i32
    %mul3A_373 = arith.muli %arg1, %mul3A_372 : i32
    "tpu.region"() ({
      %run_scoped3A = tpu.sem_alloc : memref<!tpu.dma_semaphore, #tpu.memory_space<semaphore_mem>>
      %dma_start3A_379 = tpu.memref_slice %arg16[%mul3A_373] : memref<1024xf32, #tpu.memory_space<vmem_shared>> -> memref<64xf32, #tpu.memory_space<vmem_shared>>
      %dma_start3A_380 = tpu.memref_slice %arg16[%mul3A_373] : memref<1024xf32, #tpu.memory_space<vmem_shared>> -> memref<64xf32, #tpu.memory_space<vmem_shared>>
      tpu.enqueue_dma source(%dma_start3A_380 : memref<64xf32, #tpu.memory_space<vmem_shared>>) target(%arg14 : memref<64xf32, #tpu.memory_space<vmem>>) target_semaphore(%run_scoped3A : memref<!tpu.dma_semaphore, #tpu.memory_space<semaphore_mem>>)
      %dma_wait3A_381 = tpu.memref_slice %arg16[%mul3A_373] : memref<1024xf32, #tpu.memory_space<vmem_shared>> -> memref<64xf32, #tpu.memory_space<vmem_shared>>
      %dma_wait3A_382 = tpu.memref_slice %arg16[%mul3A_373] : memref<1024xf32, #tpu.memory_space<vmem_shared>> -> memref<64xf32, #tpu.memory_space<vmem_shared>>
      tpu.wait_dma2 semaphore(%run_scoped3A : memref<!tpu.dma_semaphore, #tpu.memory_space<semaphore_mem>>) src(%dma_wait3A_382 : memref<64xf32, #tpu.memory_space<vmem_shared>>) dst(%arg14 : memref<64xf32, #tpu.memory_space<vmem>>)
      tpu.yield
    }) : () -> ()
    %mul3A_374 = arith.constant 1024 : i32
    %mul3A_375 = arith.muli %arg0, %mul3A_374 : i32
    %mul3A_376 = arith.constant 64 : i32
    %mul3A_377 = arith.muli %arg1, %mul3A_376 : i32
    %add3A_378 = arith.addi %mul3A_375, %mul3A_377 : i32
    "tpu.region"() ({
      %run_scoped3A = tpu.sem_alloc : memref<!tpu.dma_semaphore, #tpu.memory_space<semaphore_mem>>
      %dma_start3A_379 = tpu.memref_slice %arg6[%add3A_378] : memref<2048xf32, #tpu.memory_space<hbm>> -> memref<64xf32, #tpu.memory_space<hbm>>
      %dma_start3A_380 = tpu.memref_slice %arg6[%add3A_378] : memref<2048xf32, #tpu.memory_space<hbm>> -> memref<64xf32, #tpu.memory_space<hbm>>
      tpu.enqueue_dma source(%arg14 : memref<64xf32, #tpu.memory_space<vmem>>) target(%dma_start3A_380 : memref<64xf32, #tpu.memory_space<hbm>>) target_semaphore(%run_scoped3A : memref<!tpu.dma_semaphore, #tpu.memory_space<semaphore_mem>>)
      %dma_wait3A_381 = tpu.memref_slice %arg6[%add3A_378] : memref<2048xf32, #tpu.memory_space<hbm>> -> memref<64xf32, #tpu.memory_space<hbm>>
      %dma_wait3A_382 = tpu.memref_slice %arg6[%add3A_378] : memref<2048xf32, #tpu.memory_space<hbm>> -> memref<64xf32, #tpu.memory_space<hbm>>
      tpu.wait_dma2 semaphore(%run_scoped3A : memref<!tpu.dma_semaphore, #tpu.memory_space<semaphore_mem>>) src(%arg14 : memref<64xf32, #tpu.memory_space<vmem>>) dst(%dma_wait3A_382 : memref<64xf32, #tpu.memory_space<hbm>>)
      tpu.yield
    }) : () -> ()
    return
  }
}

module attributes {stable_mosaic.version = 14 : i64} {
  func.func @_combine_kernel(%arg0: memref<1000x128xf32, #tpu.memory_space<vmem>>, %arg1: memref<1000x1000xf32, #tpu.memory_space<vmem>>, %arg2: memref<1x1000xf32, #tpu.memory_space<vmem>>, %arg3: memref<2x1024x128xf32, #tpu.memory_space<vmem>>, %arg4: memref<2x1024xf32, #tpu.memory_space<vmem>>, %arg5: memref<512xf32, #tpu.memory_space<vmem>>, %arg6: memref<1x1xf32, #tpu.memory_space<vmem>>) attributes {dimension_semantics = [], scalar_prefetch = 0 : i64, scratch_operands = 0 : i64, tpu.core_type = #tpu.core_type<tc>} {
    %get3A = arith.constant 0 : index
    %get3A_0 = arith.constant 0 : index
    %get3A_1 = vector.load %arg0[%get3A, %get3A_0] : memref<1000x128xf32, #tpu.memory_space<vmem>>, vector<1000x128xf32>
    %get3A_2 = arith.constant 0 : index
    %get3A_3 = arith.constant 0 : index
    %get3A_4 = arith.constant 0 : index
    %get3A_5 = vector.load %arg3[%get3A_2, %get3A_3, %get3A_4] : memref<2x1024x128xf32, #tpu.memory_space<vmem>>, vector<1x1024x128xf32>
    %get3A_6 = vector.shape_cast %get3A_5 : vector<1x1024x128xf32> to vector<1024x128xf32>
    %get3A_7 = arith.constant 1 : index
    %get3A_8 = arith.constant 0 : index
    %get3A_9 = arith.constant 0 : index
    %get3A_10 = vector.load %arg3[%get3A_7, %get3A_8, %get3A_9] : memref<2x1024x128xf32, #tpu.memory_space<vmem>>, vector<1x1024x128xf32>
    %get3A_11 = vector.shape_cast %get3A_10 : vector<1x1024x128xf32> to vector<1024x128xf32>
    %add3A = arith.addf %get3A_6, %get3A_11 : vector<1024x128xf32>
    %slice3A = vector.extract_strided_slice %add3A {offsets = [0, 0], sizes = [1000, 128], strides = [1, 1]} : vector<1024x128xf32> to vector<1000x128xf32>
    %get3A_12 = arith.constant 0 : index
    %get3A_13 = arith.constant 0 : index
    %get3A_14 = vector.load %arg4[%get3A_12, %get3A_13] : memref<2x1024xf32, #tpu.memory_space<vmem>>, vector<1x1024xf32>
    %get3A_15 = arith.constant 1 : index
    %get3A_16 = arith.constant 0 : index
    %get3A_17 = vector.load %arg4[%get3A_15, %get3A_16] : memref<2x1024xf32, #tpu.memory_space<vmem>>, vector<1x1024xf32>
    %add3A_18 = arith.addf %get3A_14, %get3A_17 : vector<1x1024xf32>
    %slice3A_19 = vector.extract_strided_slice %add3A_18 {offsets = [0, 0], sizes = [1, 1000], strides = [1, 1]} : vector<1x1024xf32> to vector<1x1000xf32>
    %get3A_20 = arith.constant 0 : index
    %get3A_21 = arith.constant 0 : index
    %get3A_22 = vector.load %arg2[%get3A_20, %get3A_21] : memref<1x1000xf32, #tpu.memory_space<vmem>>, vector<1x1000xf32>
    %get3A_23 = arith.constant 0 : index
    %get3A_24 = vector.load %arg5[%get3A_23] : memref<512xf32, #tpu.memory_space<vmem>>, vector<512xf32>
    %reduce_sum3A = vector.shape_cast %get3A_24 : vector<512xf32> to vector<1x512xf32>
    %reduce_sum3A_25 = arith.constant dense<0.000000e+00> : vector<1xf32>
    %reduce_sum3A_26 = vector.multi_reduction <add>, %reduce_sum3A, %reduce_sum3A_25 [1] : vector<1x512xf32> to vector<1xf32>
    %reduce_sum3A_27 = vector.shape_cast %reduce_sum3A_26 : vector<1xf32> to vector<1x1xf32>
    %reduce_sum3A_28 = vector.extract %reduce_sum3A_27[0, 0] : f32 from vector<1x1xf32>
    %reduce_sum3A_29 = vector.shape_cast %slice3A_19 : vector<1x1000xf32> to vector<1x1x1000xf32>
    %reduce_sum3A_30 = arith.constant dense<0.000000e+00> : vector<1xf32>
    %reduce_sum3A_31 = vector.multi_reduction <add>, %reduce_sum3A_29, %reduce_sum3A_30 [1, 2] : vector<1x1x1000xf32> to vector<1xf32>
    %reduce_sum3A_32 = vector.shape_cast %reduce_sum3A_31 : vector<1xf32> to vector<1x1x1xf32>
    %reduce_sum3A_33 = vector.extract %reduce_sum3A_32[0, 0, 0] : f32 from vector<1x1x1xf32>
    %mul3A = arith.mulf %slice3A_19, %get3A_22 : vector<1x1000xf32>
    %reduce_sum3A_34 = vector.shape_cast %mul3A : vector<1x1000xf32> to vector<1x1x1000xf32>
    %reduce_sum3A_35 = arith.constant dense<0.000000e+00> : vector<1xf32>
    %reduce_sum3A_36 = vector.multi_reduction <add>, %reduce_sum3A_34, %reduce_sum3A_35 [1, 2] : vector<1x1x1000xf32> to vector<1xf32>
    %reduce_sum3A_37 = vector.shape_cast %reduce_sum3A_36 : vector<1xf32> to vector<1x1x1xf32>
    %reduce_sum3A_38 = vector.extract %reduce_sum3A_37[0, 0, 0] : f32 from vector<1x1x1xf32>
    %mul3A_39 = arith.mulf %slice3A, %get3A_1 : vector<1000x128xf32>
    %reduce_sum3A_40 = vector.shape_cast %mul3A_39 : vector<1000x128xf32> to vector<1x1000x128xf32>
    %reduce_sum3A_41 = arith.constant dense<0.000000e+00> : vector<1xf32>
    %reduce_sum3A_42 = vector.multi_reduction <add>, %reduce_sum3A_40, %reduce_sum3A_41 [1, 2] : vector<1x1000x128xf32> to vector<1xf32>
    %reduce_sum3A_43 = vector.shape_cast %reduce_sum3A_42 : vector<1xf32> to vector<1x1x1xf32>
    %reduce_sum3A_44 = vector.extract %reduce_sum3A_43[0, 0, 0] : f32 from vector<1x1x1xf32>
    %add3A_45 = arith.addf %reduce_sum3A_28, %reduce_sum3A_38 : f32
    %mul3A_46 = arith.constant 2.000000e+00 : f32
    %mul3A_47 = arith.mulf %mul3A_46, %reduce_sum3A_44 : f32
    %sub3A = arith.subf %add3A_45, %mul3A_47 : f32
    %div3A = arith.divf %sub3A, %reduce_sum3A_33 : f32
    %iota3A = tpu.iota {dimensions = array<i32: 0>} : vector<1000x1000xi32>
    %iota3A_48 = tpu.iota {dimensions = array<i32: 1>} : vector<1000x1000xi32>
    %eq3A = arith.cmpi eq, %iota3A, %iota3A_48 : vector<1000x1000xi32>
    %broadcast_in_dim3A = vector.shape_cast %slice3A_19 : vector<1x1000xf32> to vector<1x1000xf32>
    %broadcast_in_dim3A_49 = vector.broadcast %broadcast_in_dim3A : vector<1x1000xf32> to vector<1000x1000xf32>
    %jit3A = arith.constant 0.000000e+00 : f32
    %broadcast_in_dim3A_50 = vector.broadcast %jit3A : f32 to vector<1000x1000xf32>
    %select_n3A = arith.select %eq3A, %broadcast_in_dim3A_49, %broadcast_in_dim3A_50 : vector<1000x1000xi1>, vector<1000x1000xf32>
    %reduce_sum3A_51 = arith.constant dense<0.000000e+00> : vector<1000xf32>
    %reduce_sum3A_52 = vector.multi_reduction <add>, %select_n3A, %reduce_sum3A_51 [1] : vector<1000x1000xf32> to vector<1000xf32>
    %broadcast_in_dim3A_53 = vector.shape_cast %reduce_sum3A_52 : vector<1000xf32> to vector<1000x1xf32>
    %gt3A = arith.constant 0.000000e+00 : f32
    %gt3A_54 = vector.broadcast %gt3A : f32 to vector<1000x1xf32>
    %gt3A_55 = arith.cmpf ogt, %broadcast_in_dim3A_53, %gt3A_54 : vector<1000x1xf32>
    %gt3A_56 = arith.constant 0.000000e+00 : f32
    %gt3A_57 = vector.broadcast %gt3A_56 : f32 to vector<1x1000xf32>
    %gt3A_58 = arith.cmpf ogt, %slice3A_19, %gt3A_57 : vector<1x1000xf32>
    %and3A = vector.broadcast %gt3A_55 : vector<1000x1xi1> to vector<1000x1000xi1>
    %and3A_59 = vector.broadcast %gt3A_58 : vector<1x1000xi1> to vector<1000x1000xi1>
    %and3A_60 = arith.andi %and3A, %and3A_59 : vector<1000x1000xi1>
    %not3A = arith.constant dense<true> : vector<1000x1000xi1>
    %not3A_61 = arith.xori %eq3A, %not3A : vector<1000x1000xi1>
    %and3A_62 = arith.andi %and3A_60, %not3A_61 : vector<1000x1000xi1>
    %get3A_63 = arith.constant 0 : index
    %get3A_64 = arith.constant 0 : index
    %get3A_65 = vector.load %arg1[%get3A_63, %get3A_64] : memref<1000x1000xf32, #tpu.memory_space<vmem>>, vector<1000x1000xf32>
    %jit3A_66 = arith.constant 1.000000e+24 : f32
    %broadcast_in_dim3A_67 = vector.broadcast %jit3A_66 : f32 to vector<1000x1000xf32>
    %select_n3A_68 = arith.select %and3A_62, %get3A_65, %broadcast_in_dim3A_67 : vector<1000x1000xi1>, vector<1000x1000xf32>
    %reduce_min3A = vector.shape_cast %select_n3A_68 : vector<1000x1000xf32> to vector<1x1000x1000xf32>
    %reduce_min3A_69 = arith.constant dense<0x7F800000> : vector<1xf32>
    %reduce_min3A_70 = vector.multi_reduction <minimumf>, %reduce_min3A, %reduce_min3A_69 [1, 2] : vector<1x1000x1000xf32> to vector<1xf32>
    %reduce_min3A_71 = vector.shape_cast %reduce_min3A_70 : vector<1xf32> to vector<1x1x1xf32>
    %reduce_min3A_72 = vector.extract %reduce_min3A_71[0, 0, 0] : f32 from vector<1x1x1xf32>
    %sub3A_73 = arith.subf %div3A, %reduce_min3A_72 : f32
    %broadcast_in_dim3A_74 = vector.broadcast %sub3A_73 : f32 to vector<1x1xf32>
    %swap3A = arith.constant 0 : index
    %swap3A_75 = arith.constant 0 : index
    %swap3A_76 = vector.load %arg6[%swap3A, %swap3A_75] : memref<1x1xf32, #tpu.memory_space<vmem>>, vector<1x1xf32>
    tpu.vector_store %arg6[%swap3A, %swap3A_75], %broadcast_in_dim3A_74 {strides = array<i32>} : memref<1x1xf32, #tpu.memory_space<vmem>>, vector<1x1xf32>,
    return
  }
}

module attributes {stable_mosaic.version = 14 : i64} {
  func.func @_gram_kernel(%arg0: memref<1000x128xf32, #tpu.memory_space<vmem>>, %arg1: memref<1000x1000xf32, #tpu.memory_space<vmem>>, %arg2: memref<1x1000xf32, #tpu.memory_space<vmem>>) attributes {dimension_semantics = [], scalar_prefetch = 0 : i64, scratch_operands = 0 : i64, tpu.core_type = #tpu.core_type<tc>} {
    %get3A = arith.constant 0 : index
    %get3A_0 = arith.constant 0 : index
    %get3A_1 = vector.load %arg0[%get3A, %get3A_0] : memref<1000x128xf32, #tpu.memory_space<vmem>>, vector<1000x128xf32>
    %dot_general3A = arith.constant dense<0.000000e+00> : vector<1000x1000xf32>
    %dot_general3A_2 = tpu.matmul %get3A_1, %get3A_1, %dot_general3A {dimension_numbers = #tpu.dot_dimension_numbers<[1], [1], [0], [0], [0, 0, 1, 0], [], []>, transpose_lhs_hint = false} : vector<1000x128xf32>, vector<1000x128xf32>, vector<1000x1000xf32> -> vector<1000x1000xf32>
    %iota3A = tpu.iota {dimensions = array<i32: 0>} : vector<1000x1000xi32>
    %iota3A_3 = tpu.iota {dimensions = array<i32: 1>} : vector<1000x1000xi32>
    %eq3A = arith.cmpi eq, %iota3A, %iota3A_3 : vector<1000x1000xi32>
    %jit3A = arith.constant 0.000000e+00 : f32
    %broadcast_in_dim3A = vector.broadcast %jit3A : f32 to vector<1000x1000xf32>
    %select_n3A = arith.select %eq3A, %dot_general3A_2, %broadcast_in_dim3A : vector<1000x1000xi1>, vector<1000x1000xf32>
    %reduce_sum3A = arith.constant dense<0.000000e+00> : vector<1000xf32>
    %reduce_sum3A_4 = vector.multi_reduction <add>, %select_n3A, %reduce_sum3A [0] : vector<1000x1000xf32> to vector<1000xf32>
    %broadcast_in_dim3A_5 = vector.shape_cast %reduce_sum3A_4 : vector<1000xf32> to vector<1x1000xf32>
    %jit3A_6 = arith.constant 0.000000e+00 : f32
    %broadcast_in_dim3A_7 = vector.broadcast %jit3A_6 : f32 to vector<1000x1000xf32>
    %select_n3A_8 = arith.select %eq3A, %dot_general3A_2, %broadcast_in_dim3A_7 : vector<1000x1000xi1>, vector<1000x1000xf32>
    %reduce_sum3A_9 = arith.constant dense<0.000000e+00> : vector<1000xf32>
    %reduce_sum3A_10 = vector.multi_reduction <add>, %select_n3A_8, %reduce_sum3A_9 [1] : vector<1000x1000xf32> to vector<1000xf32>
    %broadcast_in_dim3A_11 = vector.shape_cast %reduce_sum3A_10 : vector<1000xf32> to vector<1000x1xf32>
    %add3A = vector.broadcast %broadcast_in_dim3A_11 : vector<1000x1xf32> to vector<1000x1000xf32>
    %add3A_12 = vector.broadcast %broadcast_in_dim3A_5 : vector<1x1000xf32> to vector<1000x1000xf32>
    %add3A_13 = arith.addf %add3A, %add3A_12 : vector<1000x1000xf32>
    %mul3A = arith.constant 2.000000e+00 : f32
    %mul3A_14 = vector.broadcast %mul3A : f32 to vector<1000x1000xf32>
    %mul3A_15 = arith.mulf %mul3A_14, %dot_general3A_2 : vector<1000x1000xf32>
    %sub3A = arith.subf %add3A_13, %mul3A_15 : vector<1000x1000xf32>
    %jit3A_16 = arith.constant 0.000000e+00 : f32
    %max3A = vector.broadcast %jit3A_16 : f32 to vector<1000x1000xf32>
    %max3A_17 = arith.maximumf %max3A, %sub3A : vector<1000x1000xf32>
    %swap3A = arith.constant 0 : index
    %swap3A_18 = arith.constant 0 : index
    %swap3A_19 = vector.load %arg1[%swap3A, %swap3A_18] : memref<1000x1000xf32, #tpu.memory_space<vmem>>, vector<1000x1000xf32>
    tpu.vector_store %arg1[%swap3A, %swap3A_18], %max3A_17 {strides = array<i32>} : memref<1000x1000xf32, #tpu.memory_space<vmem>>, vector<1000x1000xf32>,
    %swap3A_20 = arith.constant 0 : index
    %swap3A_21 = arith.constant 0 : index
    %swap3A_22 = vector.load %arg2[%swap3A_20, %swap3A_21] : memref<1x1000xf32, #tpu.memory_space<vmem>>, vector<1x1000xf32>
    tpu.vector_store %arg2[%swap3A_20, %swap3A_21], %broadcast_in_dim3A_5 {strides = array<i32>} : memref<1x1000xf32, #tpu.memory_space<vmem>>, vector<1x1000xf32>,
    return
  }
}

</mosaic_0001>

<sc_bundles>
// kernel: kernel.5.cloned.1.call-start
scs
__scs_entry_jumppad:
0x0: {  	(pc) =	sbr.rel $0x88, $3  }
0x1: {  	(tag) =	ssettag $0x0;
	lr =	simm.s32 $0x1  }
0x2: {  	[smem:$0x3F9E] =	sst lr;
	_ =	strace $0xD0000000  }
0x3: {  	_ = 	snop  }
0x4: {  	_ = 	snop  }
0x5: {  	_ = 	snop  }
0x6: {  	_ = 	snop  }
0x7: {  	_ = 	snop  }
__scs_overlays_trampoline_lowered:
0x8: {  	[smem:$0x3FAD] =	sst s0  }
0x9: {  	[smem:$0x3FAE] =	sst s1  }
0xa: {  	[smem:$0x3FAF] =	sst s2  }
0xb: {  	[smem:$0x3FB0] =	sst s3  }
0xc: {  	[smem:$0x3FB1] =	sst s4  }
0xd: {  	[smem:$0x3FB2] =	sst s5  }
0xe: {  	[smem:$0x3FB3] =	sst s6  }
0xf: {  	[smem:$0x3FB4] =	sst s7  }
0x10: {  	[smem:$0x3FB5] =	sst s8  }
0x11: {  	[smem:$0x3FB6] =	sst s9;
	s0 =	simm.s32 @!p0 $0x0  }
0x12: {  	s1 =	sld [smem:$0x3F9C];
	s0 =	simm.s32 @p0 $0x1  }
0x13: {  	[smem:$0x3FB7] =	sst s0;
	s0 =	simm.s32 @!p1 $0x0  }
0x14: {  	s2 =	sld [smem:$0x3F9B];
	s0 =	simm.s32 @p1 $0x1  }
0x15: {  	[smem:$0x3FB8] =	sst s0;
	s0 =	simm.s32 @!p2 $0x0  }
0x16: {  	s3 =	sld [smem:$0x3FDB];
	s0 =	simm.s32 @p2 $0x1  }
0x17: {  	s4 =	simm.s32 $0x1BF5;
	[smem:$0x3FBA] =	sst s0  }
0x18: {  	s0 =	sld [smem:$0x3F9D];
	_ =	swait.ge [sflag:s4], $0x0  }
0x19: {  	s7 =	sld [smem:$0x3F9E]  }
0x1a: {  	s8 =	sadd.s32 $0xFFFFE003, lr  }
0x1b: {  	s9 =	sadd.s32 $0xFFFFFEF7, lr;
	s5 =	simm.s32 $0xFFFFFFFF;
	p2 =	slt.u32 s8, $0xFFFFF086  }
0x1c: {  	p1 =	slt.u32 s9, $0xF7A;
	s5 =	simm.s32 @!p2 $0x0  }
0x1d: {  	s5 =	simm.s32 @p1 $0x1;
	p0 =	seq.s32 s7, s2  }
0x1e: {  	s7 =	smul.u32 @!p0 $0xF7A, s2;
	p2 =	seq.s32 @!p0 s5, $0x0  }
0x1f: {  	s9 =	smul.u32 $0xF7A, s1;
	s8 =	simm.s32 @!p0 $0x1BF5;
	p2 =	por !p2, p0  }
0x20: {  	[sflag:s8] =	ssyncset.s32 @!p0 $0xFFFFF086;
	s6 =	sadd.s32 @!p0 s3, s7;
	s7 =	simm.s32 @!p0 $0x108  }
0x21: {  	s3 =	sadd.s32 s3, s9;
	s6 =	sadd.s32 @!p0 $0x88, s6;
	s7 =	simm.s32 @p2 $0x1082  }
0x22: {  	[simem:s7], [sflag:s8] =	dma.local @!p0 [hbm:s6], $0xF7A  }
0x23: {  	s9 =	sor.u32 $0xD0000000, s2;
	s6 =	simm.s32 $0x108;
	_ =	swait.ge @!p0 [sflag:s8], $0x0  }
0x24: {  	s3 =	sadd.s32 $0x88, s3;
	s6 =	simm.s32 @!p1 $0x1082;
	[sflag:s4] =	ssyncset.s32 $0xFFFFF086  }
0x25: {  	[simem:s6], [sflag:s4] =	dma.local [hbm:s3], $0xF7A  }
0x26: {  	[smem:$0x3F9E] =	sst s1;
	(tag) =	ssettag s2;
	_ =	strace s9  }
0x27: {  	s1 =	sld [smem:$0x3FAE]  }
0x28: {  	s2 =	sld [smem:$0x3FAF]  }
0x29: {  	s4 =	sld [smem:$0x3FB1]  }
0x2a: {  	p0 =	seq.s32 s5, $0x0;
	s5 =	sld [smem:$0x3FB2]  }
0x2b: {  	s6 =	sld [smem:$0x3FB3]  }
0x2c: {  	s7 =	sld [smem:$0x3FB4]  }
0x2d: {  	s3 =	simm.s32 $0x108;
	s8 =	sld [smem:$0x3FB5]  }
0x2e: {  	s3 =	simm.s32 @!p0 $0x1082;
	s9 =	sld [smem:$0x3FB6]  }
0x2f: {  	lr =	sadd.s32 s0, s3;
	s0 =	sld [smem:$0x3FAD]  }
0x30: {  	s3 =	sld [smem:$0x3FB0]  }
0x31: {  	[smem:$0x3FB9] =	sst s10  }
0x32: {  	s10 =	sld [smem:$0x3FB7];
	_ =	sdelay $0x3  }
0x33: {  	p0 =	seq.s32 s10, $0x1;
	s10 =	sld [smem:$0x3FB9];
	_ =	sdelay $0x3  }
0x34: {  	[smem:$0x3FB9] =	sst s10  }
0x35: {  	s10 =	sld [smem:$0x3FB8];
	_ =	sdelay $0x3  }
0x36: {  	p1 =	seq.s32 s10, $0x1;
	s10 =	sld [smem:$0x3FB9];
	_ =	sdelay $0x3  }
0x37: {  	[smem:$0x3FB9] =	sst s10  }
0x38: {  	s10 =	sld [smem:$0x3FBA]  }
0x39: {  	_ = 	snop;
	(pc) =	sbr.ind lr, $3  }
0x3a: {  	_ = 	snop  }
0x3b: {  	_ = 	snop  }
0x3c: {  	p2 =	seq.s32 s10, $0x1;
	s10 =	sld [smem:$0x3FB9]  }
0x3d: {  	_ =	shalt  }
0x3e: {  	_ =	shalt  }
0x3f: {  	_ =	shalt  }
0x40: {  	_ =	shalt  }
0x41: {  	_ =	shalt  }
0x42: {  	_ =	shalt  }
0x43: {  	_ =	shalt  }
0x44: {  	_ =	shalt  }
0x45: {  	_ =	shalt  }
0x46: {  	_ =	shalt  }
0x47: {  	_ =	shalt  }
0x48: {  	_ =	shalt  }
0x49: {  	_ =	shalt  }
0x4a: {  	_ =	shalt  }
0x4b: {  	_ =	shalt  }
0x4c: {  	_ =	shalt  }
0x4d: {  	_ =	shalt  }
0x4e: {  	_ =	shalt  }
0x4f: {  	_ =	shalt  }
0x50: {  	_ =	shalt  }
0x51: {  	_ =	shalt  }
0x52: {  	_ =	shalt  }
0x53: {  	_ =	shalt  }
0x54: {  	_ =	shalt  }
0x55: {  	_ =	shalt  }
0x56: {  	_ =	shalt  }
0x57: {  	_ =	shalt  }
0x58: {  	_ =	shalt  }
0x59: {  	_ =	shalt  }
0x5a: {  	_ =	shalt  }
0x5b: {  	_ =	shalt  }
0x5c: {  	_ =	shalt  }
0x5d: {  	_ =	shalt  }
0x5e: {  	_ =	shalt  }
0x5f: {  	_ =	shalt  }
0x60: {  	_ =	shalt  }
0x61: {  	_ =	shalt  }
0x62: {  	_ =	shalt  }
0x63: {  	_ =	shalt  }
0x64: {  	_ =	shalt  }
0x65: {  	_ =	shalt  }
0x66: {  	_ =	shalt  }
0x67: {  	_ =	shalt  }
0x68: {  	_ =	shalt  }
0x69: {  	_ =	shalt  }
0x6a: {  	_ =	shalt  }
0x6b: {  	_ =	shalt  }
0x6c: {  	_ =	shalt  }
0x6d: {  	_ =	shalt  }
0x6e: {  	_ =	shalt  }
0x6f: {  	_ =	shalt  }
0x70: {  	_ =	shalt  }
0x71: {  	_ =	shalt  }
0x72: {  	_ =	shalt  }
0x73: {  	_ =	shalt  }
0x74: {  	_ =	shalt  }
0x75: {  	_ =	shalt  }
0x76: {  	_ =	shalt  }
0x77: {  	_ =	shalt  }
0x78: {  	_ =	shalt  }
0x79: {  	_ =	shalt  }
0x7a: {  	_ =	shalt  }
0x7b: {  	_ =	shalt  }
0x7c: {  	_ =	shalt  }
0x7d: {  	_ =	shalt  }
0x7e: {  	_ =	shalt  }
0x7f: {  	_ =	shalt  }
0x80: {  	_ =	shalt  }
0x81: {  	_ =	shalt  }
0x82: {  	_ =	shalt  }
0x83: {  	_ =	shalt  }
0x84: {  	_ =	shalt  }
0x85: {  	_ =	shalt  }
0x86: {  	_ =	shalt  }
0x87: {  	_ =	shalt  }
.Lfunc_end0:
.L_simem_size_0:
called_computation_lowered:
.L_overlay_start_0:
0x88: {  	s2 =	sld [smem:$0x3FD9]  }
0x89: {  	s3 =	sld [smem:$0x3FFE];
	_ =	sdelay $0x1  }
0x8a: {  	s1 =	srdreg.scid  }
0x8b: {  	s0 =	sand.u32 $0x1, s1  }
0x8c: {  	s17 =	sshll.u32 s0, $0xA;
	s2 =	sadd.s32 s3, s2  }
0x8d: {  	s2 =	sadd.s32 s2, s17  }
0x8e: {  	[smem:$0x3FC5] =	sst s2  }
0x8f: {  	_ = 	snop  }
0x90: {  	s2 =	sld [smem:$0x3FC9]  }
0x91: {  	s18 =	sld [smem:$0x3FC8];
	(tm) =	ssettm $0x1  }
0x92: {  	s4 =	sld [smem:$0x3FFB];
	_ =	sdelay $0x3  }
0x93: {  	_ =	strace s4  }
0x94: {  	s4 =	sld [smem:$0x3FFC];
	_ =	sdelay $0x3  }
0x95: {  	_ =	strace s4  }
0x96: {  	s4 =	sld [smem:$0x3FFD];
	_ =	sdelay $0x3  }
0x97: {  	_ =	strace s4  }
0x98: {  	_ =	strace $0x8FFFFFFF  }
0x99: {  	s19 =	sld [smem:$0x3FDB];
	_ =	sdelay $0x1  }
0x9a: {  	s5 =	simm.s32 $_scs_section_size  }
0x9b: {  	s6 =	simm.s32 $_size__tile_overlayer_lowered;
	s7 =	simm.s32 $_tile_overlayer_lowered  }
0x9c: {  	s22 =	simm.s32 $0x1BFF;
	s21 =	sshll.u32 s7, $0x1;
	s4 =	sadd.s32 s5, s19  }
0x9d: {  	s8 =	simm.s32 $0x0;
	s20 =	sshll.u32 s6, $0x1;
	s6 =	sadd.s32 s21, s4  }
0x9e: {  	[timem:s8], [sflag:s22] =	dma.local [hbm:s6], s20  }
0x9f: {  	_ =	swait.ge [sflag:s22], s20  }
0xa0: {  	s5 =	ssub.s32 $0x0, s20;
	[sflag:s22] =	ssyncset.done $0x0  }
0xa1: {  	[sflag:s22] =	ssyncadd.s32 s5;
	_ =	sdelay $0x1  }
0xa2: {  	s23 =	simm.s32 $0x1B8B  }
0xa3: {  	_ =	swait.ge [sflag:s23], $0x1  }
0xa4: {  	[sflag:s23] =	ssyncset.done $0x0  }
0xa5: {  	s25 =	simm.s32 $0x1B8E;
	s24 =	sld [smem:$0x3FFE];
	[sflag:s23] =	ssyncadd.s32 $0xFFFFFFFF  }
0xa6: {  	s26 =	simm.s32 $execute0_lowered;
	[smem:$0x3FD2] =	sst s25  }
0xa7: {  	s6 =	sshll.u32 s26, $0x1;
	_ =	strace $0x80000046;
	[dreg:$0x1] =	wrdreg $0xFFFFFFFF  }
0xa8: {  	s28 =	simm.s32 $_size_execute0_lowered;
	s4 =	sadd.s32 s4, s6;
	[dreg:$0x0] =	wrdreg $0x0  }
0xa9: {  	s6 =	sshll.u32 s28, $0x1;
	[dreg:$0x2] =	wrdreg s4  }
0xaa: {  	[dreg:$0x3] =	wrdreg s6  }
0xab: {  	[dreg:$0x4] =	wrdreg $0xC0  }
0xac: {  	_ =	task [dreg:s8], $0x5FFFF  }
0xad: {  	[dreg:$0x1] =	wrdreg $0xFFFFFFFF  }
0xae: {  	[dreg:$0x0] =	wrdreg $0x60  }
0xaf: {  	[dreg:$0x2] =	wrdreg s2  }
0xb0: {  	[dreg:$0x3] =	wrdreg s18  }
0xb1: {  	[dreg:$0x4] =	wrdreg s24  }
0xb2: {  	[dreg:$0x5] =	wrdreg $0x199800  }
0xb3: {  	[dreg:$0x6] =	wrdreg $0x1B9800  }
0xb4: {  	[dreg:$0x7] =	wrdreg $0x9  }
0xb5: {  	_ =	task.clear_ibuf [dreg:s8], $0x8FFFF;
	_ =	strace $0x90000046  }
0xb6: {  	s29 =	simm.s32 $0x9;
	_ =	strace $0x80000048  }
0xb7: {  	_ =	swait.ge [sflag:s29], $0x1  }
0xb8: {  	[sflag:s29] =	ssyncadd.s32 $0xFFFFFFFF  }
0xb9: {  	_ =	strace $0x90000048  }
0xba: {  	_ =	sfence  }
0xbb: {  	s30 =	sld [smem:$0x0];
	_ =	sdelay $0x2  }
0xbc: {  	s31 =	sshll.u32 s1, $0xD;
	s1 =	sshrl.u32 s1, $0x2  }
0xbd: {  	s3 =	sand.u32 $0x4000, s31;
	s1 =	sadd.s32 s1, s30  }
0xbe: {  	s0 =	sor.u32 s3, s0;
	s1 =	sshll.u32 s1, $0x11  }
0xbf: {  	s0 =	sor.u32 s1, s0  }
0xc0: {  	s0 =	sadd.s32 $0x8F2B, s0  }
0xc1: {  	[sflag:s0] =	ssyncadd.remote.s32 $0x1  }
0xc2: {  	_ =	sfence.sel $0xFFFF  }
0xc3: {  	[dreg:$0x0] =	wrdreg $0xFFFFFFFF;
	(pc) =	sbr.abs _section_cstart, $3  }
0xc4: {  	[dreg:$0x1] =	wrdreg $0xFFFFFFFF  }
0xc5: {  	_ =	task.clear_ibuf [dreg:s8], $0x2FFFF;
	_ =	strace $0x9FFFFFFF  }
0xc6: {  	(tm) =	ssettm $0x7FFFFFFF  }
0xc7: {  	_ =	shalt  }
tec
execute0_lowered:
.L_overlay_start_1:
0x0: {  	(tag) =	ssettag $0x1  }
0x1: {  	s1 =	rddreg [dreg:$0x0]  }
0x2: {  	s2 =	rddreg [dreg:$0x1]  }
0x3: {  	s0 =	rddreg [dreg:$0x2]  }
0x4: {  	s3 =	rddreg [dreg:$0x3]  }
0x5: {  	s5 =	rddreg [dreg:$0x4]  }
0x6: {  	s4 =	srdreg.scid;
	s23 =	simm.s32 $0x0;
	s15 =	stileid.u32  }
0x7: {  	s28 =	simm.s32 $0xC880;
	s29 =	simm.s32 $0xC900;
	s30 =	simm.s32 $0xC980  }
0x8: {  	s31 =	simm.s32 $0xCA00;
	s4 =	sand.u32 $0x1, s4;
	[smem:$0x7FF] =	sst s23  }
0x9: {  	s6 =	sshll.u32 s15, $0x6;
	s8 =	sadd.s32 $0x1000, s0;
	s25 =	sshll.u32 s15, $0xA  }
0xa: {  	s9 =	sshll.u32 s15, $0x1;
	s21 =	sshll.u32 s15, $0xD;
	s15 =	simm.s32 $0x19580  }
0xb: {  	s7 =	sshll.u32 s4, $0xA;
	_ =	strace $0x80000047;
	[dreg:$0x6] =	wrdreg s8  }
0xc: {  	s10 =	sadd.s32 s25, s0;
	s26 =	sor.u32 s4, s9;
	s11 =	ssub.s32 $0x2, s4  }
0xd: {  	s8 =	sadd.s32 $0xC80, s1;
	s4 =	sshll.u32 s4, $0xE;
	s12 =	smul.u32 $0x2710, s26  }
0xe: {  	s7 =	sor.u32 s6, s7;
	s9 =	sshll.u32 s26, $0x1;
	s13 =	smul.u32 $0x138800, s26  }
0xf: {  	s14 =	sshrl.u32 s11, $0x1;
	s16 =	smul.u32 $0x27100, s26;
	s24 =	sadd.s32 s4, s10  }
0x10: {  	s10 =	simm.s32 $0xCC00;
	s4 =	simm.s32 $0xA000;
	s7 =	sshrl.u32 s7, $0x3  }
0x11: {  	s7 =	sadd.s32 s7, s0;
	s0 =	sadd.s32 s9, s0;
	s9 =	ssub.s32 s11, s14  }
0x12: {  	s14 =	sshrl.u32 s12, $0x3;
	s13 =	sshrl.u32 s13, $0x3;
	s11 =	sadd.s32 s1, s16  }
0x13: {  	s16 =	simm.s32 $0x19600;
	[dreg:$0x8] =	wrdreg s11;
	s17 =	sadd.s32 s13, s8  }
0x14: {  	s14 =	sadd.s32 s2, s14;
	s11 =	sadd.s32 s21, s3;
	[dreg:$0x9] =	wrdreg s17  }
0x15: {  	s0 =	sadd.s32 $0x9600, s0;
	s25 =	sadd.s32 $0x1400, s7;
	[dreg:$0x7] =	wrdreg s14  }
0x16: {  	s26 =	smax.u32 s9, $0x1;
	s7 =	simm.s32 $0x1;
	[dreg:$0xe] =	wrdreg s11  }
0x17: {  	s13 =	simm.s32 $0x19480;
	s21 =	simm.s32 $0x50;
	[dreg:$0x11] =	wrdreg s0  }
0x18: {  	s9 =	simm.s32 $0x7800;
	s18 =	sadd.s32 $0xA, s14;
	[dreg:$0x13] =	wrdreg s25  }
0x19: {  	s19 =	sadd.s32 $0x14, s14;
	s20 =	sadd.s32 $0x1E, s14;
	[dreg:$0x14] =	wrdreg s26  }
0x1a: {  	s22 =	sadd.s32 $0x28, s14;
	s11 =	sor.u32 $0x1C04, s6;
	[dreg:$0xa] =	wrdreg s18  }
0x1b: {  	s6 =	sadd.s32 s6, s5;
	s0 =	sadd.s32 $0x1600, s24;
	[dreg:$0xb] =	wrdreg s19  }
0x1c: {  	s26 =	simm.s32 $0xC800;
	s25 =	simm.s32 $0x4;
	[dreg:$0xc] =	wrdreg s20  }
0x1d: {  	s14 =	simm.s32 $0x19500;
	s17 =	simm.s32 $0x3;
	[dreg:$0xd] =	wrdreg s22  }
0x1e: {  	s24 =	simm.s32 $0x0;
	s19 =	sadd.s32 $0x190, s12;
	[dreg:$0x12] =	wrdreg s0  }
0x1f: {  	s20 =	sadd.s32 $0x320, s12;
	s12 =	simm.s32 $0x19400;
	[dreg:$0xf] =	wrdreg s11  }
0x20: {  	v0 =	vimm.f32 $1.000000000e+00;
	s22 =	simm.s32 $0x19800;
	s18 =	simm.s32 $0x2;
	[dreg:$0x10] =	wrdreg s6  }
.LBB2_1:
0x21: {  	[dreg:$0x15] =	wrdreg s24  }
0x22: {  	s0 =	rddreg [dreg:$0x8]  }
0x23: {  	[tilespmem:s23], [sflag:$0x1] =	stream.linear.gather [hbm4b:s0+s23], $0x6400, $0x38;
	[tilespmem:$0x1B9C0] =	vst v63  }
0x24: {  	s24 =	simm.s32 $0x6400;
	s0 =	rddreg [dreg:$0x9]  }
0x25: {  	[tilespmem:s24], [sflag:$0x1] =	stream.linear.gather [hbm4b:s0+s23], $0x6400, $0x38;
	[tilespmem:$0x1B9C0] =	vst v63  }
0x26: {  	s24 =	rddreg [dreg:$0x7]  }
0x27: {  	[tilespmem:s26], [sflag:$0x1] =	stream.linear.gather [hbm4b:s24+s23], $0x50, $0x38;
	[tilespmem:$0x1B9C0] =	vst v63  }
0x28: {  	s24 =	rddreg [dreg:$0xa]  }
0x29: {  	[tilespmem:s28], [sflag:$0x1] =	stream.linear.gather [hbm4b:s24+s23], $0x50, $0x38;
	[tilespmem:$0x1B9C0] =	vst v63  }
0x2a: {  	s24 =	rddreg [dreg:$0xb]  }
0x2b: {  	[tilespmem:s29], [sflag:$0x1] =	stream.linear.gather [hbm4b:s24+s23], $0x50, $0x38;
	[tilespmem:$0x1B9C0] =	vst v63  }
0x2c: {  	s24 =	rddreg [dreg:$0xc]  }
0x2d: {  	[tilespmem:s30], [sflag:$0x1] =	stream.linear.gather [hbm4b:s24+s23], $0x50, $0x38;
	[tilespmem:$0x1B9C0] =	vst v63  }
0x2e: {  	s24 =	rddreg [dreg:$0xd]  }
0x2f: {  	[tilespmem:s31], [sflag:$0x1] =	stream.linear.gather [hbm4b:s24+s23], $0x50, $0x38;
	[tilespmem:$0x1B9C0] =	vst v63  }
0x30: {  	[tilespmem:$0x19800] =	vst v0  }
0x31: {  	[tilespmem:$0x19810] =	vst v0  }
0x32: {  	[tilespmem:$0x19820] =	vst v0  }
0x33: {  	[tilespmem:$0x19830] =	vst v0  }
0x34: {  	v1 =	vimm.f32 $0.0e+00;
	[tilespmem:$0x19840] =	vst v0  }
0x35: {  	[tilespmem:$0x19900] =	vst v1  }
0x36: {  	s24 =	rddreg [dreg:$0xe];
	[tilespmem:$0x19910] =	vst v1  }
0x37: {  	[tilespmem:$0x19920] =	vst v1;
	s0 =	sshrl.u32 s24, $0x3;
	s24 =	rddreg [dreg:$0x6]  }
0x38: {  	[tilespmem:$0x19930] =	vst v1;
	[dreg:$0x16] =	wrdreg s0  }
0x39: {  	[spmem:s0], [sflag:s11] =	dma.local [hbm:s24], $0x400  }
0x3a: {  	_ =	swait.ge [sflag:s25], $0x400  }
0x3b: {  	[sflag:s25] =	ssyncset.done $0x0  }
0x3c: {  	s24 =	simm.s32 $0x19900;
	[sflag:s25] =	ssyncadd.s32 $0xFFFFFC00  }
0x3d: {  	[spmem:s6] =	stream.linear.scatter [tilespmem:s24], [sflag:$0x4], $0x40, $0x38;
	[tilespmem:$0x1B9C0] =	vst v63  }
0x3e: {  	_ =	swait.ge [sflag:s25], $0x40  }
0x3f: {  	v8 =	vimm.f32 $0.0e+00;
	[sflag:s25] =	ssyncset.done $0x0  }
0x40: {  	v2 =	vimm.f32 $0.0e+00;
	v3 =	vimm.f32 $0.0e+00;
	v4 =	vimm.f32 $0.0e+00;
	[sflag:s25] =	ssyncadd.s32 $0xFFFFFFC0  }
0x41: {  	v6 =	vimm.f32 $0.0e+00;
	v5 =	vimm.f32 $0.0e+00;
	v7 =	vimm.f32 $0.0e+00;
	s6 =	simm.s32 $0x0;
	[bflag:$0x0] =	sbarrier.arrive $0xFFFF  }
.LBB2_2:
0x42: {  	_ =	swait.ge [sflag:s7], $0xC800  }
0x43: {  	[sflag:s7] =	ssyncset.done $0x0  }
0x44: {  	[sflag:s7] =	ssyncadd.s32 $0xFFFF3800  }
0x45: {  	_ =	swait.ge [sflag:s7], $0x50  }
0x46: {  	[sflag:s7] =	ssyncset.done $0x0  }
0x47: {  	[sflag:s7] =	ssyncadd.s32 $0xFFFFFFB0  }
0x48: {  	_ =	swait.ge [sflag:s7], $0x50  }
0x49: {  	[sflag:s7] =	ssyncset.done $0x0  }
0x4a: {  	[sflag:s7] =	ssyncadd.s32 $0xFFFFFFB0  }
0x4b: {  	_ =	swait.ge [sflag:s7], $0x50  }
0x4c: {  	[sflag:s7] =	ssyncset.done $0x0  }
0x4d: {  	[sflag:s7] =	ssyncadd.s32 $0xFFFFFFB0  }
0x4e: {  	_ =	swait.ge [sflag:s7], $0x50  }
0x4f: {  	s0 =	smul.u32 $0x320, s6;
	[sflag:s7] =	ssyncset.done $0x0  }
0x50: {  	[sflag:s7] =	ssyncadd.s32 $0xFFFFFFB0  }
0x51: {  	s11 =	sadd.s32 s0, s19;
	_ =	swait.ge [sflag:s7], $0x50  }
0x52: {  	s25 =	sshll.u32 s11, $0x4;
	[sflag:s7] =	ssyncset.done $0x0  }
0x53: {  	s24 =	simm.s32 $0x0;
	s23 =	sadd.s32 s1, s25;
	[sflag:s7] =	ssyncadd.s32 $0xFFFFFFB0  }
0x54: {  	[tilespmem:s10], [sflag:$0x2] =	stream.linear.gather [hbm4b:s23+s24], $0x6400, $0x38;
	[tilespmem:$0x1B9C0] =	vst v63  }
0x55: {  	s11 =	sshrl.u32 s11, $0x3;
	s23 =	sadd.s32 s25, s8;
	s25 =	simm.s32 $0x13000  }
0x56: {  	[tilespmem:s25], [sflag:$0x2] =	stream.linear.gather [hbm4b:s23+s24], $0x6400, $0x38;
	[tilespmem:$0x1B9C0] =	vst v63  }
0x57: {  	s11 =	sadd.s32 s2, s11  }
0x58: {  	[tilespmem:s12], [sflag:$0x2] =	stream.linear.gather [hbm4b:s11+s24], $0x50, $0x38;
	[tilespmem:$0x1B9C0] =	vst v63  }
0x59: {  	s25 =	sadd.s32 $0xA, s11  }
0x5a: {  	[tilespmem:s13], [sflag:$0x2] =	stream.linear.gather [hbm4b:s25+s24], $0x50, $0x38;
	[tilespmem:$0x1B9C0] =	vst v63  }
0x5b: {  	s25 =	sadd.s32 $0x14, s11  }
0x5c: {  	[tilespmem:s14], [sflag:$0x2] =	stream.linear.gather [hbm4b:s25+s24], $0x50, $0x38;
	[tilespmem:$0x1B9C0] =	vst v63  }
0x5d: {  	s25 =	sadd.s32 $0x1E, s11  }
0x5e: {  	[tilespmem:s15], [sflag:$0x2] =	stream.linear.gather [hbm4b:s25+s24], $0x50, $0x38;
	[tilespmem:$0x1B9C0] =	vst v63  }
0x5f: {  	s11 =	sadd.s32 $0x28, s11  }
0x60: {  	[tilespmem:s16], [sflag:$0x2] =	stream.linear.gather [hbm4b:s11+s24], $0x50, $0x38;
	[tilespmem:$0x1B9C0] =	vst v63  }
0x61: {  	_ = 	snop  }
0x62: {  	[spmem:s3] =	stream.indirect.scatter.add.f32 [tilespmem:s24], [sflag:$0x3], $0x80, s26, s21, $0xb8;
	[tilespmem:$0x1B9C0] =	vst v63  }
0x63: {  	_ = 	snop  }
0x64: {  	[spmem:s5] =	stream.indirect.scatter.add.f32 [tilespmem:s22], [sflag:$0x3], $0x1, s26, s21, $0xb8;
	[tilespmem:$0x1B9C0] =	vst v63  }
0x65: {  	s23 =	simm.s32 $0x2800  }
0x66: {  	[spmem:s3] =	stream.indirect.scatter.add.f32 [tilespmem:s23], [sflag:$0x3], $0x80, s28, s21, $0xb8;
	[tilespmem:$0x1B9C0] =	vst v63  }
0x67: {  	_ = 	snop  }
0x68: {  	[spmem:s5] =	stream.indirect.scatter.add.f32 [tilespmem:s22], [sflag:$0x3], $0x1, s28, s21, $0xb8;
	[tilespmem:$0x1B9C0] =	vst v63  }
0x69: {  	s24 =	simm.s32 $0x5000  }
0x6a: {  	[spmem:s3] =	stream.indirect.scatter.add.f32 [tilespmem:s24], [sflag:$0x3], $0x80, s29, s21, $0xb8;
	[tilespmem:$0x1B9C0] =	vst v63  }
0x6b: {  	_ = 	snop  }
0x6c: {  	[spmem:s5] =	stream.indirect.scatter.add.f32 [tilespmem:s22], [sflag:$0x3], $0x1, s29, s21, $0xb8;
	[tilespmem:$0x1B9C0] =	vst v63  }
0x6d: {  	_ = 	snop  }
0x6e: {  	[spmem:s3] =	stream.indirect.scatter.add.f32 [tilespmem:s9], [sflag:$0x3], $0x80, s30, s21, $0xb8;
	[tilespmem:$0x1B9C0] =	vst v63  }
0x6f: {  	_ = 	snop  }
0x70: {  	[spmem:s5] =	stream.indirect.scatter.add.f32 [tilespmem:s22], [sflag:$0x3], $0x1, s30, s21, $0xb8;
	[tilespmem:$0x1B9C0] =	vst v63  }
0x71: {  	_ = 	snop  }
0x72: {  	[spmem:s3] =	stream.indirect.scatter.add.f32 [tilespmem:s4], [sflag:$0x3], $0x80, s31, s21, $0xb8;
	[tilespmem:$0x1B9C0] =	vst v63  }
0x73: {  	s25 =	simm.s32 $0x0  }
0x74: {  	[spmem:s5] =	stream.indirect.scatter.add.f32 [tilespmem:s22], [sflag:$0x3], $0x1, s31, s21, $0xb8;
	[tilespmem:$0x1B9C0] =	vst v63  }
0x75: {  	v10 =	vld [tilespmem:s25+$0x70]  }
0x76: {  	v12 =	vld [tilespmem:s25+$0x0]  }
0x77: {  	v15 =	vld [tilespmem:s25+$0x10]  }
0x78: {  	v13 =	vld [tilespmem:s25+$0x20]  }
0x79: {  	v11 =	vld [tilespmem:s25+$0x30]  }
0x7a: {  	v9 =	vld [tilespmem:s25+$0x40];
	v16 =	vmul.f32 v10, v10  }
0x7b: {  	v10 =	vld [tilespmem:s25+$0x50];
	v14 =	vmul.f32 v12, v12  }
0x7c: {  	s11 =	simm.s32 $0x80;
	v12 =	vld [tilespmem:s25+$0x60];
	s25 =	simm.s32 $0x400;
	v15 =	vmul.f32 v15, v15;
	v8 =	vadd.f32 v16, v8  }
.LBB2_3:
0x7d: {  	p0 =	sne.s32 s25, $0x31E00;
	v16 =	vld [tilespmem:s11+$0x70];
	v7 =	vadd.f32 v14, v7;
	v13 =	vmul.f32 v13, v13  }
0x7e: {  	v14 =	vld [tilespmem:s11+$0x0];
	v5 =	vadd.f32 v15, v5;
	v11 =	vmul.f32 v11, v11  }
0x7f: {  	v15 =	vld [tilespmem:s11+$0x10];
	v6 =	vadd.f32 v13, v6;
	v9 =	vmul.f32 v9, v9  }
.Ltmp0:
0x80: {  	v13 =	vld [tilespmem:s11+$0x20];
	v4 =	vadd.f32 v11, v4;
	v10 =	vmul.f32 v10, v10;
	(pc) =	sbr.rel @p0 .LBB2_3-.Ltmp0, $4  }
0x81: {  	v11 =	vld [tilespmem:s11+$0x30];
	v3 =	vadd.f32 v9, v3;
	v12 =	vmul.f32 v12, v12  }
0x82: {  	v9 =	vld [tilespmem:s11+$0x40];
	v16 =	vmul.f32 v16, v16;
	v2 =	vadd.f32 v10, v2  }
0x83: {  	v14 =	vmul.f32 v14, v14;
	v10 =	vld [tilespmem:s11+$0x50];
	v1 =	vadd.f32 v12, v1  }
0x84: {  	v15 =	vmul.f32 v15, v15;
	v12 =	vld [tilespmem:s11+$0x60];
	s11 =	sshra.s32 s25, $0x2;
	s25 =	sadd.s32 $0x200, s25;
	v8 =	vadd.f32 v16, v8  }
0x85: {  	v16 =	vld [tilespmem:s11+$0x70]  }
0x86: {  	v17 =	vld [tilespmem:s11+$0x0]  }
0x87: {  	v18 =	vld [tilespmem:s11+$0x10]  }
0x88: {  	v19 =	vld [tilespmem:s11+$0x20]  }
0x89: {  	v20 =	vld [tilespmem:s11+$0x30]  }
0x8a: {  	v21 =	vld [tilespmem:s11+$0x40]  }
0x8b: {  	v22 =	vld [tilespmem:s11+$0x50]  }
0x8c: {  	v23 =	vld [tilespmem:s11+$0x60];
	_ =	swait.ge [sflag:s17], $0x2800  }
0x8d: {  	[sflag:s17] =	ssyncset.done $0x0  }
0x8e: {  	[sflag:s17] =	ssyncadd.s32 $0xFFFFD800  }
0x8f: {  	_ =	swait.ge [sflag:s17], $0x50  }
0x90: {  	[sflag:s17] =	ssyncset.done $0x0  }
0x91: {  	[sflag:s17] =	ssyncadd.s32 $0xFFFFFFB0  }
0x92: {  	_ =	swait.ge [sflag:s17], $0x2800  }
0x93: {  	[sflag:s17] =	ssyncset.done $0x0  }
0x94: {  	[sflag:s17] =	ssyncadd.s32 $0xFFFFD800  }
0x95: {  	_ =	swait.ge [sflag:s17], $0x50  }
0x96: {  	[sflag:s17] =	ssyncset.done $0x0  }
0x97: {  	[sflag:s17] =	ssyncadd.s32 $0xFFFFFFB0  }
0x98: {  	_ =	swait.ge [sflag:s17], $0x2800  }
0x99: {  	[sflag:s17] =	ssyncset.done $0x0  }
0x9a: {  	[sflag:s17] =	ssyncadd.s32 $0xFFFFD800  }
0x9b: {  	_ =	swait.ge [sflag:s17], $0x50  }
0x9c: {  	[sflag:s17] =	ssyncset.done $0x0  }
0x9d: {  	[sflag:s17] =	ssyncadd.s32 $0xFFFFFFB0  }
0x9e: {  	_ =	swait.ge [sflag:s17], $0x2800  }
0x9f: {  	[sflag:s17] =	ssyncset.done $0x0  }
0xa0: {  	[sflag:s17] =	ssyncadd.s32 $0xFFFFD800  }
0xa1: {  	_ =	swait.ge [sflag:s17], $0x50  }
0xa2: {  	[sflag:s17] =	ssyncset.done $0x0  }
0xa3: {  	[sflag:s17] =	ssyncadd.s32 $0xFFFFFFB0  }
0xa4: {  	_ =	swait.ge [sflag:s17], $0x2800  }
0xa5: {  	[sflag:s17] =	ssyncset.done $0x0  }
0xa6: {  	[sflag:s17] =	ssyncadd.s32 $0xFFFFD800  }
0xa7: {  	_ =	swait.ge [sflag:s17], $0x50  }
0xa8: {  	[sflag:s17] =	ssyncset.done $0x0  }
0xa9: {  	[sflag:s17] =	ssyncadd.s32 $0xFFFFFFB0  }
0xaa: {  	_ =	swait.ge [sflag:s18], $0xC800  }
0xab: {  	[sflag:s18] =	ssyncset.done $0x0  }
0xac: {  	[sflag:s18] =	ssyncadd.s32 $0xFFFF3800  }
0xad: {  	_ =	swait.ge [sflag:s18], $0x50  }
0xae: {  	[sflag:s18] =	ssyncset.done $0x0  }
0xaf: {  	[sflag:s18] =	ssyncadd.s32 $0xFFFFFFB0  }
0xb0: {  	_ =	swait.ge [sflag:s18], $0x50  }
0xb1: {  	[sflag:s18] =	ssyncset.done $0x0  }
0xb2: {  	[sflag:s18] =	ssyncadd.s32 $0xFFFFFFB0  }
0xb3: {  	_ =	swait.ge [sflag:s18], $0x50  }
0xb4: {  	[sflag:s18] =	ssyncset.done $0x0  }
0xb5: {  	[sflag:s18] =	ssyncadd.s32 $0xFFFFFFB0  }
0xb6: {  	_ =	swait.ge [sflag:s18], $0x50  }
0xb7: {  	[sflag:s18] =	ssyncset.done $0x0  }
0xb8: {  	[sflag:s18] =	ssyncadd.s32 $0xFFFFFFB0  }
0xb9: {  	s0 =	sadd.s32 s0, s20;
	_ =	swait.ge [sflag:s18], $0x50  }
0xba: {  	s25 =	sshll.u32 s0, $0x4;
	[sflag:s18] =	ssyncset.done $0x0  }
0xbb: {  	s24 =	simm.s32 $0x0;
	s23 =	sadd.s32 s1, s25;
	[sflag:s18] =	ssyncadd.s32 $0xFFFFFFB0  }
0xbc: {  	[tilespmem:s24], [sflag:$0x1] =	stream.linear.gather [hbm4b:s23+s24], $0x6400, $0x38;
	[tilespmem:$0x1B9C0] =	vst v63  }
0xbd: {  	s0 =	sshrl.u32 s0, $0x3;
	s11 =	sadd.s32 s25, s8;
	s25 =	simm.s32 $0x6400  }
0xbe: {  	[tilespmem:s25], [sflag:$0x1] =	stream.linear.gather [hbm4b:s11+s24], $0x6400, $0x38;
	[tilespmem:$0x1B9C0] =	vst v63  }
0xbf: {  	s0 =	sadd.s32 s2, s0  }
0xc0: {  	[tilespmem:s26], [sflag:$0x1] =	stream.linear.gather [hbm4b:s0+s24], $0x50, $0x38;
	[tilespmem:$0x1B9C0] =	vst v63  }
0xc1: {  	s23 =	sadd.s32 $0xA, s0  }
0xc2: {  	[tilespmem:s28], [sflag:$0x1] =	stream.linear.gather [hbm4b:s23+s24], $0x50, $0x38;
	[tilespmem:$0x1B9C0] =	vst v63  }
0xc3: {  	s25 =	sadd.s32 $0x14, s0  }
0xc4: {  	[tilespmem:s29], [sflag:$0x1] =	stream.linear.gather [hbm4b:s25+s24], $0x50, $0x38;
	[tilespmem:$0x1B9C0] =	vst v63  }
0xc5: {  	s23 =	sadd.s32 $0x1E, s0  }
0xc6: {  	[tilespmem:s30], [sflag:$0x1] =	stream.linear.gather [hbm4b:s23+s24], $0x50, $0x38;
	[tilespmem:$0x1B9C0] =	vst v63  }
0xc7: {  	s0 =	sadd.s32 $0x28, s0  }
0xc8: {  	[tilespmem:s31], [sflag:$0x1] =	stream.linear.gather [hbm4b:s0+s24], $0x50, $0x38;
	[tilespmem:$0x1B9C0] =	vst v63  }
0xc9: {  	_ = 	snop  }
0xca: {  	[spmem:s3] =	stream.indirect.scatter.add.f32 [tilespmem:s10], [sflag:$0x3], $0x80, s12, s21, $0xb8;
	[tilespmem:$0x1B9C0] =	vst v63  }
0xcb: {  	_ = 	snop  }
0xcc: {  	[spmem:s5] =	stream.indirect.scatter.add.f32 [tilespmem:s22], [sflag:$0x3], $0x1, s12, s21, $0xb8;
	[tilespmem:$0x1B9C0] =	vst v63  }
0xcd: {  	s25 =	simm.s32 $0xF400  }
0xce: {  	[spmem:s3] =	stream.indirect.scatter.add.f32 [tilespmem:s25], [sflag:$0x3], $0x80, s13, s21, $0xb8;
	[tilespmem:$0x1B9C0] =	vst v63  }
0xcf: {  	_ = 	snop  }
0xd0: {  	[spmem:s5] =	stream.indirect.scatter.add.f32 [tilespmem:s22], [sflag:$0x3], $0x1, s13, s21, $0xb8;
	[tilespmem:$0x1B9C0] =	vst v63  }
0xd1: {  	s11 =	simm.s32 $0x11C00  }
0xd2: {  	[spmem:s3] =	stream.indirect.scatter.add.f32 [tilespmem:s11], [sflag:$0x3], $0x80, s14, s21, $0xb8;
	[tilespmem:$0x1B9C0] =	vst v63  }
0xd3: {  	_ = 	snop  }
0xd4: {  	[spmem:s5] =	stream.indirect.scatter.add.f32 [tilespmem:s22], [sflag:$0x3], $0x1, s14, s21, $0xb8;
	[tilespmem:$0x1B9C0] =	vst v63  }
0xd5: {  	s23 =	simm.s32 $0x14400  }
0xd6: {  	[spmem:s3] =	stream.indirect.scatter.add.f32 [tilespmem:s23], [sflag:$0x3], $0x80, s15, s21, $0xb8;
	[tilespmem:$0x1B9C0] =	vst v63  }
0xd7: {  	_ = 	snop  }
0xd8: {  	[spmem:s5] =	stream.indirect.scatter.add.f32 [tilespmem:s22], [sflag:$0x3], $0x1, s15, s21, $0xb8;
	[tilespmem:$0x1B9C0] =	vst v63  }
0xd9: {  	v13 =	vmul.f32 v13, v13;
	s24 =	simm.s32 $0x16C00  }
0xda: {  	v7 =	vadd.f32 v14, v7;
	v11 =	vmul.f32 v11, v11;
	[spmem:s3] =	stream.indirect.scatter.add.f32 [tilespmem:s24], [sflag:$0x3], $0x80, s16, s21, $0xb8;
	[tilespmem:$0x1B9C0] =	vst v63  }
0xdb: {  	v5 =	vadd.f32 v15, v5;
	v6 =	vadd.f32 v13, v6;
	v9 =	vmul.f32 v9, v9;
	s25 =	simm.s32 $0x0  }
0xdc: {  	v4 =	vadd.f32 v11, v4;
	v10 =	vmul.f32 v10, v10;
	v11 =	vmul.f32 v12, v12;
	[spmem:s5] =	stream.indirect.scatter.add.f32 [tilespmem:s22], [sflag:$0x3], $0x1, s16, s21, $0xb8;
	[tilespmem:$0x1B9C0] =	vst v63  }
0xdd: {  	v3 =	vadd.f32 v9, v3;
	v9 =	vmul.f32 v16, v16;
	v12 =	vmul.f32 v17, v17;
	v13 =	vld [tilespmem:s25+$0xCC70]  }
0xde: {  	v14 =	vadd.f32 v10, v2;
	v2 =	vmul.f32 v18, v18;
	v10 =	vmul.f32 v21, v21;
	v16 =	vld [tilespmem:s25+$0xCC00]  }
0xdf: {  	v15 =	vadd.f32 v11, v1;
	v1 =	vadd.f32 v12, v7;
	v7 =	vmul.f32 v19, v19;
	v17 =	vld [tilespmem:s25+$0xCC10]  }
0xe0: {  	v8 =	vadd.f32 v9, v8;
	v2 =	vadd.f32 v2, v5;
	v5 =	vmul.f32 v20, v20;
	v9 =	vld [tilespmem:s25+$0xCC20]  }
0xe1: {  	v62 =	vmul.f32 v23, v23;
	v12 =	vmul.f32 v22, v22;
	v6 =	vadd.f32 v7, v6;
	v11 =	vld [tilespmem:s25+$0xCC30]  }
0xe2: {  	v7 =	vadd.f32 v5, v4;
	v5 =	vadd.f32 v10, v3;
	v10 =	vld [tilespmem:s25+$0xCC40];
	v63 =	vmul.f32 v13, v13  }
0xe3: {  	v3 =	vadd.f32 v12, v14;
	v12 =	vld [tilespmem:s25+$0xCC50];
	v14 =	vmul.f32 v16, v16  }
0xe4: {  	v4 =	vadd.f32 v62, v15;
	s0 =	simm.s32 $0x80;
	s11 =	simm.s32 $0x400;
	v13 =	vld [tilespmem:s25+$0xCC60];
	v15 =	vmul.f32 v17, v17;
	v8 =	vadd.f32 v63, v8  }
.LBB2_5:
0xe5: {  	p0 =	sne.s32 s11, $0x31E00;
	v16 =	vld [tilespmem:s0+$0xCC70];
	v1 =	vadd.f32 v14, v1;
	v9 =	vmul.f32 v9, v9  }
0xe6: {  	v14 =	vld [tilespmem:s0+$0xCC00];
	v2 =	vadd.f32 v15, v2;
	v11 =	vmul.f32 v11, v11  }
0xe7: {  	v15 =	vld [tilespmem:s0+$0xCC10];
	v6 =	vadd.f32 v9, v6;
	v10 =	vmul.f32 v10, v10  }
.Ltmp1:
0xe8: {  	v9 =	vld [tilespmem:s0+$0xCC20];
	v7 =	vadd.f32 v11, v7;
	v12 =	vmul.f32 v12, v12;
	(pc) =	sbr.rel @p0 .LBB2_5-.Ltmp1, $4  }
0xe9: {  	v11 =	vld [tilespmem:s0+$0xCC30];
	v5 =	vadd.f32 v10, v5;
	v13 =	vmul.f32 v13, v13  }
0xea: {  	v10 =	vld [tilespmem:s0+$0xCC40];
	v16 =	vmul.f32 v16, v16;
	v3 =	vadd.f32 v12, v3  }
0xeb: {  	v14 =	vmul.f32 v14, v14;
	v12 =	vld [tilespmem:s0+$0xCC50];
	v4 =	vadd.f32 v13, v4  }
0xec: {  	v15 =	vmul.f32 v15, v15;
	v13 =	vld [tilespmem:s0+$0xCC60];
	s0 =	sshra.s32 s11, $0x2;
	s11 =	sadd.s32 $0x200, s11;
	v8 =	vadd.f32 v16, v8  }
0xed: {  	v16 =	vld [tilespmem:s0+$0xCC70]  }
0xee: {  	v17 =	vld [tilespmem:s0+$0xCC00]  }
0xef: {  	v18 =	vld [tilespmem:s0+$0xCC10]  }
0xf0: {  	v19 =	vld [tilespmem:s0+$0xCC20]  }
0xf1: {  	v20 =	vld [tilespmem:s0+$0xCC30]  }
0xf2: {  	v21 =	vld [tilespmem:s0+$0xCC40]  }
0xf3: {  	v22 =	vld [tilespmem:s0+$0xCC50]  }
0xf4: {  	v23 =	vld [tilespmem:s0+$0xCC60];
	_ =	swait.ge [sflag:s17], $0x2800  }
0xf5: {  	[sflag:s17] =	ssyncset.done $0x0  }
0xf6: {  	[sflag:s17] =	ssyncadd.s32 $0xFFFFD800  }
0xf7: {  	_ =	swait.ge [sflag:s17], $0x50  }
0xf8: {  	[sflag:s17] =	ssyncset.done $0x0  }
0xf9: {  	[sflag:s17] =	ssyncadd.s32 $0xFFFFFFB0  }
0xfa: {  	_ =	swait.ge [sflag:s17], $0x2800  }
0xfb: {  	[sflag:s17] =	ssyncset.done $0x0  }
0xfc: {  	[sflag:s17] =	ssyncadd.s32 $0xFFFFD800  }
0xfd: {  	_ =	swait.ge [sflag:s17], $0x50  }
0xfe: {  	[sflag:s17] =	ssyncset.done $0x0  }
0xff: {  	[sflag:s17] =	ssyncadd.s32 $0xFFFFFFB0  }
0x100: {  	_ =	swait.ge [sflag:s17], $0x2800  }
0x101: {  	[sflag:s17] =	ssyncset.done $0x0  }
0x102: {  	[sflag:s17] =	ssyncadd.s32 $0xFFFFD800  }
0x103: {  	_ =	swait.ge [sflag:s17], $0x50  }
0x104: {  	[sflag:s17] =	ssyncset.done $0x0  }
0x105: {  	[sflag:s17] =	ssyncadd.s32 $0xFFFFFFB0  }
0x106: {  	_ =	swait.ge [sflag:s17], $0x2800  }
0x107: {  	v9 =	vmul.f32 v9, v9;
	[sflag:s17] =	ssyncset.done $0x0  }
0x108: {  	v1 =	vadd.f32 v14, v1;
	v11 =	vmul.f32 v11, v11;
	[sflag:s17] =	ssyncadd.s32 $0xFFFFD800  }
0x109: {  	v2 =	vadd.f32 v15, v2;
	v6 =	vadd.f32 v9, v6;
	v9 =	vmul.f32 v10, v10;
	_ =	swait.ge [sflag:s17], $0x50  }
0x10a: {  	v10 =	vadd.f32 v11, v7;
	v7 =	vmul.f32 v12, v12;
	v11 =	vmul.f32 v13, v13;
	[sflag:s17] =	ssyncset.done $0x0  }
0x10b: {  	s6 =	sadd.s32 $0x1, s6;
	v9 =	vadd.f32 v9, v5;
	v5 =	vmul.f32 v16, v16;
	v61 =	vmul.f32 v17, v17;
	[sflag:s17] =	ssyncadd.s32 $0xFFFFFFB0  }
0x10c: {  	p0 =	sne.s32 s6, $0xC;
	v62 =	vadd.f32 v7, v3;
	v3 =	vmul.f32 v18, v18;
	v63 =	vmul.f32 v23, v23;
	_ =	swait.ge [sflag:s17], $0x2800  }
.Ltmp2:
0x10d: {  	v8 =	vadd.f32 v5, v8;
	v7 =	vadd.f32 v61, v1;
	v1 =	vmul.f32 v19, v19;
	[sflag:s17] =	ssyncset.done $0x0;
	(pc) =	sbr.rel @p0 .LBB2_2-.Ltmp2, $4  }
0x10e: {  	v5 =	vadd.f32 v3, v2;
	v2 =	vmul.f32 v20, v20;
	v3 =	vmul.f32 v21, v21;
	[sflag:s17] =	ssyncadd.s32 $0xFFFFD800  }
0x10f: {  	v11 =	vadd.f32 v11, v4;
	v6 =	vadd.f32 v1, v6;
	v1 =	vmul.f32 v22, v22;
	_ =	swait.ge [sflag:s17], $0x50  }
0x110: {  	v4 =	vadd.f32 v2, v10;
	v3 =	vadd.f32 v3, v9;
	[sflag:s17] =	ssyncset.done $0x0  }
0x111: {  	v2 =	vadd.f32 v1, v62;
	v1 =	vadd.f32 v63, v11;
	[sflag:s17] =	ssyncadd.s32 $0xFFFFFFB0  }
0x112: {  	_ =	swait.ge [sflag:s7], $0xC800  }
0x113: {  	[sflag:s7] =	ssyncset.done $0x0  }
0x114: {  	[sflag:s7] =	ssyncadd.s32 $0xFFFF3800  }
0x115: {  	_ =	swait.ge [sflag:s7], $0x50  }
0x116: {  	[sflag:s7] =	ssyncset.done $0x0  }
0x117: {  	[sflag:s7] =	ssyncadd.s32 $0xFFFFFFB0  }
0x118: {  	_ =	swait.ge [sflag:s7], $0x50  }
0x119: {  	[sflag:s7] =	ssyncset.done $0x0  }
0x11a: {  	[sflag:s7] =	ssyncadd.s32 $0xFFFFFFB0  }
0x11b: {  	_ =	swait.ge [sflag:s7], $0x50  }
0x11c: {  	[sflag:s7] =	ssyncset.done $0x0  }
0x11d: {  	[sflag:s7] =	ssyncadd.s32 $0xFFFFFFB0  }
0x11e: {  	_ =	swait.ge [sflag:s7], $0x50  }
0x11f: {  	[sflag:s7] =	ssyncset.done $0x0  }
0x120: {  	[sflag:s7] =	ssyncadd.s32 $0xFFFFFFB0  }
0x121: {  	_ =	swait.ge [sflag:s7], $0x50  }
0x122: {  	[sflag:s7] =	ssyncset.done $0x0  }
0x123: {  	s0 =	simm.s32 $0x0;
	[sflag:s7] =	ssyncadd.s32 $0xFFFFFFB0  }
0x124: {  	[spmem:s3] =	stream.indirect.scatter.add.f32 [tilespmem:s0], [sflag:$0x3], $0x80, s26, s21, $0xb8;
	[tilespmem:$0x1B9C0] =	vst v63  }
0x125: {  	_ = 	snop  }
0x126: {  	[spmem:s5] =	stream.indirect.scatter.add.f32 [tilespmem:s22], [sflag:$0x3], $0x1, s26, s21, $0xb8;
	[tilespmem:$0x1B9C0] =	vst v63  }
0x127: {  	s24 =	simm.s32 $0x2800  }
0x128: {  	[spmem:s3] =	stream.indirect.scatter.add.f32 [tilespmem:s24], [sflag:$0x3], $0x80, s28, s21, $0xb8;
	[tilespmem:$0x1B9C0] =	vst v63  }
0x129: {  	_ = 	snop  }
0x12a: {  	[spmem:s5] =	stream.indirect.scatter.add.f32 [tilespmem:s22], [sflag:$0x3], $0x1, s28, s21, $0xb8;
	[tilespmem:$0x1B9C0] =	vst v63  }
0x12b: {  	s25 =	simm.s32 $0x5000  }
0x12c: {  	[spmem:s3] =	stream.indirect.scatter.add.f32 [tilespmem:s25], [sflag:$0x3], $0x80, s29, s21, $0xb8;
	[tilespmem:$0x1B9C0] =	vst v63  }
0x12d: {  	_ = 	snop  }
0x12e: {  	[spmem:s5] =	stream.indirect.scatter.add.f32 [tilespmem:s22], [sflag:$0x3], $0x1, s29, s21, $0xb8;
	[tilespmem:$0x1B9C0] =	vst v63  }
0x12f: {  	_ = 	snop  }
0x130: {  	[spmem:s3] =	stream.indirect.scatter.add.f32 [tilespmem:s9], [sflag:$0x3], $0x80, s30, s21, $0xb8;
	[tilespmem:$0x1B9C0] =	vst v63  }
0x131: {  	_ = 	snop  }
0x132: {  	[spmem:s5] =	stream.indirect.scatter.add.f32 [tilespmem:s22], [sflag:$0x3], $0x1, s30, s21, $0xb8;
	[tilespmem:$0x1B9C0] =	vst v63  }
0x133: {  	_ = 	snop  }
0x134: {  	[spmem:s3] =	stream.indirect.scatter.add.f32 [tilespmem:s4], [sflag:$0x3], $0x80, s31, s21, $0xb8;
	[tilespmem:$0x1B9C0] =	vst v63  }
0x135: {  	s11 =	simm.s32 $0x0  }
0x136: {  	[spmem:s5] =	stream.indirect.scatter.add.f32 [tilespmem:s22], [sflag:$0x3], $0x1, s31, s21, $0xb8;
	[tilespmem:$0x1B9C0] =	vst v63  }
0x137: {  	v10 =	vld [tilespmem:s11+$0x70]  }
0x138: {  	v12 =	vld [tilespmem:s11+$0x0]  }
0x139: {  	v15 =	vld [tilespmem:s11+$0x10]  }
0x13a: {  	v13 =	vld [tilespmem:s11+$0x20]  }
0x13b: {  	v11 =	vld [tilespmem:s11+$0x30]  }
0x13c: {  	v9 =	vld [tilespmem:s11+$0x40];
	v16 =	vmul.f32 v10, v10  }
0x13d: {  	v10 =	vld [tilespmem:s11+$0x50];
	v14 =	vmul.f32 v12, v12  }
0x13e: {  	s6 =	simm.s32 $0x400;
	s0 =	simm.s32 $0x80;
	v15 =	vmul.f32 v15, v15;
	v12 =	vld [tilespmem:s11+$0x60];
	v8 =	vadd.f32 v16, v8  }
.LBB2_8:
0x13f: {  	p0 =	sne.s32 s6, $0x31E00;
	v16 =	vld [tilespmem:s0+$0x70];
	v7 =	vadd.f32 v14, v7;
	v13 =	vmul.f32 v13, v13  }
0x140: {  	v14 =	vld [tilespmem:s0+$0x0];
	v5 =	vadd.f32 v15, v5;
	v11 =	vmul.f32 v11, v11  }
0x141: {  	v15 =	vld [tilespmem:s0+$0x10];
	v6 =	vadd.f32 v13, v6;
	v9 =	vmul.f32 v9, v9  }
.Ltmp3:
0x142: {  	v13 =	vld [tilespmem:s0+$0x20];
	v4 =	vadd.f32 v11, v4;
	v10 =	vmul.f32 v10, v10;
	(pc) =	sbr.rel @p0 .LBB2_8-.Ltmp3, $4  }
0x143: {  	v11 =	vld [tilespmem:s0+$0x30];
	v3 =	vadd.f32 v9, v3;
	v12 =	vmul.f32 v12, v12  }
0x144: {  	v9 =	vld [tilespmem:s0+$0x40];
	v16 =	vmul.f32 v16, v16;
	v2 =	vadd.f32 v10, v2  }
0x145: {  	v14 =	vmul.f32 v14, v14;
	v10 =	vld [tilespmem:s0+$0x50];
	v1 =	vadd.f32 v12, v1  }
0x146: {  	v15 =	vmul.f32 v15, v15;
	v12 =	vld [tilespmem:s0+$0x60];
	s0 =	sshra.s32 s6, $0x2;
	s6 =	sadd.s32 $0x200, s6;
	v8 =	vadd.f32 v16, v8  }
0x147: {  	v16 =	vld [tilespmem:s0+$0x70]  }
0x148: {  	v17 =	vld [tilespmem:s0+$0x0]  }
0x149: {  	v18 =	vld [tilespmem:s0+$0x10]  }
0x14a: {  	v19 =	vld [tilespmem:s0+$0x20]  }
0x14b: {  	v20 =	vld [tilespmem:s0+$0x30]  }
0x14c: {  	v21 =	vld [tilespmem:s0+$0x40]  }
0x14d: {  	v22 =	vld [tilespmem:s0+$0x50]  }
0x14e: {  	v23 =	vld [tilespmem:s0+$0x60];
	_ =	swait.ge [sflag:s17], $0x2800  }
0x14f: {  	[sflag:s17] =	ssyncset.done $0x0  }
0x150: {  	[sflag:s17] =	ssyncadd.s32 $0xFFFFD800  }
0x151: {  	_ =	swait.ge [sflag:s17], $0x50  }
0x152: {  	[sflag:s17] =	ssyncset.done $0x0  }
0x153: {  	[sflag:s17] =	ssyncadd.s32 $0xFFFFFFB0  }
0x154: {  	_ =	swait.ge [sflag:s17], $0x2800  }
0x155: {  	[sflag:s17] =	ssyncset.done $0x0  }
0x156: {  	[sflag:s17] =	ssyncadd.s32 $0xFFFFD800  }
0x157: {  	_ =	swait.ge [sflag:s17], $0x50  }
0x158: {  	[sflag:s17] =	ssyncset.done $0x0  }
0x159: {  	[sflag:s17] =	ssyncadd.s32 $0xFFFFFFB0  }
0x15a: {  	v13 =	vmul.f32 v13, v13;
	_ =	swait.ge [sflag:s17], $0x2800  }
0x15b: {  	v7 =	vadd.f32 v14, v7;
	v11 =	vmul.f32 v11, v11;
	[sflag:s17] =	ssyncset.done $0x0  }
0x15c: {  	v5 =	vadd.f32 v15, v5;
	v6 =	vadd.f32 v13, v6;
	v9 =	vmul.f32 v9, v9;
	[sflag:s17] =	ssyncadd.s32 $0xFFFFD800  }
0x15d: {  	v4 =	vadd.f32 v11, v4;
	v10 =	vmul.f32 v10, v10;
	v55 =	vmul.f32 v12, v12;
	_ =	swait.ge [sflag:s17], $0x50  }
0x15e: {  	v3 =	vadd.f32 v9, v3;
	v56 =	vmul.f32 v16, v16;
	v57 =	vmul.f32 v17, v17;
	[sflag:s17] =	ssyncset.done $0x0  }
0x15f: {  	v2 =	vadd.f32 v10, v2;
	v58 =	vmul.f32 v18, v18;
	v59 =	vmul.f32 v19, v19;
	[sflag:s17] =	ssyncadd.s32 $0xFFFFFFB0  }
0x160: {  	v60 =	vmul.f32 v20, v20;
	v61 =	vmul.f32 v21, v21;
	v1 =	vadd.f32 v55, v1;
	_ =	swait.ge [sflag:s17], $0x2800  }
0x161: {  	v62 =	vmul.f32 v22, v22;
	v8 =	vadd.f32 v56, v8;
	v7 =	vadd.f32 v57, v7;
	[sflag:s17] =	ssyncset.done $0x0  }
0x162: {  	v63 =	vmul.f32 v23, v23;
	v5 =	vadd.f32 v58, v5;
	v6 =	vadd.f32 v59, v6;
	[sflag:s17] =	ssyncadd.s32 $0xFFFFD800  }
0x163: {  	v4 =	vadd.f32 v60, v4;
	v3 =	vadd.f32 v61, v3;
	_ =	swait.ge [sflag:s17], $0x50  }
0x164: {  	v2 =	vadd.f32 v62, v2;
	v1 =	vadd.f32 v63, v1;
	[sflag:s17] =	ssyncset.done $0x0  }
0x165: {  	v5 =	vadd.f32 v5, v7;
	v4 =	vadd.f32 v4, v6;
	[sflag:s17] =	ssyncadd.s32 $0xFFFFFFB0  }
0x166: {  	v2 =	vadd.f32 v2, v3;
	v1 =	vadd.f32 v8, v1;
	_ =	swait.ge [sflag:s17], $0x2800  }
0x167: {  	[sflag:s17] =	ssyncset.done $0x0  }
0x168: {  	v3 =	vadd.f32 v4, v5;
	v1 =	vadd.f32 v1, v2;
	[sflag:s17] =	ssyncadd.s32 $0xFFFFD800  }
0x169: {  	_ =	swait.ge [sflag:s17], $0x50  }
0x16a: {  	v1 =	vadd.f32 v1, v3;
	[sflag:s17] =	ssyncset.done $0x0  }
0x16b: {  	[sflag:s17] =	ssyncadd.s32 $0xFFFFFFB0  }
0x16c: {  	s23 =	simm.s32 $0x0;
	s6 =	simm.s32 $0x19880;
	s25 =	rddreg [dreg:$0x11];
	[tilespmem:$0x19880] =	vst v1  }
0x16d: {  	[hbm4b:s25+s23] =	stream.linear.scatter [tilespmem:s6], [sflag:$0x4], $0x10, $0x38;
	[tilespmem:$0x1B9C0] =	vst v63  }
0x16e: {  	s25 =	simm.s32 $0x4  }
0x16f: {  	_ =	swait.ge [sflag:s25], $0x10  }
0x170: {  	[sflag:s25] =	ssyncset.done $0x0  }
0x171: {  	[sflag:s25] =	ssyncadd.s32 $0xFFFFFFF0  }
0x172: {  	[bflag:$0x0] =	sbarrier.arrive $0xFFFF  }
0x173: {  	s11 =	rddreg [dreg:$0xf]  }
0x174: {  	s6 =	rddreg [dreg:$0x12]  }
0x175: {  	s24 =	rddreg [dreg:$0x16]  }
0x176: {  	[hbm:s6], [sflag:s11] =	dma.local [spmem:s24], $0x400  }
0x177: {  	_ =	swait.ge [sflag:s25], $0x400  }
0x178: {  	[sflag:s25] =	ssyncset.done $0x0  }
0x179: {  	s24 =	simm.s32 $0x19900;
	s6 =	rddreg [dreg:$0x10];
	[sflag:s25] =	ssyncadd.s32 $0xFFFFFC00  }
0x17a: {  	[tilespmem:s24], [sflag:$0x4] =	stream.linear.gather [spmem:s6], $0x40, $0x38;
	[tilespmem:$0x1B9C0] =	vst v63  }
0x17b: {  	_ =	swait.ge [sflag:s25], $0x40  }
0x17c: {  	[sflag:s25] =	ssyncset.done $0x0  }
0x17d: {  	s0 =	rddreg [dreg:$0x13];
	[sflag:s25] =	ssyncadd.s32 $0xFFFFFFC0  }
0x17e: {  	[hbm4b:s0+s23] =	stream.linear.scatter [tilespmem:s24], [sflag:$0x4], $0x40, $0x38;
	[tilespmem:$0x1B9C0] =	vst v63  }
0x17f: {  	_ =	swait.ge [sflag:s25], $0x40  }
0x180: {  	s0 =	rddreg [dreg:$0x15]  }
0x181: {  	s24 =	sadd.s32 $0x1, s0;
	s0 =	rddreg [dreg:$0x14]  }
0x182: {  	p0 =	sne.s32 s24, s0  }
.Ltmp4:
0x183: {  	_ = 	snop;
	(pc) =	sbr.rel @p0 .LBB2_1-.Ltmp4, $3  }
0x184: {  	_ =	sdelay $0x1  }
0x185: {  	[sflag:s25] =	ssyncset.done $0x0  }
0x186: {  	[sflag:s25] =	ssyncadd.s32 $0xFFFFFFC0  }
0x187: {  	_ =	sfence.sel $0x180000  }
0x188: {  	[bflag:$0x0] =	sbarrier.arrive $0xFFFF  }
0x189: {  	_ =	strace $0x90000047  }
0x18a: {  	s0 =	stileid.u32;
	[bflag:$0x2] =	sbarrier.arrive $0xFFFF  }
0x18b: {  	p0 =	sne.s32 s0, $0x0;
	s0 =	rddreg [dreg:$0x5]  }
0x18c: {  	s0 =	sadd.s32 @!p0 $0x100000, s0  }
0x18d: {  	[sflag:s0] =	ssyncadd.tile.s32 @!p0 $0x1;
	_ =	shalt  }
.Lfunc_end2:
_tile_overlayer_lowered:
.L_overlay_start_2:
0x18e: {  	(tag) =	ssettag $0x2  }
0x18f: {  	s0 =	rddreg [dreg:$0x0];
	s2 =	stileid.u32  }
0x190: {  	s1 =	rddreg [dreg:$0x1];
	p0 =	sne.s32 s2, $0x0  }
0x191: {  	s3 =	rddreg [dreg:$0x2];
	[bflag:$0x3] =	sbarrier.arrive $0xFFFF;
	s2 =	simm.s32 @!p0 $0x1C04  }
0x192: {  	[timem:s3], [sflag:s2] =	dma.local @!p0 [hbm:s0], s1  }
0x193: {  	s0 =	simm.s32 @!p0 $0x4  }
0x194: {  	_ =	swait.ge @!p0 [sflag:s0], s1  }
0x195: {  	s1 =	ssub.s32 @!p0 $0x0, s1;
	[sflag:s0] =	ssyncset.done @!p0 $0x0  }
0x196: {  	[sflag:s0] =	ssyncadd.s32 @!p0 s1  }
0x197: {  	[bflag:$0x3] =	sbarrier.arrive $0xFFFF  }
0x198: {  	_ =	shalt  }

</sc_bundles>
